<compile_context>
chip_gen: v7x
topology: tpu7x:2x2x1
jax: 0.10.2.dev20260603
libtpu: 0.0.44.dev20260713+nightly
codegen_flags: <defaults>
</compile_context>

<pallas_src>
import functools

import jax
import jax.numpy as jnp
from jax import lax
from jax.experimental import pallas as pl
from jax.experimental.pallas import tpu as pltpu
from jax.experimental.pallas import tpu_sc as plsc

N = 10000
E = 320000
NODE_F = 128
EDGE_F = 16
HID = 64
B = 10
NPG = 1000

NPART = 1
EH = E // NPART

NC = 2
NS = 16
NW = NC * NS
KH = 1000
RPT = N // NS

_F32 = jnp.float32


def _ln(v):
    m = jnp.mean(v, axis=-1, keepdims=True)
    var = jnp.mean((v - m) ** 2, axis=-1, keepdims=True)
    return (v - m) / jnp.sqrt(var + 1e-5)


def _mm(a, b):
    return jnp.dot(a, b, preferred_element_type=_F32)



def _gather_body(ne, kg, hA, hB, srcI, dstI, chain, g1,
                 sidx, didx, r1, s1, s2):
    del chain
    cid = lax.axis_index("c")
    sid = lax.axis_index("s")
    wid = sid * NC + cid
    epw = ne // NW
    base = wid * epw

    def chunk(c, carry):
        off = pl.multiple_of(base + c * kg, 8)
        pltpu.sync_copy(srcI.at[pl.ds(off, kg)], sidx)
        pltpu.sync_copy(dstI.at[pl.ds(off, kg)], didx)
        pltpu.async_copy(hA.at[sidx], r1, s1).wait()
        pltpu.async_copy(hB.at[didx], r1, s2, add=True).wait()
        pltpu.sync_copy(r1, g1.at[pl.ds(off, kg)])
        return carry

    lax.fori_loop(0, epw // kg, chunk, 0)


@functools.cache
def _sc_gather(ne, kg):
    return pl.kernel(
        functools.partial(_gather_body, ne, kg),
        out_type=[jax.ShapeDtypeStruct((ne, HID), _F32)],
        mesh=plsc.VectorSubcoreMesh(
            core_axis_name="c", subcore_axis_name="s",
            num_cores=NC, num_subcores=NS,
        ),
        scratch_types=[
            pltpu.VMEM((kg,), jnp.int32),
            pltpu.VMEM((kg,), jnp.int32),
            pltpu.VMEM((kg, HID), _F32),
            pltpu.SemaphoreType.DMA,
            pltpu.SemaphoreType.DMA,
        ],
        compiler_params=pltpu.CompilerParams(use_tc_tiling_on_sc=False),
    )


def _scatter_body(with_deg, ne, ks, eNew, dstI, init64, init16, chain,
                  accp, degp, didx, rows, ones, accS, degS):
    del chain
    cid = lax.axis_index("c")
    sid = lax.axis_index("s")
    wid = sid * NC + cid
    epw = ne // NW
    base = wid * epw
    rbase = sid * RPT

    pltpu.sync_copy(init64.at[pl.ds(cid * N + rbase, RPT)],
                    accS.at[pl.ds(rbase, RPT)])
    if with_deg:
        pltpu.sync_copy(init16.at[pl.ds(cid * N + rbase, RPT)],
                        degS.at[pl.ds(rbase, RPT)])
        onevec = jnp.where(lax.iota(jnp.int32, 16) == 0,
                           jnp.full((16,), 1.0, _F32),
                           jnp.full((16,), 0.0, _F32))

        def fill(i, carry):
            ones[i, :] = onevec
            return carry

        lax.fori_loop(0, ks, fill, 0)
    plsc.subcore_barrier()

    def chunk(c, carry):
        off = pl.multiple_of(base + c * ks, 8)
        pltpu.sync_copy(dstI.at[pl.ds(off, ks)], didx)
        pltpu.sync_copy(eNew.at[pl.ds(off, ks)], rows)
        pltpu.sync_copy(rows, accS.at[didx], add=True)
        if with_deg:
            pltpu.sync_copy(ones, degS.at[didx], add=True)
        return carry

    lax.fori_loop(0, epw // ks, chunk, 0)
    plsc.subcore_barrier()

    pltpu.sync_copy(accS.at[pl.ds(rbase, RPT)],
                    accp.at[pl.ds(cid * N + rbase, RPT)])
    if with_deg:
        pltpu.sync_copy(degS.at[pl.ds(rbase, RPT)],
                        degp.at[pl.ds(cid * N + rbase, RPT)])


@functools.cache
def _make_scatter(with_deg, ne, ks):
    return pl.kernel(
        functools.partial(_scatter_body, with_deg, ne, ks),
        out_type=[
            jax.ShapeDtypeStruct((2 * N, HID), _F32),
            jax.ShapeDtypeStruct((2 * N, 16), _F32),
        ],
        mesh=plsc.VectorSubcoreMesh(
            core_axis_name="c", subcore_axis_name="s",
            num_cores=NC, num_subcores=NS,
        ),
        scratch_types=[
            pltpu.VMEM((ks,), jnp.int32),
            pltpu.VMEM((ks, HID), _F32),
            pltpu.VMEM((ks, 16), _F32),
            pltpu.VMEM_SHARED((N, HID), _F32),
            pltpu.VMEM_SHARED((N, 16), _F32),
        ],
        compiler_params=pltpu.CompilerParams(use_tc_tiling_on_sc=False),
    )



BLKN = 2000
BLKE = 4000
NBEH = EH // BLKE


def _node0_body(x_ref, w_ref, b_ref, a_ref, bw_ref, u_ref, d_ref, nc_ref,
                h_ref, hA_ref, hB_ref, ud_ref, un_ref):
    h = jax.nn.relu(_mm(x_ref[...], w_ref[...]) + b_ref[...])
    h_ref[...] = h
    hA_ref[...] = _mm(h, a_ref[...])
    hB_ref[...] = _mm(h, bw_ref[...])

    @pl.when(pl.program_id(0) == 0)
    def _():
        ud_ref[...] = _mm(u_ref[...], d_ref[...])
        un_ref[...] = _mm(u_ref[...], nc_ref[...])


def _node0(x, wnp, bnp, A1, B1, u0, D1, n1c1):
    full = lambda s: pl.BlockSpec(s, lambda i: (0,) * len(s))
    return pl.pallas_call(
        _node0_body,
        grid=(N // BLKN,),
        in_specs=[
            pl.BlockSpec((BLKN, NODE_F), lambda i: (i, 0)),
            full((NODE_F, HID)), full((1, HID)),
            full((HID, HID)), full((HID, HID)),
            full((B, HID)), full((HID, HID)), full((HID, HID)),
        ],
        out_specs=[pl.BlockSpec((BLKN, HID), lambda i: (i, 0))] * 3
                  + [full((B, HID))] * 2,
        out_shape=[jax.ShapeDtypeStruct((N, HID), _F32)] * 3
                  + [jax.ShapeDtypeStruct((B, HID), _F32)] * 2,
    )(x, wnp, bnp, A1, B1, u0, D1, n1c1)


def _edge_body(first, g1_ref, ep_ref, src_ref, wep_ref, bep_ref,
               c_ref, ud_ref, b1_ref, w2_ref, b2_ref,
               e_ref, mep_ref, epg_ref):
    i = pl.program_id(0)
    srcv = src_ref[0]
    g = srcv // NPG
    oneh = (g == lax.broadcasted_iota(jnp.int32, (BLKE, B), 1)).astype(_F32)
    if first:
        e0 = jax.nn.relu(_mm(ep_ref[...], wep_ref[...]) + bep_ref[...])
    else:
        e0 = ep_ref[...]
    t = (g1_ref[...] + _mm(e0, c_ref[...])
         + _mm(oneh, ud_ref[...]) + b1_ref[...])
    z = jax.nn.relu(t)
    e_new = _ln(_mm(z, w2_ref[...]) + b2_ref[...])
    e_ref[...] = e_new

    @pl.when(i == 0)
    def _():
        mep_ref[...] = jnp.zeros_like(mep_ref)
        epg_ref[...] = jnp.zeros_like(epg_ref)

    mep_ref[...] += lax.dot_general(oneh, e_new, (((0,), (0,)), ((), ())),
                                    preferred_element_type=_F32)
    epg_ref[...] += jnp.sum(oneh, axis=0)[:, None]


def _edge_pass(first, g1, eprev, src3d, wep, bep, C, uD, b1, w2, b2):
    full = lambda s: pl.BlockSpec(s, lambda i: (0,) * len(s))
    ep_spec = (pl.BlockSpec((BLKE, EDGE_F), lambda i: (i, 0)) if first
               else pl.BlockSpec((BLKE, HID), lambda i: (i, 0)))
    return pl.pallas_call(
        functools.partial(_edge_body, first),
        grid=(NBEH,),
        in_specs=[
            pl.BlockSpec((BLKE, HID), lambda i: (i, 0)),
            ep_spec,
            pl.BlockSpec((1, BLKE, 1), lambda i: (i, 0, 0)),
            full((EDGE_F, HID)), full((1, HID)),
            full((HID, HID)), full((B, HID)), full((1, HID)),
            full((HID, HID)), full((1, HID)),
        ],
        out_specs=[
            pl.BlockSpec((BLKE, HID), lambda i: (i, 0)),
            full((B, HID)),
            full((B, 1)),
        ],
        out_shape=[
            jax.ShapeDtypeStruct((EH, HID), _F32),
            jax.ShapeDtypeStruct((B, HID), _F32),
            jax.ShapeDtypeStruct((B, 1), _F32),
        ],
    )(g1, eprev, src3d, wep, bep, C, uD, b1, w2, b2)


def _node_body(last, h_ref, p00, p01, d00, d01, un_ref,
               n1a_ref, n1b_ref, bn1_ref, n2_ref, bn2_ref,
               wa_ref, wb_ref, ba_ref, bb_ref,
               o1_ref, o2_ref, o3_ref, mx_ref):
    deg = jnp.maximum(d00[:, 0:1] + d01[:, 0:1], 1.0)
    agg = (p00[...] + p01[...]) / deg
    t = (_mm(h_ref[...], n1a_ref[...]) + _mm(agg, n1b_ref[...])
         + un_ref[0] + bn1_ref[...])
    hn = _ln(_mm(jax.nn.relu(t), n2_ref[...]) + bn2_ref[...])
    mx_ref[0, 0, :] = jnp.sum(hn, axis=0) / float(NPG)
    if last:
        q = jax.nn.relu(_mm(hn, wa_ref[...]) + ba_ref[...])
        o1_ref[...] = _mm(q, wb_ref[...]) + bb_ref[...]
        o2_ref[...] = hn
        o3_ref[...] = hn
    else:
        o1_ref[...] = hn
        o2_ref[...] = _mm(hn, wa_ref[...])
        o3_ref[...] = _mm(hn, wb_ref[...])


def _node_pass(last, h, ps, ds, uN, n1a, n1b, bn1, n2, bn2, wa, wb, ba, bb):
    full = lambda s: pl.BlockSpec(s, lambda i: (0,) * len(s))
    nblk = lambda w: pl.BlockSpec((NPG, w), lambda i: (i, 0))
    o1_shape = ((N, 1) if last else (N, HID))
    o1_spec = (pl.BlockSpec((NPG, 1), lambda i: (i, 0)) if last
               else pl.BlockSpec((NPG, HID), lambda i: (i, 0)))
    return pl.pallas_call(
        functools.partial(_node_body, last),
        grid=(B,),
        in_specs=[
            nblk(HID), nblk(HID), nblk(HID),
            nblk(16), nblk(16),
            pl.BlockSpec((1, 1, HID), lambda i: (i, 0, 0)),
            full((HID, HID)), full((HID, HID)), full((1, HID)),
            full((HID, HID)), full((1, HID)),
            full((HID, HID)), full((HID, 1 if last else HID)),
            full((1, HID)), full((1, 1 if last else HID)),
        ],
        out_specs=[
            o1_spec,
            pl.BlockSpec((NPG, HID), lambda i: (i, 0)),
            pl.BlockSpec((NPG, HID), lambda i: (i, 0)),
            pl.BlockSpec((1, 1, HID), lambda i: (i, 0, 0)),
        ],
        out_shape=[
            jax.ShapeDtypeStruct(o1_shape, _F32),
            jax.ShapeDtypeStruct((N, HID), _F32),
            jax.ShapeDtypeStruct((N, HID), _F32),
            jax.ShapeDtypeStruct((B, 1, HID), _F32),
        ],
    )(h, *ps, *ds, uN, n1a, n1b, bn1, n2, bn2, wa, wb, ba, bb)


def _glue0_body(u_ref, d_ref, nc_ref, ud_ref, un_ref):
    ud_ref[...] = _mm(u_ref[...], d_ref[...])
    un_ref[...] = _mm(u_ref[...], nc_ref[...])


def _glue0(u0, D1, n1c1):
    return pl.pallas_call(
        _glue0_body,
        out_shape=[jax.ShapeDtypeStruct((B, HID), _F32)] * 2,
    )(u0, D1, n1c1)


def _glue_body(last, u_ref, mx_ref, mepa_ref, mepb_ref, epga_ref, epgb_ref,
               u1a_ref, u1b_ref, u1c_ref, bu1_ref, u2_ref, bu2_ref,
               wa_ref, wb_ref, ba_ref, bb_ref,
               uo_ref, o1_ref, o2_ref):
    me = ((mepa_ref[...] + mepb_ref[...])
          / jnp.maximum(epga_ref[...] + epgb_ref[...], 1.0))
    t = (_mm(u_ref[...], u1a_ref[...]) + _mm(mx_ref[...], u1b_ref[...])
         + _mm(me, u1c_ref[...]) + bu1_ref[...])
    un = _ln(_mm(jax.nn.relu(t), u2_ref[...]) + bu2_ref[...])
    uo_ref[...] = un
    if last:
        q = jax.nn.relu(_mm(un, wa_ref[...]) + ba_ref[...])
        o1_ref[...] = _mm(q, wb_ref[...]) + bb_ref[...]
        o2_ref[...] = un
    else:
        o1_ref[...] = _mm(un, wa_ref[...])
        o2_ref[...] = _mm(un, wb_ref[...])


def _glue(last, u, mx, mepa, mepb, epga, epgb,
          u1a, u1b, u1c, bu1, u2, bu2, wa, wb, ba, bb):
    o1w = 1 if last else HID
    return pl.pallas_call(
        functools.partial(_glue_body, last),
        out_shape=[
            jax.ShapeDtypeStruct((B, HID), _F32),
            jax.ShapeDtypeStruct((B, o1w), _F32),
            jax.ShapeDtypeStruct((B, HID), _F32),
        ],
    )(u, mx, mepa, mepb, epga, epgb, u1a, u1b, u1c, bu1, u2, bu2,
      wa, wb, ba, bb)


def _head_body(lg_ref, m_ref, a_ref, lp_ref, ent_ref):
    lg = jnp.where(m_ref[...] > 0, lg_ref[...], -jnp.inf)
    mx = jnp.max(lg, axis=1, keepdims=True)
    ex = jnp.exp(lg - mx)
    lse = mx + jnp.log(jnp.sum(ex, axis=1, keepdims=True))
    logp = lg - lse
    ids = lax.broadcasted_iota(jnp.int32, (B, NPG), 1)
    sel = ids == a_ref[...]
    lp_ref[...] = jnp.sum(jnp.where(sel, logp, 0.0), axis=1, keepdims=True)
    pr = jnp.exp(logp)
    ent_ref[...] = -jnp.sum(jnp.where(pr > 0, pr * logp, 0.0),
                            axis=1, keepdims=True)


def _head(logits, maskf, act2d):
    return pl.pallas_call(
        _head_body,
        out_shape=[jax.ShapeDtypeStruct((B, 1), _F32)] * 2,
    )(logits, maskf, act2d)



def _layer(first, hA, hB, eprev_h, srch, dsth, src3dh, z64f, z16f, sc_tok,
           wep, bep, C, uD, b1, w2, b2):
    g0 = _sc_gather(EH, KH)(hA, hB, srch[0], dsth[0], sc_tok)[0]
    eo0 = _edge_pass(first, g0, eprev_h[0], src3dh[0],
                     wep, bep, C, uD, b1, w2, b2)
    sc = _make_scatter(first, EH, KH)
    acc0, deg0 = sc(eo0[0], dsth[0], z64f, z16f, g0[:8])
    ps = [acc0[:N], acc0[N:]]
    degs = [deg0[:N], deg0[N:]]
    return (eo0, eo0), ps, degs, acc0[:8]


def kernel(x, edge_index, edge_attr, batch, mask, actions, params):
    src = edge_index[0]
    dst = edge_index[1]
    srch = [src[p * EH:(p + 1) * EH] for p in range(NPART)]
    dsth = [dst[p * EH:(p + 1) * EH] for p in range(NPART)]
    src3dh = [srch[p].reshape(NBEH, BLKE, 1) for p in range(NPART)]
    eah = [edge_attr[p * EH:(p + 1) * EH] for p in range(NPART)]

    lp1, lp2 = params['layers'][0], params['layers'][1]
    A1, B1, C1, D1 = (lp1['e1'][0][k * HID:(k + 1) * HID] for k in range(4))
    A2, B2, C2, D2 = (lp2['e1'][0][k * HID:(k + 1) * HID] for k in range(4))
    n1a1, n1b1, n1c1 = (lp1['n1'][0][k * HID:(k + 1) * HID] for k in range(3))
    n1a2, n1b2, n1c2 = (lp2['n1'][0][k * HID:(k + 1) * HID] for k in range(3))
    u1a1, u1b1, u1c1 = (lp1['u1'][0][k * HID:(k + 1) * HID] for k in range(3))
    u1a2, u1b2, u1c2 = (lp2['u1'][0][k * HID:(k + 1) * HID] for k in range(3))
    r2 = lambda v: v.reshape(1, -1)

    u0 = jnp.tile(params['init_u'], (B, 1))
    z64f = jnp.zeros((2 * N, HID), _F32)
    z16f = jnp.zeros((2 * N, 16), _F32)

    h0, hA1, hB1, uD1, uN1 = _node0(x, params['node_proc'][0],
                                    r2(params['node_proc'][1]),
                                    A1, B1, u0, D1, n1c1)

    eo1, ps1, dg1, tok1 = _layer(True, hA1, hB1, eah, srch, dsth, src3dh,
                                 z64f, z16f, z64f[:8],
                                 params['edge_proc'][0],
                                 r2(params['edge_proc'][1]),
                                 C1, uD1, r2(lp1['e1'][1]),
                                 lp1['e2'][0], r2(lp1['e2'][1]))
    h1, hA2, hB2, mx1 = _node_pass(False, h0, ps1, dg1,
                                   uN1.reshape(B, 1, HID),
                                   n1a1, n1b1, r2(lp1['n1'][1]),
                                   lp1['n2'][0], r2(lp1['n2'][1]),
                                   A2, B2, r2(lp1['n2'][1]),
                                   r2(lp1['n2'][1]))
    u1, uD2, uN2 = _glue(False, u0, mx1.reshape(B, HID),
                         eo1[0][1], eo1[1][1], eo1[0][2], eo1[1][2],
                         u1a1, u1b1, u1c1, r2(lp1['u1'][1]),
                         lp1['u2'][0], r2(lp1['u2'][1]),
                         D2, n1c2, r2(lp1['u2'][1]), r2(lp1['u2'][1]))

    e1h = [eo1[p][0] for p in range(NPART)]
    eo2, ps2, _dg2, _tok2 = _layer(False, hA2, hB2, e1h, srch, dsth, src3dh,
                                   z64f, z16f, tok1,
                                   params['edge_proc'][0],
                                   r2(params['edge_proc'][1]),
                                   C2, uD2, r2(lp2['e1'][1]),
                                   lp2['e2'][0], r2(lp2['e2'][1]))
    logits_col, _ph1, _ph2, mx2 = _node_pass(
        True, h1, ps2, dg1, uN2.reshape(B, 1, HID),
        n1a2, n1b2, r2(lp2['n1'][1]), lp2['n2'][0], r2(lp2['n2'][1]),
        params['a1'][0], params['a2'][0], r2(params['a1'][1]),
        r2(params['a2'][1]))
    value, _vph = _glue(True, u1, mx2.reshape(B, HID),
                        eo2[0][1], eo2[1][1], eo2[0][2], eo2[1][2],
                        u1a2, u1b2, u1c2, r2(lp2['u1'][1]),
                        lp2['u2'][0], r2(lp2['u2'][1]),
                        params['c1'][0], params['c2'][0],
                        r2(params['c1'][1]), r2(params['c2'][1]))[1:]

    logits = logits_col.reshape(B, NPG)
    lp, ent = _head(logits, mask.astype(_F32), actions.reshape(B, 1))
    return (actions, lp.reshape(B), ent.reshape(B), value)

# --- scband reference (transcript-rebuilt; emitter-appended) ---
"""Pipeline reference for scband-gnn-31104153158134 (READ-ONLY COPY).

The authoritative reference and input builder live on the scoring server;
editing this copy changes nothing except your own understanding.
"""

import jax, jax.numpy as jnp
import numpy as np

N = 10000
E = 320000
NODE_F = 128
EDGE_F = 16
HIDDEN = 64
LAYERS = 2
B = 10
NPG = N // B

def _lin(key, fi, fo):
    w = jax.random.normal(key, (fi, fo), jnp.float32) * (1.0 / np.sqrt(fi))
    b = jnp.zeros((fo,), jnp.float32)
    return (w, b)

def _make_params(key):
    ks = list(jax.random.split(key, 7 + 6 * LAYERS))
    it = iter(ks)
    p = {}
    p['node_proc'] = _lin(next(it), NODE_F, HIDDEN)
    p['edge_proc'] = _lin(next(it), EDGE_F, HIDDEN)
    p['init_u'] = jax.random.normal(next(it), (1, HIDDEN), jnp.float32) * 0.1
    p['layers'] = [{'e1': _lin(next(it), 4 * HIDDEN, HIDDEN), 'e2': _lin(next(it), HIDDEN, HIDDEN), 'n1': _lin(next(it), 3 * HIDDEN, HIDDEN), 'n2': _lin(next(it), HIDDEN, HIDDEN), 'u1': _lin(next(it), 3 * HIDDEN, HIDDEN), 'u2': _lin(next(it), HIDDEN, HIDDEN)} for _ in range(LAYERS)]
    p['a1'] = _lin(next(it), HIDDEN, HIDDEN)
    p['a2'] = _lin(next(it), HIDDEN, 1)
    p['c1'] = _lin(next(it), HIDDEN, HIDDEN)
    p['c2'] = _lin(next(it), HIDDEN, 1)
    return p

def _ln(v):
    m = v.mean(-1, keepdims=True)
    var = ((v - m) ** 2).mean(-1, keepdims=True)
    return (v - m) / jnp.sqrt(var + 1e-5)

def _mlp2(v, l1, l2):
    return _ln(jax.nn.relu(v @ l1[0] + l1[1]) @ l2[0] + l2[1])

def _forward(x, edge_attr, params, edge_index, batch, mask, actions):
    src = edge_index[0]
    dst = edge_index[1]
    h = jax.nn.relu(x @ params['node_proc'][0] + params['node_proc'][1])
    e = jax.nn.relu(edge_attr @ params['edge_proc'][0] + params['edge_proc'][1])
    u = jnp.tile(params['init_u'], (B, 1))
    batch_e = batch[src]
    ones_e = jnp.ones((E,), jnp.float32)
    deg = jnp.maximum(jax.ops.segment_sum(ones_e, dst, N), 1.0)[:, None]
    epg = jnp.maximum(jax.ops.segment_sum(ones_e, batch_e, B), 1.0)[:, None]
    for lp in params['layers']:
        e_in = jnp.concatenate([h[src], h[dst], e, u[batch_e]], axis=-1)
        e = _mlp2(e_in, lp['e1'], lp['e2'])
        agg = jax.ops.segment_sum(e, dst, N) / deg
        h = _mlp2(jnp.concatenate([h, agg, u[batch]], axis=-1), lp['n1'], lp['n2'])
        mean_x = jax.ops.segment_sum(h, batch, B) / float(NPG)
        mean_e = jax.ops.segment_sum(e, batch_e, B) / epg
        u = _mlp2(jnp.concatenate([u, mean_x, mean_e], axis=-1), lp['u1'], lp['u2'])
    logits = (jax.nn.relu(h @ params['a1'][0] + params['a1'][1]) @ params['a2'][0] + params['a2'][1]).reshape(B, -1)
    logits = jnp.where(mask, logits, -jnp.inf)
    logp = jax.nn.log_softmax(logits, axis=-1)
    logprobs = jnp.take_along_axis(logp, actions[:, None], axis=1)[:, 0]
    pr = jnp.exp(logp)
    entropy = -jnp.sum(jnp.where(pr > 0, pr * logp, 0.0), axis=-1)
    value = jax.nn.relu(u @ params['c1'][0] + params['c1'][1]) @ params['c2'][0] + params['c2'][1]
    return (actions, logprobs, entropy, value)

def setup_inputs(seed: int = 0):
    key = jax.random.key(seed)
    ks = jax.random.split(key, 8)
    x = jax.random.normal(ks[0], (N, NODE_F), jnp.float32)
    g = jax.random.randint(ks[1], (E,), 0, B)
    src = g * NPG + jax.random.randint(ks[2], (E,), 0, NPG)
    dst = g * NPG + jax.random.randint(ks[3], (E,), 0, NPG)
    edge_index = jnp.stack([src, dst]).astype(jnp.int32)
    edge_attr = jax.random.normal(ks[4], (E, EDGE_F), jnp.float32)
    batch = jnp.repeat(jnp.arange(B, dtype=jnp.int32), NPG)
    mask = jnp.ones((B, NPG), dtype=bool)
    actions = jax.random.randint(ks[5], (B,), 0, NPG, dtype=jnp.int32)
    params = _make_params(ks[6])
    return {'x': x, 'edge_index': edge_index, 'edge_attr': edge_attr, 'batch': batch, 'mask': mask, 'actions': actions, 'params': params}

def reference(x, edge_index, edge_attr, batch, mask, actions, params):
    return _forward(x, edge_attr, params, edge_index, batch, mask, actions)

if __name__ == "__main__":
    import jax
    _d = setup_inputs()
    print(jax.jit(kernel)(*tuple(_d.values())))

</pallas_src>

<mosaic_0001>
#map = affine_map<(d0, d1) -> (0, 0)>
#map1 = affine_map<(d0, d1) -> (0)>
module attributes {stable_mosaic.version = 14 : i64} {
  func.func @_scatter_body(%arg0: i32, %arg1: i32, %arg2: memref<320000x64xf32, #tpu.memory_space<hbm>>, %arg3: memref<320000xi32, #tpu.memory_space<hbm>>, %arg4: memref<20000x64xf32, #tpu.memory_space<hbm>>, %arg5: memref<20000x16xf32, #tpu.memory_space<hbm>>, %arg6: memref<8x64xf32, #tpu.memory_space<hbm>>, %arg7: memref<20000x64xf32, #tpu.memory_space<hbm>>, %arg8: memref<20000x16xf32, #tpu.memory_space<hbm>>, %arg9: memref<1000xi32, #tpu.memory_space<vmem>>, %arg10: memref<1000x64xf32, #tpu.memory_space<vmem>>, %arg11: memref<1000x16xf32, #tpu.memory_space<vmem>>, %arg12: memref<10000x64xf32, #tpu.memory_space<vmem_shared>>, %arg13: memref<10000x16xf32, #tpu.memory_space<vmem_shared>>) attributes {dimension_semantics = [#tpu.dimension_semantics<core_parallel>, #tpu.dimension_semantics<subcore_parallel>], iteration_bounds = array<i64: 2, 16>, scalar_prefetch = 0 : i64, scratch_operands = 5 : i64, tpu.core_type = #tpu.core_type<sc_vector_subcore>, window_params = [{transform_indices = #map}, {transform_indices = #map1}, {transform_indices = #map}, {transform_indices = #map}, {transform_indices = #map}, {transform_indices = #map}, {transform_indices = #map}]} {
    %mul3A = arith.constant 2 : i32
    %mul3A_0 = arith.muli %arg1, %mul3A : i32
    %add3A = arith.addi %mul3A_0, %arg0 : i32
    %mul3A_1 = arith.constant 10000 : i32
    %mul3A_2 = arith.muli %add3A, %mul3A_1 : i32
    %mul3A_3 = arith.constant 625 : i32
    %mul3A_4 = arith.muli %arg1, %mul3A_3 : i32
    %mul3A_5 = arith.constant 10000 : i32
    %mul3A_6 = arith.muli %arg0, %mul3A_5 : i32
    %add3A_7 = arith.addi %mul3A_6, %mul3A_4 : i32
    "tpu.region"() ({
      %run_scoped3A = tpu.sem_alloc : memref<!tpu.dma_semaphore, #tpu.memory_space<semaphore_mem>>
      %dma_start3A = arith.constant 0 : i32
      %dma_start3A_17 = tpu.memref_slice %arg12[%mul3A_4, %dma_start3A] : memref<10000x64xf32, #tpu.memory_space<vmem_shared>> -> memref<625x64xf32, #tpu.memory_space<vmem_shared>>
      %dma_start3A_18 = arith.constant 0 : i32
      %dma_start3A_19 = tpu.memref_slice %arg4[%add3A_7, %dma_start3A_18] : memref<20000x64xf32, #tpu.memory_space<hbm>> -> memref<625x64xf32, #tpu.memory_space<hbm>>
      tpu.enqueue_dma source(%dma_start3A_19 : memref<625x64xf32, #tpu.memory_space<hbm>>) target(%dma_start3A_17 : memref<625x64xf32, #tpu.memory_space<vmem_shared>>) target_semaphore(%run_scoped3A : memref<!tpu.dma_semaphore, #tpu.memory_space<semaphore_mem>>)
      %dma_wait3A = arith.constant 0 : i32
      %dma_wait3A_20 = tpu.memref_slice %arg12[%mul3A_4, %dma_wait3A] : memref<10000x64xf32, #tpu.memory_space<vmem_shared>> -> memref<625x64xf32, #tpu.memory_space<vmem_shared>>
      %dma_wait3A_21 = arith.constant 0 : i32
      %dma_wait3A_22 = tpu.memref_slice %arg4[%add3A_7, %dma_wait3A_21] : memref<20000x64xf32, #tpu.memory_space<hbm>> -> memref<625x64xf32, #tpu.memory_space<hbm>>
      tpu.wait_dma2 semaphore(%run_scoped3A : memref<!tpu.dma_semaphore, #tpu.memory_space<semaphore_mem>>) src(%dma_wait3A_22 : memref<625x64xf32, #tpu.memory_space<hbm>>) dst(%dma_wait3A_20 : memref<625x64xf32, #tpu.memory_space<vmem_shared>>)
      tpu.yield
    }) : () -> ()
    %barrier3A = arith.constant 0 : index
    tpu.barrier barrier_id(%barrier3A)
    %scan3A = arith.constant 0 : i32
    %scan3A_8 = arith.constant 0 : i32
    %scan3A_9 = arith.constant 10 : i32
    %scan3A_10 = arith.addi %scan3A_8, %scan3A_9 : i32
    %scan3A_11 = arith.constant 1 : i32
    scf.for %scan3A_17 = %scan3A_8 to %scan3A_10 step %scan3A_11  : i32 {
      %mul3A_18 = arith.constant 1000 : i32
      %mul3A_19 = arith.muli %scan3A_17, %mul3A_18 : i32
      %add3A_20 = arith.addi %mul3A_2, %mul3A_19 : i32
      %multiple_of3A = tpu.assume_multiple %add3A_20, 8 : i32
      "tpu.region"() ({
        %run_scoped3A = tpu.sem_alloc : memref<!tpu.dma_semaphore, #tpu.memory_space<semaphore_mem>>
        %dma_start3A = tpu.memref_slice %arg3[%multiple_of3A] : memref<320000xi32, #tpu.memory_space<hbm>> -> memref<1000xi32, #tpu.memory_space<hbm>>
        %dma_start3A_21 = tpu.memref_slice %arg3[%multiple_of3A] : memref<320000xi32, #tpu.memory_space<hbm>> -> memref<1000xi32, #tpu.memory_space<hbm>>
        tpu.enqueue_dma source(%dma_start3A_21 : memref<1000xi32, #tpu.memory_space<hbm>>) target(%arg9 : memref<1000xi32, #tpu.memory_space<vmem>>) target_semaphore(%run_scoped3A : memref<!tpu.dma_semaphore, #tpu.memory_space<semaphore_mem>>)
        %dma_wait3A = tpu.memref_slice %arg3[%multiple_of3A] : memref<320000xi32, #tpu.memory_space<hbm>> -> memref<1000xi32, #tpu.memory_space<hbm>>
        %dma_wait3A_22 = tpu.memref_slice %arg3[%multiple_of3A] : memref<320000xi32, #tpu.memory_space<hbm>> -> memref<1000xi32, #tpu.memory_space<hbm>>
        tpu.wait_dma2 semaphore(%run_scoped3A : memref<!tpu.dma_semaphore, #tpu.memory_space<semaphore_mem>>) src(%dma_wait3A_22 : memref<1000xi32, #tpu.memory_space<hbm>>) dst(%arg9 : memref<1000xi32, #tpu.memory_space<vmem>>)
        tpu.yield
      }) : () -> ()
      "tpu.region"() ({
        %run_scoped3A = tpu.sem_alloc : memref<!tpu.dma_semaphore, #tpu.memory_space<semaphore_mem>>
        %dma_start3A = arith.constant 0 : i32
        %dma_start3A_21 = tpu.memref_slice %arg2[%multiple_of3A, %dma_start3A] : memref<320000x64xf32, #tpu.memory_space<hbm>> -> memref<1000x64xf32, #tpu.memory_space<hbm>>
        %dma_start3A_22 = arith.constant 0 : i32
        %dma_start3A_23 = tpu.memref_slice %arg2[%multiple_of3A, %dma_start3A_22] : memref<320000x64xf32, #tpu.memory_space<hbm>> -> memref<1000x64xf32, #tpu.memory_space<hbm>>
        tpu.enqueue_dma source(%dma_start3A_23 : memref<1000x64xf32, #tpu.memory_space<hbm>>) target(%arg10 : memref<1000x64xf32, #tpu.memory_space<vmem>>) target_semaphore(%run_scoped3A : memref<!tpu.dma_semaphore, #tpu.memory_space<semaphore_mem>>)
        %dma_wait3A = arith.constant 0 : i32
        %dma_wait3A_24 = tpu.memref_slice %arg2[%multiple_of3A, %dma_wait3A] : memref<320000x64xf32, #tpu.memory_space<hbm>> -> memref<1000x64xf32, #tpu.memory_space<hbm>>
        %dma_wait3A_25 = arith.constant 0 : i32
        %dma_wait3A_26 = tpu.memref_slice %arg2[%multiple_of3A, %dma_wait3A_25] : memref<320000x64xf32, #tpu.memory_space<hbm>> -> memref<1000x64xf32, #tpu.memory_space<hbm>>
        tpu.wait_dma2 semaphore(%run_scoped3A : memref<!tpu.dma_semaphore, #tpu.memory_space<semaphore_mem>>) src(%dma_wait3A_26 : memref<1000x64xf32, #tpu.memory_space<hbm>>) dst(%arg10 : memref<1000x64xf32, #tpu.memory_space<vmem>>)
        tpu.yield
      }) : () -> ()
      "tpu.region"() ({
        %run_scoped3A = tpu.sem_alloc : memref<!tpu.dma_semaphore, #tpu.memory_space<semaphore_mem>>
        %dma_start3A = arith.constant 0 : i32
        %dma_start3A_21 = arith.constant 0 : i32
        %dma_start3A_22 = tpu.memref_slice %arg12[%dma_start3A, %dma_start3A_21] : memref<10000x64xf32, #tpu.memory_space<vmem_shared>> -> memref<10000x64xf32, #tpu.memory_space<vmem_shared>>
        tpu.enqueue_indirect_dma source(%arg10 : memref<1000x64xf32, #tpu.memory_space<vmem>>) target(%dma_start3A_22 : memref<10000x64xf32, #tpu.memory_space<vmem_shared>>) offsets(%arg9 : memref<1000xi32, #tpu.memory_space<vmem>>) semaphore(%run_scoped3A : memref<!tpu.dma_semaphore, #tpu.memory_space<semaphore_mem>>) {add = true}
        %dma_wait3A = arith.constant 0 : i32
        %dma_wait3A_23 = arith.constant 0 : i32
        %dma_wait3A_24 = tpu.memref_slice %arg12[%dma_wait3A, %dma_wait3A_23] : memref<10000x64xf32, #tpu.memory_space<vmem_shared>> -> memref<10000x64xf32, #tpu.memory_space<vmem_shared>>
        tpu.wait_indirect_dma semaphore(%run_scoped3A : memref<!tpu.dma_semaphore, #tpu.memory_space<semaphore_mem>>) src(%arg10 : memref<1000x64xf32, #tpu.memory_space<vmem>>) dst(%dma_wait3A_24 : memref<10000x64xf32, #tpu.memory_space<vmem_shared>>)
        tpu.yield
      }) : () -> ()
    }
    %scan3A_12 = arith.constant 10 : i32
    %barrier3A_13 = arith.constant 0 : index
    tpu.barrier barrier_id(%barrier3A_13)
    %mul3A_14 = arith.constant 10000 : i32
    %mul3A_15 = arith.muli %arg0, %mul3A_14 : i32
    %add3A_16 = arith.addi %mul3A_15, %mul3A_4 : i32
    "tpu.region"() ({
      %run_scoped3A = tpu.sem_alloc : memref<!tpu.dma_semaphore, #tpu.memory_space<semaphore_mem>>
      %dma_start3A = arith.constant 0 : i32
      %dma_start3A_17 = tpu.memref_slice %arg7[%add3A_16, %dma_start3A] : memref<20000x64xf32, #tpu.memory_space<hbm>> -> memref<625x64xf32, #tpu.memory_space<hbm>>
      %dma_start3A_18 = arith.constant 0 : i32
      %dma_start3A_19 = tpu.memref_slice %arg12[%mul3A_4, %dma_start3A_18] : memref<10000x64xf32, #tpu.memory_space<vmem_shared>> -> memref<625x64xf32, #tpu.memory_space<vmem_shared>>
      tpu.enqueue_dma source(%dma_start3A_19 : memref<625x64xf32, #tpu.memory_space<vmem_shared>>) target(%dma_start3A_17 : memref<625x64xf32, #tpu.memory_space<hbm>>) target_semaphore(%run_scoped3A : memref<!tpu.dma_semaphore, #tpu.memory_space<semaphore_mem>>)
      %dma_wait3A = arith.constant 0 : i32
      %dma_wait3A_20 = tpu.memref_slice %arg7[%add3A_16, %dma_wait3A] : memref<20000x64xf32, #tpu.memory_space<hbm>> -> memref<625x64xf32, #tpu.memory_space<hbm>>
      %dma_wait3A_21 = arith.constant 0 : i32
      %dma_wait3A_22 = tpu.memref_slice %arg12[%mul3A_4, %dma_wait3A_21] : memref<10000x64xf32, #tpu.memory_space<vmem_shared>> -> memref<625x64xf32, #tpu.memory_space<vmem_shared>>
      tpu.wait_dma2 semaphore(%run_scoped3A : memref<!tpu.dma_semaphore, #tpu.memory_space<semaphore_mem>>) src(%dma_wait3A_22 : memref<625x64xf32, #tpu.memory_space<vmem_shared>>) dst(%dma_wait3A_20 : memref<625x64xf32, #tpu.memory_space<hbm>>)
      tpu.yield
    }) : () -> ()
    return
  }
}

#map = affine_map<(d0, d1) -> (0, 0)>
#map1 = affine_map<(d0, d1) -> (0)>
module attributes {stable_mosaic.version = 14 : i64} {
  func.func @_gather_body(%arg0: i32, %arg1: i32, %arg2: memref<10000x64xf32, #tpu.memory_space<hbm>>, %arg3: memref<10000x64xf32, #tpu.memory_space<hbm>>, %arg4: memref<320000xi32, #tpu.memory_space<hbm>>, %arg5: memref<320000xi32, #tpu.memory_space<hbm>>, %arg6: memref<8x64xf32, #tpu.memory_space<hbm>>, %arg7: memref<320000x64xf32, #tpu.memory_space<hbm>>, %arg8: memref<1000xi32, #tpu.memory_space<vmem>>, %arg9: memref<1000xi32, #tpu.memory_space<vmem>>, %arg10: memref<1000x64xf32, #tpu.memory_space<vmem>>, %arg11: memref<!tpu.dma_semaphore, #tpu.memory_space<semaphore_mem>>, %arg12: memref<!tpu.dma_semaphore, #tpu.memory_space<semaphore_mem>>) attributes {dimension_semantics = [#tpu.dimension_semantics<core_parallel>, #tpu.dimension_semantics<subcore_parallel>], iteration_bounds = array<i64: 2, 16>, scalar_prefetch = 0 : i64, scratch_operands = 5 : i64, tpu.core_type = #tpu.core_type<sc_vector_subcore>, window_params = [{transform_indices = #map}, {transform_indices = #map}, {transform_indices = #map1}, {transform_indices = #map1}, {transform_indices = #map}, {transform_indices = #map}]} {
    %mul3A = arith.constant 2 : i32
    %mul3A_0 = arith.muli %arg1, %mul3A : i32
    %add3A = arith.addi %mul3A_0, %arg0 : i32
    %mul3A_1 = arith.constant 10000 : i32
    %mul3A_2 = arith.muli %add3A, %mul3A_1 : i32
    %scan3A = arith.constant 0 : i32
    %scan3A_3 = arith.constant 0 : i32
    %scan3A_4 = arith.constant 10 : i32
    %scan3A_5 = arith.addi %scan3A_3, %scan3A_4 : i32
    %scan3A_6 = arith.constant 1 : i32
    scf.for %scan3A_8 = %scan3A_3 to %scan3A_5 step %scan3A_6  : i32 {
      %mul3A_9 = arith.constant 1000 : i32
      %mul3A_10 = arith.muli %scan3A_8, %mul3A_9 : i32
      %add3A_11 = arith.addi %mul3A_2, %mul3A_10 : i32
      %multiple_of3A = tpu.assume_multiple %add3A_11, 8 : i32
      "tpu.region"() ({
        %run_scoped3A = tpu.sem_alloc : memref<!tpu.dma_semaphore, #tpu.memory_space<semaphore_mem>>
        %dma_start3A_22 = tpu.memref_slice %arg4[%multiple_of3A] : memref<320000xi32, #tpu.memory_space<hbm>> -> memref<1000xi32, #tpu.memory_space<hbm>>
        %dma_start3A_23 = tpu.memref_slice %arg4[%multiple_of3A] : memref<320000xi32, #tpu.memory_space<hbm>> -> memref<1000xi32, #tpu.memory_space<hbm>>
        tpu.enqueue_dma source(%dma_start3A_23 : memref<1000xi32, #tpu.memory_space<hbm>>) target(%arg8 : memref<1000xi32, #tpu.memory_space<vmem>>) target_semaphore(%run_scoped3A : memref<!tpu.dma_semaphore, #tpu.memory_space<semaphore_mem>>)
        %dma_wait3A_24 = tpu.memref_slice %arg4[%multiple_of3A] : memref<320000xi32, #tpu.memory_space<hbm>> -> memref<1000xi32, #tpu.memory_space<hbm>>
        %dma_wait3A_25 = tpu.memref_slice %arg4[%multiple_of3A] : memref<320000xi32, #tpu.memory_space<hbm>> -> memref<1000xi32, #tpu.memory_space<hbm>>
        tpu.wait_dma2 semaphore(%run_scoped3A : memref<!tpu.dma_semaphore, #tpu.memory_space<semaphore_mem>>) src(%dma_wait3A_25 : memref<1000xi32, #tpu.memory_space<hbm>>) dst(%arg8 : memref<1000xi32, #tpu.memory_space<vmem>>)
        tpu.yield
      }) : () -> ()
      "tpu.region"() ({
        %run_scoped3A = tpu.sem_alloc : memref<!tpu.dma_semaphore, #tpu.memory_space<semaphore_mem>>
        %dma_start3A_22 = tpu.memref_slice %arg5[%multiple_of3A] : memref<320000xi32, #tpu.memory_space<hbm>> -> memref<1000xi32, #tpu.memory_space<hbm>>
        %dma_start3A_23 = tpu.memref_slice %arg5[%multiple_of3A] : memref<320000xi32, #tpu.memory_space<hbm>> -> memref<1000xi32, #tpu.memory_space<hbm>>
        tpu.enqueue_dma source(%dma_start3A_23 : memref<1000xi32, #tpu.memory_space<hbm>>) target(%arg9 : memref<1000xi32, #tpu.memory_space<vmem>>) target_semaphore(%run_scoped3A : memref<!tpu.dma_semaphore, #tpu.memory_space<semaphore_mem>>)
        %dma_wait3A_24 = tpu.memref_slice %arg5[%multiple_of3A] : memref<320000xi32, #tpu.memory_space<hbm>> -> memref<1000xi32, #tpu.memory_space<hbm>>
        %dma_wait3A_25 = tpu.memref_slice %arg5[%multiple_of3A] : memref<320000xi32, #tpu.memory_space<hbm>> -> memref<1000xi32, #tpu.memory_space<hbm>>
        tpu.wait_dma2 semaphore(%run_scoped3A : memref<!tpu.dma_semaphore, #tpu.memory_space<semaphore_mem>>) src(%dma_wait3A_25 : memref<1000xi32, #tpu.memory_space<hbm>>) dst(%arg9 : memref<1000xi32, #tpu.memory_space<vmem>>)
        tpu.yield
      }) : () -> ()
      %dma_start3A = arith.constant 0 : i32
      %dma_start3A_12 = arith.constant 0 : i32
      %dma_start3A_13 = tpu.memref_slice %arg2[%dma_start3A, %dma_start3A_12] : memref<10000x64xf32, #tpu.memory_space<hbm>> -> memref<10000x64xf32, #tpu.memory_space<hbm>>
      tpu.enqueue_indirect_dma source(%dma_start3A_13 : memref<10000x64xf32, #tpu.memory_space<hbm>>) target(%arg10 : memref<1000x64xf32, #tpu.memory_space<vmem>>) offsets(%arg8 : memref<1000xi32, #tpu.memory_space<vmem>>) semaphore(%arg11 : memref<!tpu.dma_semaphore, #tpu.memory_space<semaphore_mem>>)
      %dma_wait3A = arith.constant 0 : i32
      %dma_wait3A_14 = arith.constant 0 : i32
      %dma_wait3A_15 = tpu.memref_slice %arg2[%dma_wait3A, %dma_wait3A_14] : memref<10000x64xf32, #tpu.memory_space<hbm>> -> memref<10000x64xf32, #tpu.memory_space<hbm>>
      tpu.wait_indirect_dma semaphore(%arg11 : memref<!tpu.dma_semaphore, #tpu.memory_space<semaphore_mem>>) src(%dma_wait3A_15 : memref<10000x64xf32, #tpu.memory_space<hbm>>) dst(%arg10 : memref<1000x64xf32, #tpu.memory_space<vmem>>)
      %dma_start3A_16 = arith.constant 0 : i32
      %dma_start3A_17 = arith.constant 0 : i32
      %dma_start3A_18 = tpu.memref_slice %arg3[%dma_start3A_16, %dma_start3A_17] : memref<10000x64xf32, #tpu.memory_space<hbm>> -> memref<10000x64xf32, #tpu.memory_space<hbm>>
      tpu.enqueue_indirect_dma source(%dma_start3A_18 : memref<10000x64xf32, #tpu.memory_space<hbm>>) target(%arg10 : memref<1000x64xf32, #tpu.memory_space<vmem>>) offsets(%arg9 : memref<1000xi32, #tpu.memory_space<vmem>>) semaphore(%arg12 : memref<!tpu.dma_semaphore, #tpu.memory_space<semaphore_mem>>) {add = true}
      %dma_wait3A_19 = arith.constant 0 : i32
      %dma_wait3A_20 = arith.constant 0 : i32
      %dma_wait3A_21 = tpu.memref_slice %arg3[%dma_wait3A_19, %dma_wait3A_20] : memref<10000x64xf32, #tpu.memory_space<hbm>> -> memref<10000x64xf32, #tpu.memory_space<hbm>>
      tpu.wait_indirect_dma semaphore(%arg12 : memref<!tpu.dma_semaphore, #tpu.memory_space<semaphore_mem>>) src(%dma_wait3A_21 : memref<10000x64xf32, #tpu.memory_space<hbm>>) dst(%arg10 : memref<1000x64xf32, #tpu.memory_space<vmem>>)
      "tpu.region"() ({
        %run_scoped3A = tpu.sem_alloc : memref<!tpu.dma_semaphore, #tpu.memory_space<semaphore_mem>>
        %dma_start3A_22 = arith.constant 0 : i32
        %dma_start3A_23 = tpu.memref_slice %arg7[%multiple_of3A, %dma_start3A_22] : memref<320000x64xf32, #tpu.memory_space<hbm>> -> memref<1000x64xf32, #tpu.memory_space<hbm>>
        %dma_start3A_24 = arith.constant 0 : i32
        %dma_start3A_25 = tpu.memref_slice %arg7[%multiple_of3A, %dma_start3A_24] : memref<320000x64xf32, #tpu.memory_space<hbm>> -> memref<1000x64xf32, #tpu.memory_space<hbm>>
        tpu.enqueue_dma source(%arg10 : memref<1000x64xf32, #tpu.memory_space<vmem>>) target(%dma_start3A_25 : memref<1000x64xf32, #tpu.memory_space<hbm>>) target_semaphore(%run_scoped3A : memref<!tpu.dma_semaphore, #tpu.memory_space<semaphore_mem>>)
        %dma_wait3A_26 = arith.constant 0 : i32
        %dma_wait3A_27 = tpu.memref_slice %arg7[%multiple_of3A, %dma_wait3A_26] : memref<320000x64xf32, #tpu.memory_space<hbm>> -> memref<1000x64xf32, #tpu.memory_space<hbm>>
        %dma_wait3A_28 = arith.constant 0 : i32
        %dma_wait3A_29 = tpu.memref_slice %arg7[%multiple_of3A, %dma_wait3A_28] : memref<320000x64xf32, #tpu.memory_space<hbm>> -> memref<1000x64xf32, #tpu.memory_space<hbm>>
        tpu.wait_dma2 semaphore(%run_scoped3A : memref<!tpu.dma_semaphore, #tpu.memory_space<semaphore_mem>>) src(%arg10 : memref<1000x64xf32, #tpu.memory_space<vmem>>) dst(%dma_wait3A_29 : memref<1000x64xf32, #tpu.memory_space<hbm>>)
        tpu.yield
      }) : () -> ()
    }
    %scan3A_7 = arith.constant 10 : i32
    return
  }
}

#map = affine_map<(d0, d1) -> (0, 0)>
#map1 = affine_map<(d0, d1) -> (0)>
module attributes {stable_mosaic.version = 14 : i64} {
  func.func @_gather_body(%arg0: i32, %arg1: i32, %arg2: memref<10000x64xf32, #tpu.memory_space<hbm>>, %arg3: memref<10000x64xf32, #tpu.memory_space<hbm>>, %arg4: memref<320000xi32, #tpu.memory_space<hbm>>, %arg5: memref<320000xi32, #tpu.memory_space<hbm>>, %arg6: memref<8x64xf32, #tpu.memory_space<hbm>>, %arg7: memref<320000x64xf32, #tpu.memory_space<hbm>>, %arg8: memref<1000xi32, #tpu.memory_space<vmem>>, %arg9: memref<1000xi32, #tpu.memory_space<vmem>>, %arg10: memref<1000x64xf32, #tpu.memory_space<vmem>>, %arg11: memref<!tpu.dma_semaphore, #tpu.memory_space<semaphore_mem>>, %arg12: memref<!tpu.dma_semaphore, #tpu.memory_space<semaphore_mem>>) attributes {dimension_semantics = [#tpu.dimension_semantics<core_parallel>, #tpu.dimension_semantics<subcore_parallel>], iteration_bounds = array<i64: 2, 16>, scalar_prefetch = 0 : i64, scratch_operands = 5 : i64, tpu.core_type = #tpu.core_type<sc_vector_subcore>, window_params = [{transform_indices = #map}, {transform_indices = #map}, {transform_indices = #map1}, {transform_indices = #map1}, {transform_indices = #map}, {transform_indices = #map}]} {
    %mul3A = arith.constant 2 : i32
    %mul3A_0 = arith.muli %arg1, %mul3A : i32
    %add3A = arith.addi %mul3A_0, %arg0 : i32
    %mul3A_1 = arith.constant 10000 : i32
    %mul3A_2 = arith.muli %add3A, %mul3A_1 : i32
    %scan3A = arith.constant 0 : i32
    %scan3A_3 = arith.constant 0 : i32
    %scan3A_4 = arith.constant 10 : i32
    %scan3A_5 = arith.addi %scan3A_3, %scan3A_4 : i32
    %scan3A_6 = arith.constant 1 : i32
    scf.for %scan3A_8 = %scan3A_3 to %scan3A_5 step %scan3A_6  : i32 {
      %mul3A_9 = arith.constant 1000 : i32
      %mul3A_10 = arith.muli %scan3A_8, %mul3A_9 : i32
      %add3A_11 = arith.addi %mul3A_2, %mul3A_10 : i32
      %multiple_of3A = tpu.assume_multiple %add3A_11, 8 : i32
      "tpu.region"() ({
        %run_scoped3A = tpu.sem_alloc : memref<!tpu.dma_semaphore, #tpu.memory_space<semaphore_mem>>
        %dma_start3A_22 = tpu.memref_slice %arg4[%multiple_of3A] : memref<320000xi32, #tpu.memory_space<hbm>> -> memref<1000xi32, #tpu.memory_space<hbm>>
        %dma_start3A_23 = tpu.memref_slice %arg4[%multiple_of3A] : memref<320000xi32, #tpu.memory_space<hbm>> -> memref<1000xi32, #tpu.memory_space<hbm>>
        tpu.enqueue_dma source(%dma_start3A_23 : memref<1000xi32, #tpu.memory_space<hbm>>) target(%arg8 : memref<1000xi32, #tpu.memory_space<vmem>>) target_semaphore(%run_scoped3A : memref<!tpu.dma_semaphore, #tpu.memory_space<semaphore_mem>>)
        %dma_wait3A_24 = tpu.memref_slice %arg4[%multiple_of3A] : memref<320000xi32, #tpu.memory_space<hbm>> -> memref<1000xi32, #tpu.memory_space<hbm>>
        %dma_wait3A_25 = tpu.memref_slice %arg4[%multiple_of3A] : memref<320000xi32, #tpu.memory_space<hbm>> -> memref<1000xi32, #tpu.memory_space<hbm>>
        tpu.wait_dma2 semaphore(%run_scoped3A : memref<!tpu.dma_semaphore, #tpu.memory_space<semaphore_mem>>) src(%dma_wait3A_25 : memref<1000xi32, #tpu.memory_space<hbm>>) dst(%arg8 : memref<1000xi32, #tpu.memory_space<vmem>>)
        tpu.yield
      }) : () -> ()
      "tpu.region"() ({
        %run_scoped3A = tpu.sem_alloc : memref<!tpu.dma_semaphore, #tpu.memory_space<semaphore_mem>>
        %dma_start3A_22 = tpu.memref_slice %arg5[%multiple_of3A] : memref<320000xi32, #tpu.memory_space<hbm>> -> memref<1000xi32, #tpu.memory_space<hbm>>
        %dma_start3A_23 = tpu.memref_slice %arg5[%multiple_of3A] : memref<320000xi32, #tpu.memory_space<hbm>> -> memref<1000xi32, #tpu.memory_space<hbm>>
        tpu.enqueue_dma source(%dma_start3A_23 : memref<1000xi32, #tpu.memory_space<hbm>>) target(%arg9 : memref<1000xi32, #tpu.memory_space<vmem>>) target_semaphore(%run_scoped3A : memref<!tpu.dma_semaphore, #tpu.memory_space<semaphore_mem>>)
        %dma_wait3A_24 = tpu.memref_slice %arg5[%multiple_of3A] : memref<320000xi32, #tpu.memory_space<hbm>> -> memref<1000xi32, #tpu.memory_space<hbm>>
        %dma_wait3A_25 = tpu.memref_slice %arg5[%multiple_of3A] : memref<320000xi32, #tpu.memory_space<hbm>> -> memref<1000xi32, #tpu.memory_space<hbm>>
        tpu.wait_dma2 semaphore(%run_scoped3A : memref<!tpu.dma_semaphore, #tpu.memory_space<semaphore_mem>>) src(%dma_wait3A_25 : memref<1000xi32, #tpu.memory_space<hbm>>) dst(%arg9 : memref<1000xi32, #tpu.memory_space<vmem>>)
        tpu.yield
      }) : () -> ()
      %dma_start3A = arith.constant 0 : i32
      %dma_start3A_12 = arith.constant 0 : i32
      %dma_start3A_13 = tpu.memref_slice %arg2[%dma_start3A, %dma_start3A_12] : memref<10000x64xf32, #tpu.memory_space<hbm>> -> memref<10000x64xf32, #tpu.memory_space<hbm>>
      tpu.enqueue_indirect_dma source(%dma_start3A_13 : memref<10000x64xf32, #tpu.memory_space<hbm>>) target(%arg10 : memref<1000x64xf32, #tpu.memory_space<vmem>>) offsets(%arg8 : memref<1000xi32, #tpu.memory_space<vmem>>) semaphore(%arg11 : memref<!tpu.dma_semaphore, #tpu.memory_space<semaphore_mem>>)
      %dma_wait3A = arith.constant 0 : i32
      %dma_wait3A_14 = arith.constant 0 : i32
      %dma_wait3A_15 = tpu.memref_slice %arg2[%dma_wait3A, %dma_wait3A_14] : memref<10000x64xf32, #tpu.memory_space<hbm>> -> memref<10000x64xf32, #tpu.memory_space<hbm>>
      tpu.wait_indirect_dma semaphore(%arg11 : memref<!tpu.dma_semaphore, #tpu.memory_space<semaphore_mem>>) src(%dma_wait3A_15 : memref<10000x64xf32, #tpu.memory_space<hbm>>) dst(%arg10 : memref<1000x64xf32, #tpu.memory_space<vmem>>)
      %dma_start3A_16 = arith.constant 0 : i32
      %dma_start3A_17 = arith.constant 0 : i32
      %dma_start3A_18 = tpu.memref_slice %arg3[%dma_start3A_16, %dma_start3A_17] : memref<10000x64xf32, #tpu.memory_space<hbm>> -> memref<10000x64xf32, #tpu.memory_space<hbm>>
      tpu.enqueue_indirect_dma source(%dma_start3A_18 : memref<10000x64xf32, #tpu.memory_space<hbm>>) target(%arg10 : memref<1000x64xf32, #tpu.memory_space<vmem>>) offsets(%arg9 : memref<1000xi32, #tpu.memory_space<vmem>>) semaphore(%arg12 : memref<!tpu.dma_semaphore, #tpu.memory_space<semaphore_mem>>) {add = true}
      %dma_wait3A_19 = arith.constant 0 : i32
      %dma_wait3A_20 = arith.constant 0 : i32
      %dma_wait3A_21 = tpu.memref_slice %arg3[%dma_wait3A_19, %dma_wait3A_20] : memref<10000x64xf32, #tpu.memory_space<hbm>> -> memref<10000x64xf32, #tpu.memory_space<hbm>>
      tpu.wait_indirect_dma semaphore(%arg12 : memref<!tpu.dma_semaphore, #tpu.memory_space<semaphore_mem>>) src(%dma_wait3A_21 : memref<10000x64xf32, #tpu.memory_space<hbm>>) dst(%arg10 : memref<1000x64xf32, #tpu.memory_space<vmem>>)
      "tpu.region"() ({
        %run_scoped3A = tpu.sem_alloc : memref<!tpu.dma_semaphore, #tpu.memory_space<semaphore_mem>>
        %dma_start3A_22 = arith.constant 0 : i32
        %dma_start3A_23 = tpu.memref_slice %arg7[%multiple_of3A, %dma_start3A_22] : memref<320000x64xf32, #tpu.memory_space<hbm>> -> memref<1000x64xf32, #tpu.memory_space<hbm>>
        %dma_start3A_24 = arith.constant 0 : i32
        %dma_start3A_25 = tpu.memref_slice %arg7[%multiple_of3A, %dma_start3A_24] : memref<320000x64xf32, #tpu.memory_space<hbm>> -> memref<1000x64xf32, #tpu.memory_space<hbm>>
        tpu.enqueue_dma source(%arg10 : memref<1000x64xf32, #tpu.memory_space<vmem>>) target(%dma_start3A_25 : memref<1000x64xf32, #tpu.memory_space<hbm>>) target_semaphore(%run_scoped3A : memref<!tpu.dma_semaphore, #tpu.memory_space<semaphore_mem>>)
        %dma_wait3A_26 = arith.constant 0 : i32
        %dma_wait3A_27 = tpu.memref_slice %arg7[%multiple_of3A, %dma_wait3A_26] : memref<320000x64xf32, #tpu.memory_space<hbm>> -> memref<1000x64xf32, #tpu.memory_space<hbm>>
        %dma_wait3A_28 = arith.constant 0 : i32
        %dma_wait3A_29 = tpu.memref_slice %arg7[%multiple_of3A, %dma_wait3A_28] : memref<320000x64xf32, #tpu.memory_space<hbm>> -> memref<1000x64xf32, #tpu.memory_space<hbm>>
        tpu.wait_dma2 semaphore(%run_scoped3A : memref<!tpu.dma_semaphore, #tpu.memory_space<semaphore_mem>>) src(%arg10 : memref<1000x64xf32, #tpu.memory_space<vmem>>) dst(%dma_wait3A_29 : memref<1000x64xf32, #tpu.memory_space<hbm>>)
        tpu.yield
      }) : () -> ()
    }
    %scan3A_7 = arith.constant 10 : i32
    return
  }
}

#map = affine_map<(d0, d1) -> (0, 0)>
#map1 = affine_map<(d0, d1) -> (0)>
module attributes {stable_mosaic.version = 14 : i64} {
  func.func @_scatter_body(%arg0: i32, %arg1: i32, %arg2: memref<320000x64xf32, #tpu.memory_space<hbm>>, %arg3: memref<320000xi32, #tpu.memory_space<hbm>>, %arg4: memref<20000x64xf32, #tpu.memory_space<hbm>>, %arg5: memref<20000x16xf32, #tpu.memory_space<hbm>>, %arg6: memref<8x64xf32, #tpu.memory_space<hbm>>, %arg7: memref<20000x64xf32, #tpu.memory_space<hbm>>, %arg8: memref<20000x16xf32, #tpu.memory_space<hbm>>, %arg9: memref<1000xi32, #tpu.memory_space<vmem>>, %arg10: memref<1000x64xf32, #tpu.memory_space<vmem>>, %arg11: memref<1000x16xf32, #tpu.memory_space<vmem>>, %arg12: memref<10000x64xf32, #tpu.memory_space<vmem_shared>>, %arg13: memref<10000x16xf32, #tpu.memory_space<vmem_shared>>) attributes {dimension_semantics = [#tpu.dimension_semantics<core_parallel>, #tpu.dimension_semantics<subcore_parallel>], iteration_bounds = array<i64: 2, 16>, scalar_prefetch = 0 : i64, scratch_operands = 5 : i64, tpu.core_type = #tpu.core_type<sc_vector_subcore>, window_params = [{transform_indices = #map}, {transform_indices = #map1}, {transform_indices = #map}, {transform_indices = #map}, {transform_indices = #map}, {transform_indices = #map}, {transform_indices = #map}]} {
    %mul3A = arith.constant 2 : i32
    %mul3A_0 = arith.muli %arg1, %mul3A : i32
    %add3A = arith.addi %mul3A_0, %arg0 : i32
    %mul3A_1 = arith.constant 10000 : i32
    %mul3A_2 = arith.muli %add3A, %mul3A_1 : i32
    %mul3A_3 = arith.constant 625 : i32
    %mul3A_4 = arith.muli %arg1, %mul3A_3 : i32
    %mul3A_5 = arith.constant 10000 : i32
    %mul3A_6 = arith.muli %arg0, %mul3A_5 : i32
    %add3A_7 = arith.addi %mul3A_6, %mul3A_4 : i32
    "tpu.region"() ({
      %run_scoped3A = tpu.sem_alloc : memref<!tpu.dma_semaphore, #tpu.memory_space<semaphore_mem>>
      %dma_start3A = arith.constant 0 : i32
      %dma_start3A_34 = tpu.memref_slice %arg12[%mul3A_4, %dma_start3A] : memref<10000x64xf32, #tpu.memory_space<vmem_shared>> -> memref<625x64xf32, #tpu.memory_space<vmem_shared>>
      %dma_start3A_35 = arith.constant 0 : i32
      %dma_start3A_36 = tpu.memref_slice %arg4[%add3A_7, %dma_start3A_35] : memref<20000x64xf32, #tpu.memory_space<hbm>> -> memref<625x64xf32, #tpu.memory_space<hbm>>
      tpu.enqueue_dma source(%dma_start3A_36 : memref<625x64xf32, #tpu.memory_space<hbm>>) target(%dma_start3A_34 : memref<625x64xf32, #tpu.memory_space<vmem_shared>>) target_semaphore(%run_scoped3A : memref<!tpu.dma_semaphore, #tpu.memory_space<semaphore_mem>>)
      %dma_wait3A = arith.constant 0 : i32
      %dma_wait3A_37 = tpu.memref_slice %arg12[%mul3A_4, %dma_wait3A] : memref<10000x64xf32, #tpu.memory_space<vmem_shared>> -> memref<625x64xf32, #tpu.memory_space<vmem_shared>>
      %dma_wait3A_38 = arith.constant 0 : i32
      %dma_wait3A_39 = tpu.memref_slice %arg4[%add3A_7, %dma_wait3A_38] : memref<20000x64xf32, #tpu.memory_space<hbm>> -> memref<625x64xf32, #tpu.memory_space<hbm>>
      tpu.wait_dma2 semaphore(%run_scoped3A : memref<!tpu.dma_semaphore, #tpu.memory_space<semaphore_mem>>) src(%dma_wait3A_39 : memref<625x64xf32, #tpu.memory_space<hbm>>) dst(%dma_wait3A_37 : memref<625x64xf32, #tpu.memory_space<vmem_shared>>)
      tpu.yield
    }) : () -> ()
    %mul3A_8 = arith.constant 10000 : i32
    %mul3A_9 = arith.muli %arg0, %mul3A_8 : i32
    %add3A_10 = arith.addi %mul3A_9, %mul3A_4 : i32
    "tpu.region"() ({
      %run_scoped3A = tpu.sem_alloc : memref<!tpu.dma_semaphore, #tpu.memory_space<semaphore_mem>>
      %dma_start3A = arith.constant 0 : i32
      %dma_start3A_34 = tpu.memref_slice %arg13[%mul3A_4, %dma_start3A] : memref<10000x16xf32, #tpu.memory_space<vmem_shared>> -> memref<625x16xf32, #tpu.memory_space<vmem_shared>>
      %dma_start3A_35 = arith.constant 0 : i32
      %dma_start3A_36 = tpu.memref_slice %arg5[%add3A_10, %dma_start3A_35] : memref<20000x16xf32, #tpu.memory_space<hbm>> -> memref<625x16xf32, #tpu.memory_space<hbm>>
      tpu.enqueue_dma source(%dma_start3A_36 : memref<625x16xf32, #tpu.memory_space<hbm>>) target(%dma_start3A_34 : memref<625x16xf32, #tpu.memory_space<vmem_shared>>) target_semaphore(%run_scoped3A : memref<!tpu.dma_semaphore, #tpu.memory_space<semaphore_mem>>)
      %dma_wait3A = arith.constant 0 : i32
      %dma_wait3A_37 = tpu.memref_slice %arg13[%mul3A_4, %dma_wait3A] : memref<10000x16xf32, #tpu.memory_space<vmem_shared>> -> memref<625x16xf32, #tpu.memory_space<vmem_shared>>
      %dma_wait3A_38 = arith.constant 0 : i32
      %dma_wait3A_39 = tpu.memref_slice %arg5[%add3A_10, %dma_wait3A_38] : memref<20000x16xf32, #tpu.memory_space<hbm>> -> memref<625x16xf32, #tpu.memory_space<hbm>>
      tpu.wait_dma2 semaphore(%run_scoped3A : memref<!tpu.dma_semaphore, #tpu.memory_space<semaphore_mem>>) src(%dma_wait3A_39 : memref<625x16xf32, #tpu.memory_space<hbm>>) dst(%dma_wait3A_37 : memref<625x16xf32, #tpu.memory_space<vmem_shared>>)
      tpu.yield
    }) : () -> ()
    %iota3A = tpu.iota {dimensions = array<i32: 0>} : vector<16xi32>
    %eq3A = arith.constant 0 : i32
    %eq3A_11 = vector.broadcast %eq3A : i32 to vector<16xi32>
    %eq3A_12 = arith.cmpi eq, %iota3A, %eq3A_11 : vector<16xi32>
    %broadcast_in_dim3A = arith.constant 1.000000e+00 : f32
    %broadcast_in_dim3A_13 = vector.broadcast %broadcast_in_dim3A : f32 to vector<16xf32>
    %broadcast_in_dim3A_14 = arith.constant 0.000000e+00 : f32
    %broadcast_in_dim3A_15 = vector.broadcast %broadcast_in_dim3A_14 : f32 to vector<16xf32>
    %select_n3A = arith.select %eq3A_12, %broadcast_in_dim3A_13, %broadcast_in_dim3A_15 : vector<16xi1>, vector<16xf32>
    %scan3A = arith.constant 0 : i32
    %scan3A_16 = arith.constant 0 : i32
    %scan3A_17 = arith.constant 1000 : i32
    %scan3A_18 = arith.addi %scan3A_16, %scan3A_17 : i32
    %scan3A_19 = arith.constant 1 : i32
    scf.for %scan3A_34 = %scan3A_16 to %scan3A_18 step %scan3A_19  : i32 {
      %swap3A = arith.index_cast %scan3A_34 : i32 to index
      %swap3A_35 = arith.constant 0 : index
      %swap3A_36 = tpu.vector_load %arg11[%swap3A, %swap3A_35] {strides = array<i32>} : memref<1000x16xf32, #tpu.memory_space<vmem>>, vector<1x16xf32>,
      %swap3A_37 = vector.shape_cast %swap3A_36 : vector<1x16xf32> to vector<16xf32>
      %swap3A_38 = vector.shape_cast %select_n3A : vector<16xf32> to vector<1x16xf32>
      tpu.vector_store %arg11[%swap3A, %swap3A_35], %swap3A_38 {strides = array<i32>} : memref<1000x16xf32, #tpu.memory_space<vmem>>, vector<1x16xf32>,
    }
    %scan3A_20 = arith.constant 1000 : i32
    %barrier3A = arith.constant 0 : index
    tpu.barrier barrier_id(%barrier3A)
    %scan3A_21 = arith.constant 0 : i32
    %scan3A_22 = arith.constant 0 : i32
    %scan3A_23 = arith.constant 10 : i32
    %scan3A_24 = arith.addi %scan3A_22, %scan3A_23 : i32
    %scan3A_25 = arith.constant 1 : i32
    scf.for %scan3A_34 = %scan3A_22 to %scan3A_24 step %scan3A_25  : i32 {
      %mul3A_35 = arith.constant 1000 : i32
      %mul3A_36 = arith.muli %scan3A_34, %mul3A_35 : i32
      %add3A_37 = arith.addi %mul3A_2, %mul3A_36 : i32
      %multiple_of3A = tpu.assume_multiple %add3A_37, 8 : i32
      "tpu.region"() ({
        %run_scoped3A = tpu.sem_alloc : memref<!tpu.dma_semaphore, #tpu.memory_space<semaphore_mem>>
        %dma_start3A = tpu.memref_slice %arg3[%multiple_of3A] : memref<320000xi32, #tpu.memory_space<hbm>> -> memref<1000xi32, #tpu.memory_space<hbm>>
        %dma_start3A_38 = tpu.memref_slice %arg3[%multiple_of3A] : memref<320000xi32, #tpu.memory_space<hbm>> -> memref<1000xi32, #tpu.memory_space<hbm>>
        tpu.enqueue_dma source(%dma_start3A_38 : memref<1000xi32, #tpu.memory_space<hbm>>) target(%arg9 : memref<1000xi32, #tpu.memory_space<vmem>>) target_semaphore(%run_scoped3A : memref<!tpu.dma_semaphore, #tpu.memory_space<semaphore_mem>>)
        %dma_wait3A = tpu.memref_slice %arg3[%multiple_of3A] : memref<320000xi32, #tpu.memory_space<hbm>> -> memref<1000xi32, #tpu.memory_space<hbm>>
        %dma_wait3A_39 = tpu.memref_slice %arg3[%multiple_of3A] : memref<320000xi32, #tpu.memory_space<hbm>> -> memref<1000xi32, #tpu.memory_space<hbm>>
        tpu.wait_dma2 semaphore(%run_scoped3A : memref<!tpu.dma_semaphore, #tpu.memory_space<semaphore_mem>>) src(%dma_wait3A_39 : memref<1000xi32, #tpu.memory_space<hbm>>) dst(%arg9 : memref<1000xi32, #tpu.memory_space<vmem>>)
        tpu.yield
      }) : () -> ()
      "tpu.region"() ({
        %run_scoped3A = tpu.sem_alloc : memref<!tpu.dma_semaphore, #tpu.memory_space<semaphore_mem>>
        %dma_start3A = arith.constant 0 : i32
        %dma_start3A_38 = tpu.memref_slice %arg2[%multiple_of3A, %dma_start3A] : memref<320000x64xf32, #tpu.memory_space<hbm>> -> memref<1000x64xf32, #tpu.memory_space<hbm>>
        %dma_start3A_39 = arith.constant 0 : i32
        %dma_start3A_40 = tpu.memref_slice %arg2[%multiple_of3A, %dma_start3A_39] : memref<320000x64xf32, #tpu.memory_space<hbm>> -> memref<1000x64xf32, #tpu.memory_space<hbm>>
        tpu.enqueue_dma source(%dma_start3A_40 : memref<1000x64xf32, #tpu.memory_space<hbm>>) target(%arg10 : memref<1000x64xf32, #tpu.memory_space<vmem>>) target_semaphore(%run_scoped3A : memref<!tpu.dma_semaphore, #tpu.memory_space<semaphore_mem>>)
        %dma_wait3A = arith.constant 0 : i32
        %dma_wait3A_41 = tpu.memref_slice %arg2[%multiple_of3A, %dma_wait3A] : memref<320000x64xf32, #tpu.memory_space<hbm>> -> memref<1000x64xf32, #tpu.memory_space<hbm>>
        %dma_wait3A_42 = arith.constant 0 : i32
        %dma_wait3A_43 = tpu.memref_slice %arg2[%multiple_of3A, %dma_wait3A_42] : memref<320000x64xf32, #tpu.memory_space<hbm>> -> memref<1000x64xf32, #tpu.memory_space<hbm>>
        tpu.wait_dma2 semaphore(%run_scoped3A : memref<!tpu.dma_semaphore, #tpu.memory_space<semaphore_mem>>) src(%dma_wait3A_43 : memref<1000x64xf32, #tpu.memory_space<hbm>>) dst(%arg10 : memref<1000x64xf32, #tpu.memory_space<vmem>>)
        tpu.yield
      }) : () -> ()
      "tpu.region"() ({
        %run_scoped3A = tpu.sem_alloc : memref<!tpu.dma_semaphore, #tpu.memory_space<semaphore_mem>>
        %dma_start3A = arith.constant 0 : i32
        %dma_start3A_38 = arith.constant 0 : i32
        %dma_start3A_39 = tpu.memref_slice %arg12[%dma_start3A, %dma_start3A_38] : memref<10000x64xf32, #tpu.memory_space<vmem_shared>> -> memref<10000x64xf32, #tpu.memory_space<vmem_shared>>
        tpu.enqueue_indirect_dma source(%arg10 : memref<1000x64xf32, #tpu.memory_space<vmem>>) target(%dma_start3A_39 : memref<10000x64xf32, #tpu.memory_space<vmem_shared>>) offsets(%arg9 : memref<1000xi32, #tpu.memory_space<vmem>>) semaphore(%run_scoped3A : memref<!tpu.dma_semaphore, #tpu.memory_space<semaphore_mem>>) {add = true}
        %dma_wait3A = arith.constant 0 : i32
        %dma_wait3A_40 = arith.constant 0 : i32
        %dma_wait3A_41 = tpu.memref_slice %arg12[%dma_wait3A, %dma_wait3A_40] : memref<10000x64xf32, #tpu.memory_space<vmem_shared>> -> memref<10000x64xf32, #tpu.memory_space<vmem_shared>>
        tpu.wait_indirect_dma semaphore(%run_scoped3A : memref<!tpu.dma_semaphore, #tpu.memory_space<semaphore_mem>>) src(%arg10 : memref<1000x64xf32, #tpu.memory_space<vmem>>) dst(%dma_wait3A_41 : memref<10000x64xf32, #tpu.memory_space<vmem_shared>>)
        tpu.yield
      }) : () -> ()
      "tpu.region"() ({
        %run_scoped3A = tpu.sem_alloc : memref<!tpu.dma_semaphore, #tpu.memory_space<semaphore_mem>>
        %dma_start3A = arith.constant 0 : i32
        %dma_start3A_38 = arith.constant 0 : i32
        %dma_start3A_39 = tpu.memref_slice %arg13[%dma_start3A, %dma_start3A_38] : memref<10000x16xf32, #tpu.memory_space<vmem_shared>> -> memref<10000x16xf32, #tpu.memory_space<vmem_shared>>
        tpu.enqueue_indirect_dma source(%arg11 : memref<1000x16xf32, #tpu.memory_space<vmem>>) target(%dma_start3A_39 : memref<10000x16xf32, #tpu.memory_space<vmem_shared>>) offsets(%arg9 : memref<1000xi32, #tpu.memory_space<vmem>>) semaphore(%run_scoped3A : memref<!tpu.dma_semaphore, #tpu.memory_space<semaphore_mem>>) {add = true}
        %dma_wait3A = arith.constant 0 : i32
        %dma_wait3A_40 = arith.constant 0 : i32
        %dma_wait3A_41 = tpu.memref_slice %arg13[%dma_wait3A, %dma_wait3A_40] : memref<10000x16xf32, #tpu.memory_space<vmem_shared>> -> memref<10000x16xf32, #tpu.memory_space<vmem_shared>>
        tpu.wait_indirect_dma semaphore(%run_scoped3A : memref<!tpu.dma_semaphore, #tpu.memory_space<semaphore_mem>>) src(%arg11 : memref<1000x16xf32, #tpu.memory_space<vmem>>) dst(%dma_wait3A_41 : memref<10000x16xf32, #tpu.memory_space<vmem_shared>>)
        tpu.yield
      }) : () -> ()
    }
    %scan3A_26 = arith.constant 10 : i32
    %barrier3A_27 = arith.constant 0 : index
    tpu.barrier barrier_id(%barrier3A_27)
    %mul3A_28 = arith.constant 10000 : i32
    %mul3A_29 = arith.muli %arg0, %mul3A_28 : i32
    %add3A_30 = arith.addi %mul3A_29, %mul3A_4 : i32
    "tpu.region"() ({
      %run_scoped3A = tpu.sem_alloc : memref<!tpu.dma_semaphore, #tpu.memory_space<semaphore_mem>>
      %dma_start3A = arith.constant 0 : i32
      %dma_start3A_34 = tpu.memref_slice %arg7[%add3A_30, %dma_start3A] : memref<20000x64xf32, #tpu.memory_space<hbm>> -> memref<625x64xf32, #tpu.memory_space<hbm>>
      %dma_start3A_35 = arith.constant 0 : i32
      %dma_start3A_36 = tpu.memref_slice %arg12[%mul3A_4, %dma_start3A_35] : memref<10000x64xf32, #tpu.memory_space<vmem_shared>> -> memref<625x64xf32, #tpu.memory_space<vmem_shared>>
      tpu.enqueue_dma source(%dma_start3A_36 : memref<625x64xf32, #tpu.memory_space<vmem_shared>>) target(%dma_start3A_34 : memref<625x64xf32, #tpu.memory_space<hbm>>) target_semaphore(%run_scoped3A : memref<!tpu.dma_semaphore, #tpu.memory_space<semaphore_mem>>)
      %dma_wait3A = arith.constant 0 : i32
      %dma_wait3A_37 = tpu.memref_slice %arg7[%add3A_30, %dma_wait3A] : memref<20000x64xf32, #tpu.memory_space<hbm>> -> memref<625x64xf32, #tpu.memory_space<hbm>>
      %dma_wait3A_38 = arith.constant 0 : i32
      %dma_wait3A_39 = tpu.memref_slice %arg12[%mul3A_4, %dma_wait3A_38] : memref<10000x64xf32, #tpu.memory_space<vmem_shared>> -> memref<625x64xf32, #tpu.memory_space<vmem_shared>>
      tpu.wait_dma2 semaphore(%run_scoped3A : memref<!tpu.dma_semaphore, #tpu.memory_space<semaphore_mem>>) src(%dma_wait3A_39 : memref<625x64xf32, #tpu.memory_space<vmem_shared>>) dst(%dma_wait3A_37 : memref<625x64xf32, #tpu.memory_space<hbm>>)
      tpu.yield
    }) : () -> ()
    %mul3A_31 = arith.constant 10000 : i32
    %mul3A_32 = arith.muli %arg0, %mul3A_31 : i32
    %add3A_33 = arith.addi %mul3A_32, %mul3A_4 : i32
    "tpu.region"() ({
      %run_scoped3A = tpu.sem_alloc : memref<!tpu.dma_semaphore, #tpu.memory_space<semaphore_mem>>
      %dma_start3A = arith.constant 0 : i32
      %dma_start3A_34 = tpu.memref_slice %arg8[%add3A_33, %dma_start3A] : memref<20000x16xf32, #tpu.memory_space<hbm>> -> memref<625x16xf32, #tpu.memory_space<hbm>>
      %dma_start3A_35 = arith.constant 0 : i32
      %dma_start3A_36 = tpu.memref_slice %arg13[%mul3A_4, %dma_start3A_35] : memref<10000x16xf32, #tpu.memory_space<vmem_shared>> -> memref<625x16xf32, #tpu.memory_space<vmem_shared>>
      tpu.enqueue_dma source(%dma_start3A_36 : memref<625x16xf32, #tpu.memory_space<vmem_shared>>) target(%dma_start3A_34 : memref<625x16xf32, #tpu.memory_space<hbm>>) target_semaphore(%run_scoped3A : memref<!tpu.dma_semaphore, #tpu.memory_space<semaphore_mem>>)
      %dma_wait3A = arith.constant 0 : i32
      %dma_wait3A_37 = tpu.memref_slice %arg8[%add3A_33, %dma_wait3A] : memref<20000x16xf32, #tpu.memory_space<hbm>> -> memref<625x16xf32, #tpu.memory_space<hbm>>
      %dma_wait3A_38 = arith.constant 0 : i32
      %dma_wait3A_39 = tpu.memref_slice %arg13[%mul3A_4, %dma_wait3A_38] : memref<10000x16xf32, #tpu.memory_space<vmem_shared>> -> memref<625x16xf32, #tpu.memory_space<vmem_shared>>
      tpu.wait_dma2 semaphore(%run_scoped3A : memref<!tpu.dma_semaphore, #tpu.memory_space<semaphore_mem>>) src(%dma_wait3A_39 : memref<625x16xf32, #tpu.memory_space<vmem_shared>>) dst(%dma_wait3A_37 : memref<625x16xf32, #tpu.memory_space<hbm>>)
      tpu.yield
    }) : () -> ()
    return
  }
}

module attributes {stable_mosaic.version = 14 : i64} {
  func.func @_node0_body(%arg0: i32, %arg1: memref<2000x128xf32, #tpu.memory_space<vmem>>, %arg2: memref<128x64xf32, #tpu.memory_space<vmem>>, %arg3: memref<1x64xf32, #tpu.memory_space<vmem>>, %arg4: memref<64x64xf32, #tpu.memory_space<vmem>>, %arg5: memref<64x64xf32, #tpu.memory_space<vmem>>, %arg6: memref<10x64xf32, #tpu.memory_space<vmem>>, %arg7: memref<64x64xf32, #tpu.memory_space<vmem>>, %arg8: memref<64x64xf32, #tpu.memory_space<vmem>>, %arg9: memref<2000x64xf32, #tpu.memory_space<vmem>>, %arg10: memref<2000x64xf32, #tpu.memory_space<vmem>>, %arg11: memref<2000x64xf32, #tpu.memory_space<vmem>>, %arg12: memref<10x64xf32, #tpu.memory_space<vmem>>, %arg13: memref<10x64xf32, #tpu.memory_space<vmem>>) attributes {dimension_semantics = [#tpu.dimension_semantics<arbitrary>], iteration_bounds = array<i64: 5>, scalar_prefetch = 0 : i64, scratch_operands = 0 : i64, tpu.core_type = #tpu.core_type<tc>, window_params = [{transform_indices = @transform_0, window_bounds = array<i64: 2000, 128>}, {pipeline_mode = #tpu.pipeline_mode<synchronous>, transform_indices = @transform_1, window_bounds = array<i64: 128, 64>}, {pipeline_mode = #tpu.pipeline_mode<synchronous>, transform_indices = @transform_2, window_bounds = array<i64: 1, 64>}, {pipeline_mode = #tpu.pipeline_mode<synchronous>, transform_indices = @transform_3, window_bounds = array<i64: 64, 64>}, {pipeline_mode = #tpu.pipeline_mode<synchronous>, transform_indices = @transform_4, window_bounds = array<i64: 64, 64>}, {pipeline_mode = #tpu.pipeline_mode<synchronous>, transform_indices = @transform_5, window_bounds = array<i64: 10, 64>}, {pipeline_mode = #tpu.pipeline_mode<synchronous>, transform_indices = @transform_6, window_bounds = array<i64: 64, 64>}, {pipeline_mode = #tpu.pipeline_mode<synchronous>, transform_indices = @transform_7, window_bounds = array<i64: 64, 64>}, {transform_indices = @transform_8, window_bounds = array<i64: 2000, 64>}, {transform_indices = @transform_9, window_bounds = array<i64: 2000, 64>}, {transform_indices = @transform_10, window_bounds = array<i64: 2000, 64>}, {pipeline_mode = #tpu.pipeline_mode<synchronous>, transform_indices = @transform_11, window_bounds = array<i64: 10, 64>}, {pipeline_mode = #tpu.pipeline_mode<synchronous>, transform_indices = @transform_12, window_bounds = array<i64: 10, 64>}]} {
    %get3A = arith.constant 0 : index
    %get3A_0 = arith.constant 0 : index
    %get3A_1 = vector.load %arg1[%get3A, %get3A_0] : memref<2000x128xf32, #tpu.memory_space<vmem>>, vector<2000x128xf32>
    %get3A_2 = arith.constant 0 : index
    %get3A_3 = arith.constant 0 : index
    %get3A_4 = vector.load %arg2[%get3A_2, %get3A_3] : memref<128x64xf32, #tpu.memory_space<vmem>>, vector<128x64xf32>
    %dot_general3A = arith.constant dense<0.000000e+00> : vector<2000x64xf32>
    %dot_general3A_5 = tpu.matmul %get3A_1, %get3A_4, %dot_general3A {dimension_numbers = #tpu.dot_dimension_numbers<[1], [0], [0], [1], [0, 0, 1, 1], [], []>, transpose_lhs_hint = false} : vector<2000x128xf32>, vector<128x64xf32>, vector<2000x64xf32> -> vector<2000x64xf32>
    %get3A_6 = arith.constant 0 : index
    %get3A_7 = arith.constant 0 : index
    %get3A_8 = vector.load %arg3[%get3A_6, %get3A_7] : memref<1x64xf32, #tpu.memory_space<vmem>>, vector<1x64xf32>
    %add3A = vector.broadcast %get3A_8 : vector<1x64xf32> to vector<2000x64xf32>
    %add3A_9 = arith.addf %dot_general3A_5, %add3A : vector<2000x64xf32>
    %max3A = arith.constant 0.000000e+00 : f32
    %max3A_10 = vector.broadcast %max3A : f32 to vector<2000x64xf32>
    %max3A_11 = arith.maximumf %add3A_9, %max3A_10 : vector<2000x64xf32>
    %swap3A = arith.constant 0 : index
    %swap3A_12 = arith.constant 0 : index
    %swap3A_13 = vector.load %arg9[%swap3A, %swap3A_12] : memref<2000x64xf32, #tpu.memory_space<vmem>>, vector<2000x64xf32>
    tpu.vector_store %arg9[%swap3A, %swap3A_12], %max3A_11 {strides = array<i32>} : memref<2000x64xf32, #tpu.memory_space<vmem>>, vector<2000x64xf32>,
    %get3A_14 = arith.constant 0 : index
    %get3A_15 = arith.constant 0 : index
    %get3A_16 = vector.load %arg4[%get3A_14, %get3A_15] : memref<64x64xf32, #tpu.memory_space<vmem>>, vector<64x64xf32>
    %dot_general3A_17 = arith.constant dense<0.000000e+00> : vector<2000x64xf32>
    %dot_general3A_18 = tpu.matmul %max3A_11, %get3A_16, %dot_general3A_17 {dimension_numbers = #tpu.dot_dimension_numbers<[1], [0], [0], [1], [0, 0, 1, 1], [], []>, transpose_lhs_hint = false} : vector<2000x64xf32>, vector<64x64xf32>, vector<2000x64xf32> -> vector<2000x64xf32>
    %swap3A_19 = arith.constant 0 : index
    %swap3A_20 = arith.constant 0 : index
    %swap3A_21 = vector.load %arg10[%swap3A_19, %swap3A_20] : memref<2000x64xf32, #tpu.memory_space<vmem>>, vector<2000x64xf32>
    tpu.vector_store %arg10[%swap3A_19, %swap3A_20], %dot_general3A_18 {strides = array<i32>} : memref<2000x64xf32, #tpu.memory_space<vmem>>, vector<2000x64xf32>,
    %get3A_22 = arith.constant 0 : index
    %get3A_23 = arith.constant 0 : index
    %get3A_24 = vector.load %arg5[%get3A_22, %get3A_23] : memref<64x64xf32, #tpu.memory_space<vmem>>, vector<64x64xf32>
    %dot_general3A_25 = arith.constant dense<0.000000e+00> : vector<2000x64xf32>
    %dot_general3A_26 = tpu.matmul %max3A_11, %get3A_24, %dot_general3A_25 {dimension_numbers = #tpu.dot_dimension_numbers<[1], [0], [0], [1], [0, 0, 1, 1], [], []>, transpose_lhs_hint = false} : vector<2000x64xf32>, vector<64x64xf32>, vector<2000x64xf32> -> vector<2000x64xf32>
    %swap3A_27 = arith.constant 0 : index
    %swap3A_28 = arith.constant 0 : index
    %swap3A_29 = vector.load %arg11[%swap3A_27, %swap3A_28] : memref<2000x64xf32, #tpu.memory_space<vmem>>, vector<2000x64xf32>
    tpu.vector_store %arg11[%swap3A_27, %swap3A_28], %dot_general3A_26 {strides = array<i32>} : memref<2000x64xf32, #tpu.memory_space<vmem>>, vector<2000x64xf32>,
    %eq3A = arith.constant 0 : i32
    %eq3A_30 = arith.cmpi eq, %arg0, %eq3A : i32
    %convert_element_type3A = arith.extui %eq3A_30 : i1 to i32
    %cond3A = arith.constant 0 : i32
    %cond3A_31 = arith.cmpi ne, %convert_element_type3A, %cond3A : i32
    scf.if %cond3A_31 {
      %get3A_32 = arith.constant 0 : index
      %get3A_33 = arith.constant 0 : index
      %get3A_34 = vector.load %arg6[%get3A_32, %get3A_33] : memref<10x64xf32, #tpu.memory_space<vmem>>, vector<10x64xf32>
      %get3A_35 = arith.constant 0 : index
      %get3A_36 = arith.constant 0 : index
      %get3A_37 = vector.load %arg7[%get3A_35, %get3A_36] : memref<64x64xf32, #tpu.memory_space<vmem>>, vector<64x64xf32>
      %dot_general3A_38 = arith.constant dense<0.000000e+00> : vector<10x64xf32>
      %dot_general3A_39 = tpu.matmul %get3A_34, %get3A_37, %dot_general3A_38 {dimension_numbers = #tpu.dot_dimension_numbers<[1], [0], [0], [1], [0, 0, 1, 1], [], []>, transpose_lhs_hint = false} : vector<10x64xf32>, vector<64x64xf32>, vector<10x64xf32> -> vector<10x64xf32>
      %swap3A_40 = arith.constant 0 : index
      %swap3A_41 = arith.constant 0 : index
      %swap3A_42 = vector.load %arg12[%swap3A_40, %swap3A_41] : memref<10x64xf32, #tpu.memory_space<vmem>>, vector<10x64xf32>
      tpu.vector_store %arg12[%swap3A_40, %swap3A_41], %dot_general3A_39 {strides = array<i32>} : memref<10x64xf32, #tpu.memory_space<vmem>>, vector<10x64xf32>,
      %get3A_43 = arith.constant 0 : index
      %get3A_44 = arith.constant 0 : index
      %get3A_45 = vector.load %arg6[%get3A_43, %get3A_44] : memref<10x64xf32, #tpu.memory_space<vmem>>, vector<10x64xf32>
      %get3A_46 = arith.constant 0 : index
      %get3A_47 = arith.constant 0 : index
      %get3A_48 = vector.load %arg8[%get3A_46, %get3A_47] : memref<64x64xf32, #tpu.memory_space<vmem>>, vector<64x64xf32>
      %dot_general3A_49 = arith.constant dense<0.000000e+00> : vector<10x64xf32>
      %dot_general3A_50 = tpu.matmul %get3A_45, %get3A_48, %dot_general3A_49 {dimension_numbers = #tpu.dot_dimension_numbers<[1], [0], [0], [1], [0, 0, 1, 1], [], []>, transpose_lhs_hint = false} : vector<10x64xf32>, vector<64x64xf32>, vector<10x64xf32> -> vector<10x64xf32>
      %swap3A_51 = arith.constant 0 : index
      %swap3A_52 = arith.constant 0 : index
      %swap3A_53 = vector.load %arg13[%swap3A_51, %swap3A_52] : memref<10x64xf32, #tpu.memory_space<vmem>>, vector<10x64xf32>
      tpu.vector_store %arg13[%swap3A_51, %swap3A_52], %dot_general3A_50 {strides = array<i32>} : memref<10x64xf32, #tpu.memory_space<vmem>>, vector<10x64xf32>,
    } else {
    }
    return
  }
  func.func @transform_0(%arg0: i32) -> (i32, i32) {
    %c0_i32 = arith.constant 0 : i32
    %c0_i32_0 = arith.constant 0 : i32
    return %arg0, %c0_i32 : i32, i32
  }
  func.func @transform_1(%arg0: i32) -> (i32, i32) {
    %c0_i32 = arith.constant 0 : i32
    %c0_i32_0 = arith.constant 0 : i32
    %c0_i32_1 = arith.constant 0 : i32
    return %c0_i32, %c0_i32_0 : i32, i32
  }
  func.func @transform_2(%arg0: i32) -> (i32, i32) {
    %c0_i32 = arith.constant 0 : i32
    %c0_i32_0 = arith.constant 0 : i32
    %c0_i32_1 = arith.constant 0 : i32
    return %c0_i32, %c0_i32_0 : i32, i32
  }
  func.func @transform_3(%arg0: i32) -> (i32, i32) {
    %c0_i32 = arith.constant 0 : i32
    %c0_i32_0 = arith.constant 0 : i32
    %c0_i32_1 = arith.constant 0 : i32
    return %c0_i32, %c0_i32_0 : i32, i32
  }
  func.func @transform_4(%arg0: i32) -> (i32, i32) {
    %c0_i32 = arith.constant 0 : i32
    %c0_i32_0 = arith.constant 0 : i32
    %c0_i32_1 = arith.constant 0 : i32
    return %c0_i32, %c0_i32_0 : i32, i32
  }
  func.func @transform_5(%arg0: i32) -> (i32, i32) {
    %c0_i32 = arith.constant 0 : i32
    %c0_i32_0 = arith.constant 0 : i32
    %c0_i32_1 = arith.constant 0 : i32
    return %c0_i32, %c0_i32_0 : i32, i32
  }
  func.func @transform_6(%arg0: i32) -> (i32, i32) {
    %c0_i32 = arith.constant 0 : i32
    %c0_i32_0 = arith.constant 0 : i32
    %c0_i32_1 = arith.constant 0 : i32
    return %c0_i32, %c0_i32_0 : i32, i32
  }
  func.func @transform_7(%arg0: i32) -> (i32, i32) {
    %c0_i32 = arith.constant 0 : i32
    %c0_i32_0 = arith.constant 0 : i32
    %c0_i32_1 = arith.constant 0 : i32
    return %c0_i32, %c0_i32_0 : i32, i32
  }
  func.func @transform_8(%arg0: i32) -> (i32, i32) {
    %c0_i32 = arith.constant 0 : i32
    %c0_i32_0 = arith.constant 0 : i32
    return %arg0, %c0_i32 : i32, i32
  }
  func.func @transform_9(%arg0: i32) -> (i32, i32) {
    %c0_i32 = arith.constant 0 : i32
    %c0_i32_0 = arith.constant 0 : i32
    return %arg0, %c0_i32 : i32, i32
  }
  func.func @transform_10(%arg0: i32) -> (i32, i32) {
    %c0_i32 = arith.constant 0 : i32
    %c0_i32_0 = arith.constant 0 : i32
    return %arg0, %c0_i32 : i32, i32
  }
  func.func @transform_11(%arg0: i32) -> (i32, i32) {
    %c0_i32 = arith.constant 0 : i32
    %c0_i32_0 = arith.constant 0 : i32
    %c0_i32_1 = arith.constant 0 : i32
    return %c0_i32, %c0_i32_0 : i32, i32
  }
  func.func @transform_12(%arg0: i32) -> (i32, i32) {
    %c0_i32 = arith.constant 0 : i32
    %c0_i32_0 = arith.constant 0 : i32
    %c0_i32_1 = arith.constant 0 : i32
    return %c0_i32, %c0_i32_0 : i32, i32
  }
}

module attributes {stable_mosaic.version = 14 : i64} {
  func.func @_edge_body(%arg0: i32, %arg1: memref<4000x64xf32, #tpu.memory_space<vmem>>, %arg2: memref<4000x16xf32, #tpu.memory_space<vmem>>, %arg3: memref<1x4000x1xi32, #tpu.memory_space<vmem>>, %arg4: memref<16x64xf32, #tpu.memory_space<vmem>>, %arg5: memref<1x64xf32, #tpu.memory_space<vmem>>, %arg6: memref<64x64xf32, #tpu.memory_space<vmem>>, %arg7: memref<10x64xf32, #tpu.memory_space<vmem>>, %arg8: memref<1x64xf32, #tpu.memory_space<vmem>>, %arg9: memref<64x64xf32, #tpu.memory_space<vmem>>, %arg10: memref<1x64xf32, #tpu.memory_space<vmem>>, %arg11: memref<4000x64xf32, #tpu.memory_space<vmem>>, %arg12: memref<10x64xf32, #tpu.memory_space<vmem>>, %arg13: memref<10x1xf32, #tpu.memory_space<vmem>>) attributes {dimension_semantics = [#tpu.dimension_semantics<arbitrary>], iteration_bounds = array<i64: 80>, scalar_prefetch = 0 : i64, scratch_operands = 0 : i64, tpu.core_type = #tpu.core_type<tc>, window_params = [{transform_indices = @transform_0, window_bounds = array<i64: 4000, 64>}, {transform_indices = @transform_1, window_bounds = array<i64: 4000, 16>}, {transform_indices = @transform_2, window_bounds = array<i64: 1, 4000, 1>}, {pipeline_mode = #tpu.pipeline_mode<synchronous>, transform_indices = @transform_3, window_bounds = array<i64: 16, 64>}, {pipeline_mode = #tpu.pipeline_mode<synchronous>, transform_indices = @transform_4, window_bounds = array<i64: 1, 64>}, {pipeline_mode = #tpu.pipeline_mode<synchronous>, transform_indices = @transform_5, window_bounds = array<i64: 64, 64>}, {pipeline_mode = #tpu.pipeline_mode<synchronous>, transform_indices = @transform_6, window_bounds = array<i64: 10, 64>}, {pipeline_mode = #tpu.pipeline_mode<synchronous>, transform_indices = @transform_7, window_bounds = array<i64: 1, 64>}, {pipeline_mode = #tpu.pipeline_mode<synchronous>, transform_indices = @transform_8, window_bounds = array<i64: 64, 64>}, {pipeline_mode = #tpu.pipeline_mode<synchronous>, transform_indices = @transform_9, window_bounds = array<i64: 1, 64>}, {transform_indices = @transform_10, window_bounds = array<i64: 4000, 64>}, {pipeline_mode = #tpu.pipeline_mode<synchronous>, transform_indices = @transform_11, window_bounds = array<i64: 10, 64>}, {pipeline_mode = #tpu.pipeline_mode<synchronous>, transform_indices = @transform_12, window_bounds = array<i64: 10, 1>}]} {
    %get3A = arith.constant 0 : index
    %get3A_0 = arith.constant 0 : index
    %get3A_1 = arith.constant 0 : index
    %get3A_2 = vector.load %arg3[%get3A, %get3A_0, %get3A_1] : memref<1x4000x1xi32, #tpu.memory_space<vmem>>, vector<1x4000x1xi32>
    %get3A_3 = vector.shape_cast %get3A_2 : vector<1x4000x1xi32> to vector<4000x1xi32>
    %jit3A = arith.constant 1000 : i32
    %div3A = vector.broadcast %jit3A : i32 to vector<4000x1xi32>
    %div3A_4 = arith.divsi %get3A_3, %div3A : vector<4000x1xi32>
    %sign3A = arith.constant 0 : i32
    %sign3A_5 = vector.broadcast %sign3A : i32 to vector<4000x1xi32>
    %sign3A_6 = arith.cmpi sgt, %get3A_3, %sign3A_5 : vector<4000x1xi32>
    %sign3A_7 = arith.extui %sign3A_6 : vector<4000x1xi1> to vector<4000x1xi32>
    %sign3A_8 = arith.constant 0 : i32
    %sign3A_9 = vector.broadcast %sign3A_8 : i32 to vector<4000x1xi32>
    %sign3A_10 = arith.cmpi slt, %get3A_3, %sign3A_9 : vector<4000x1xi32>
    %sign3A_11 = arith.extui %sign3A_10 : vector<4000x1xi1> to vector<4000x1xi32>
    %sign3A_12 = arith.subi %sign3A_7, %sign3A_11 : vector<4000x1xi32>
    %sign3A_13 = arith.constant 0 : i32
    %sign3A_14 = arith.cmpi sgt, %jit3A, %sign3A_13 : i32
    %sign3A_15 = arith.extui %sign3A_14 : i1 to i32
    %sign3A_16 = arith.constant 0 : i32
    %sign3A_17 = arith.cmpi slt, %jit3A, %sign3A_16 : i32
    %sign3A_18 = arith.extui %sign3A_17 : i1 to i32
    %sign3A_19 = arith.subi %sign3A_15, %sign3A_18 : i32
    %ne3A = vector.broadcast %sign3A_19 : i32 to vector<4000x1xi32>
    %ne3A_20 = arith.cmpi ne, %sign3A_12, %ne3A : vector<4000x1xi32>
    %rem3A = vector.broadcast %jit3A : i32 to vector<4000x1xi32>
    %rem3A_21 = arith.remsi %get3A_3, %rem3A : vector<4000x1xi32>
    %ne3A_22 = arith.constant 0 : i32
    %ne3A_23 = vector.broadcast %ne3A_22 : i32 to vector<4000x1xi32>
    %ne3A_24 = arith.cmpi ne, %rem3A_21, %ne3A_23 : vector<4000x1xi32>
    %and3A = arith.andi %ne3A_20, %ne3A_24 : vector<4000x1xi1>
    %sub3A = arith.constant 1 : i32
    %sub3A_25 = vector.broadcast %sub3A : i32 to vector<4000x1xi32>
    %sub3A_26 = arith.subi %div3A_4, %sub3A_25 : vector<4000x1xi32>
    %select_n3A = arith.select %and3A, %sub3A_26, %div3A_4 : vector<4000x1xi1>, vector<4000x1xi32>
    %iota3A = tpu.iota {dimensions = array<i32: 1>} : vector<4000x10xi32>
    %eq3A = vector.broadcast %select_n3A : vector<4000x1xi32> to vector<4000x10xi32>
    %eq3A_27 = arith.cmpi eq, %eq3A, %iota3A : vector<4000x10xi32>
    %convert_element_type3A = arith.extui %eq3A_27 : vector<4000x10xi1> to vector<4000x10xi32>
    %convert_element_type3A_28 = arith.sitofp %convert_element_type3A : vector<4000x10xi32> to vector<4000x10xf32>
    %get3A_29 = arith.constant 0 : index
    %get3A_30 = arith.constant 0 : index
    %get3A_31 = vector.load %arg2[%get3A_29, %get3A_30] : memref<4000x16xf32, #tpu.memory_space<vmem>>, vector<4000x16xf32>
    %get3A_32 = arith.constant 0 : index
    %get3A_33 = arith.constant 0 : index
    %get3A_34 = vector.load %arg4[%get3A_32, %get3A_33] : memref<16x64xf32, #tpu.memory_space<vmem>>, vector<16x64xf32>
    %dot_general3A = arith.constant dense<0.000000e+00> : vector<4000x64xf32>
    %dot_general3A_35 = tpu.matmul %get3A_31, %get3A_34, %dot_general3A {dimension_numbers = #tpu.dot_dimension_numbers<[1], [0], [0], [1], [0, 0, 1, 1], [], []>, transpose_lhs_hint = false} : vector<4000x16xf32>, vector<16x64xf32>, vector<4000x64xf32> -> vector<4000x64xf32>
    %get3A_36 = arith.constant 0 : index
    %get3A_37 = arith.constant 0 : index
    %get3A_38 = vector.load %arg5[%get3A_36, %get3A_37] : memref<1x64xf32, #tpu.memory_space<vmem>>, vector<1x64xf32>
    %add3A = vector.broadcast %get3A_38 : vector<1x64xf32> to vector<4000x64xf32>
    %add3A_39 = arith.addf %dot_general3A_35, %add3A : vector<4000x64xf32>
    %max3A = arith.constant 0.000000e+00 : f32
    %max3A_40 = vector.broadcast %max3A : f32 to vector<4000x64xf32>
    %max3A_41 = arith.maximumf %add3A_39, %max3A_40 : vector<4000x64xf32>
    %get3A_42 = arith.constant 0 : index
    %get3A_43 = arith.constant 0 : index
    %get3A_44 = vector.load %arg1[%get3A_42, %get3A_43] : memref<4000x64xf32, #tpu.memory_space<vmem>>, vector<4000x64xf32>
    %get3A_45 = arith.constant 0 : index
    %get3A_46 = arith.constant 0 : index
    %get3A_47 = vector.load %arg6[%get3A_45, %get3A_46] : memref<64x64xf32, #tpu.memory_space<vmem>>, vector<64x64xf32>
    %dot_general3A_48 = arith.constant dense<0.000000e+00> : vector<4000x64xf32>
    %dot_general3A_49 = tpu.matmul %max3A_41, %get3A_47, %dot_general3A_48 {dimension_numbers = #tpu.dot_dimension_numbers<[1], [0], [0], [1], [0, 0, 1, 1], [], []>, transpose_lhs_hint = false} : vector<4000x64xf32>, vector<64x64xf32>, vector<4000x64xf32> -> vector<4000x64xf32>
    %add3A_50 = arith.addf %get3A_44, %dot_general3A_49 : vector<4000x64xf32>
    %get3A_51 = arith.constant 0 : index
    %get3A_52 = arith.constant 0 : index
    %get3A_53 = vector.load %arg7[%get3A_51, %get3A_52] : memref<10x64xf32, #tpu.memory_space<vmem>>, vector<10x64xf32>
    %dot_general3A_54 = arith.constant dense<0.000000e+00> : vector<4000x64xf32>
    %dot_general3A_55 = tpu.matmul %convert_element_type3A_28, %get3A_53, %dot_general3A_54 {dimension_numbers = #tpu.dot_dimension_numbers<[1], [0], [0], [1], [0, 0, 1, 1], [], []>, transpose_lhs_hint = false} : vector<4000x10xf32>, vector<10x64xf32>, vector<4000x64xf32> -> vector<4000x64xf32>
    %add3A_56 = arith.addf %add3A_50, %dot_general3A_55 : vector<4000x64xf32>
    %get3A_57 = arith.constant 0 : index
    %get3A_58 = arith.constant 0 : index
    %get3A_59 = vector.load %arg8[%get3A_57, %get3A_58] : memref<1x64xf32, #tpu.memory_space<vmem>>, vector<1x64xf32>
    %add3A_60 = vector.broadcast %get3A_59 : vector<1x64xf32> to vector<4000x64xf32>
    %add3A_61 = arith.addf %add3A_56, %add3A_60 : vector<4000x64xf32>
    %max3A_62 = arith.constant 0.000000e+00 : f32
    %max3A_63 = vector.broadcast %max3A_62 : f32 to vector<4000x64xf32>
    %max3A_64 = arith.maximumf %add3A_61, %max3A_63 : vector<4000x64xf32>
    %get3A_65 = arith.constant 0 : index
    %get3A_66 = arith.constant 0 : index
    %get3A_67 = vector.load %arg9[%get3A_65, %get3A_66] : memref<64x64xf32, #tpu.memory_space<vmem>>, vector<64x64xf32>
    %dot_general3A_68 = arith.constant dense<0.000000e+00> : vector<4000x64xf32>
    %dot_general3A_69 = tpu.matmul %max3A_64, %get3A_67, %dot_general3A_68 {dimension_numbers = #tpu.dot_dimension_numbers<[1], [0], [0], [1], [0, 0, 1, 1], [], []>, transpose_lhs_hint = false} : vector<4000x64xf32>, vector<64x64xf32>, vector<4000x64xf32> -> vector<4000x64xf32>
    %get3A_70 = arith.constant 0 : index
    %get3A_71 = arith.constant 0 : index
    %get3A_72 = vector.load %arg10[%get3A_70, %get3A_71] : memref<1x64xf32, #tpu.memory_space<vmem>>, vector<1x64xf32>
    %add3A_73 = vector.broadcast %get3A_72 : vector<1x64xf32> to vector<4000x64xf32>
    %add3A_74 = arith.addf %dot_general3A_69, %add3A_73 : vector<4000x64xf32>
    %reduce_sum3A = arith.constant dense<0.000000e+00> : vector<4000xf32>
    %reduce_sum3A_75 = vector.multi_reduction <add>, %add3A_74, %reduce_sum3A [1] : vector<4000x64xf32> to vector<4000xf32>
    %broadcast_in_dim3A = vector.shape_cast %reduce_sum3A_75 : vector<4000xf32> to vector<4000x1xf32>
    %div3A_76 = arith.constant 6.400000e+01 : f32
    %div3A_77 = vector.broadcast %div3A_76 : f32 to vector<4000x1xf32>
    %div3A_78 = arith.divf %broadcast_in_dim3A, %div3A_77 : vector<4000x1xf32>
    %sub3A_79 = vector.broadcast %div3A_78 : vector<4000x1xf32> to vector<4000x64xf32>
    %sub3A_80 = arith.subf %add3A_74, %sub3A_79 : vector<4000x64xf32>
    %integer_pow3A = arith.mulf %sub3A_80, %sub3A_80 : vector<4000x64xf32>
    %reduce_sum3A_81 = arith.constant dense<0.000000e+00> : vector<4000xf32>
    %reduce_sum3A_82 = vector.multi_reduction <add>, %integer_pow3A, %reduce_sum3A_81 [1] : vector<4000x64xf32> to vector<4000xf32>
    %broadcast_in_dim3A_83 = vector.shape_cast %reduce_sum3A_82 : vector<4000xf32> to vector<4000x1xf32>
    %div3A_84 = arith.constant 6.400000e+01 : f32
    %div3A_85 = vector.broadcast %div3A_84 : f32 to vector<4000x1xf32>
    %div3A_86 = arith.divf %broadcast_in_dim3A_83, %div3A_85 : vector<4000x1xf32>
    %sub3A_87 = vector.broadcast %div3A_78 : vector<4000x1xf32> to vector<4000x64xf32>
    %sub3A_88 = arith.subf %add3A_74, %sub3A_87 : vector<4000x64xf32>
    %add3A_89 = arith.constant 9.99999974E-6 : f32
    %add3A_90 = vector.broadcast %add3A_89 : f32 to vector<4000x1xf32>
    %add3A_91 = arith.addf %div3A_86, %add3A_90 : vector<4000x1xf32>
    %sqrt3A = math.sqrt %add3A_91 : vector<4000x1xf32>
    %div3A_92 = vector.broadcast %sqrt3A : vector<4000x1xf32> to vector<4000x64xf32>
    %div3A_93 = arith.divf %sub3A_88, %div3A_92 : vector<4000x64xf32>
    %swap3A = arith.constant 0 : index
    %swap3A_94 = arith.constant 0 : index
    %swap3A_95 = vector.load %arg11[%swap3A, %swap3A_94] : memref<4000x64xf32, #tpu.memory_space<vmem>>, vector<4000x64xf32>
    tpu.vector_store %arg11[%swap3A, %swap3A_94], %div3A_93 {strides = array<i32>} : memref<4000x64xf32, #tpu.memory_space<vmem>>, vector<4000x64xf32>,
    %eq3A_96 = arith.constant 0 : i32
    %eq3A_97 = arith.cmpi eq, %arg0, %eq3A_96 : i32
    %convert_element_type3A_98 = arith.extui %eq3A_97 : i1 to i32
    %cond3A = arith.constant 0 : i32
    %cond3A_99 = arith.cmpi ne, %convert_element_type3A_98, %cond3A : i32
    scf.if %cond3A_99 {
      %broadcast_in_dim3A_119 = arith.constant 0.000000e+00 : f32
      %broadcast_in_dim3A_120 = vector.broadcast %broadcast_in_dim3A_119 : f32 to vector<10x64xf32>
      %swap3A_121 = arith.constant 0 : index
      %swap3A_122 = arith.constant 0 : index
      %swap3A_123 = vector.load %arg12[%swap3A_121, %swap3A_122] : memref<10x64xf32, #tpu.memory_space<vmem>>, vector<10x64xf32>
      tpu.vector_store %arg12[%swap3A_121, %swap3A_122], %broadcast_in_dim3A_120 {strides = array<i32>} : memref<10x64xf32, #tpu.memory_space<vmem>>, vector<10x64xf32>,
      %broadcast_in_dim3A_124 = arith.constant 0.000000e+00 : f32
      %broadcast_in_dim3A_125 = vector.broadcast %broadcast_in_dim3A_124 : f32 to vector<10x1xf32>
      %swap3A_126 = arith.constant 0 : index
      %swap3A_127 = arith.constant 0 : index
      %swap3A_128 = vector.load %arg13[%swap3A_126, %swap3A_127] : memref<10x1xf32, #tpu.memory_space<vmem>>, vector<10x1xf32>
      tpu.vector_store %arg13[%swap3A_126, %swap3A_127], %broadcast_in_dim3A_125 {strides = array<i32>} : memref<10x1xf32, #tpu.memory_space<vmem>>, vector<10x1xf32>,
    } else {
    }
    %get3A_100 = arith.constant 0 : index
    %get3A_101 = arith.constant 0 : index
    %get3A_102 = vector.load %arg12[%get3A_100, %get3A_101] : memref<10x64xf32, #tpu.memory_space<vmem>>, vector<10x64xf32>
    %dot_general3A_103 = arith.constant dense<0.000000e+00> : vector<10x64xf32>
    %dot_general3A_104 = tpu.matmul %convert_element_type3A_28, %div3A_93, %dot_general3A_103 {dimension_numbers = #tpu.dot_dimension_numbers<[0], [0], [1], [1], [0, 1, 1, 1], [], []>, transpose_lhs_hint = false} : vector<4000x10xf32>, vector<4000x64xf32>, vector<10x64xf32> -> vector<10x64xf32>
    %add3A_105 = arith.addf %get3A_102, %dot_general3A_104 : vector<10x64xf32>
    %swap3A_106 = arith.constant 0 : index
    %swap3A_107 = arith.constant 0 : index
    %swap3A_108 = vector.load %arg12[%swap3A_106, %swap3A_107] : memref<10x64xf32, #tpu.memory_space<vmem>>, vector<10x64xf32>
    tpu.vector_store %arg12[%swap3A_106, %swap3A_107], %add3A_105 {strides = array<i32>} : memref<10x64xf32, #tpu.memory_space<vmem>>, vector<10x64xf32>,
    %get3A_109 = arith.constant 0 : index
    %get3A_110 = arith.constant 0 : index
    %get3A_111 = vector.load %arg13[%get3A_109, %get3A_110] : memref<10x1xf32, #tpu.memory_space<vmem>>, vector<10x1xf32>
    %reduce_sum3A_112 = arith.constant dense<0.000000e+00> : vector<10xf32>
    %reduce_sum3A_113 = vector.multi_reduction <add>, %convert_element_type3A_28, %reduce_sum3A_112 [0] : vector<4000x10xf32> to vector<10xf32>
    %broadcast_in_dim3A_114 = vector.shape_cast %reduce_sum3A_113 : vector<10xf32> to vector<10x1xf32>
    %add3A_115 = arith.addf %get3A_111, %broadcast_in_dim3A_114 : vector<10x1xf32>
    %swap3A_116 = arith.constant 0 : index
    %swap3A_117 = arith.constant 0 : index
    %swap3A_118 = vector.load %arg13[%swap3A_116, %swap3A_117] : memref<10x1xf32, #tpu.memory_space<vmem>>, vector<10x1xf32>
    tpu.vector_store %arg13[%swap3A_116, %swap3A_117], %add3A_115 {strides = array<i32>} : memref<10x1xf32, #tpu.memory_space<vmem>>, vector<10x1xf32>,
    return
  }
  func.func @transform_0(%arg0: i32) -> (i32, i32) {
    %c0_i32 = arith.constant 0 : i32
    %c0_i32_0 = arith.constant 0 : i32
    return %arg0, %c0_i32 : i32, i32
  }
  func.func @transform_1(%arg0: i32) -> (i32, i32) {
    %c0_i32 = arith.constant 0 : i32
    %c0_i32_0 = arith.constant 0 : i32
    return %arg0, %c0_i32 : i32, i32
  }
  func.func @transform_2(%arg0: i32) -> (i32, i32, i32) {
    %c0_i32 = arith.constant 0 : i32
    %c0_i32_0 = arith.constant 0 : i32
    %c0_i32_1 = arith.constant 0 : i32
    return %arg0, %c0_i32, %c0_i32_0 : i32, i32, i32
  }
  func.func @transform_3(%arg0: i32) -> (i32, i32) {
    %c0_i32 = arith.constant 0 : i32
    %c0_i32_0 = arith.constant 0 : i32
    %c0_i32_1 = arith.constant 0 : i32
    return %c0_i32, %c0_i32_0 : i32, i32
  }
  func.func @transform_4(%arg0: i32) -> (i32, i32) {
    %c0_i32 = arith.constant 0 : i32
    %c0_i32_0 = arith.constant 0 : i32
    %c0_i32_1 = arith.constant 0 : i32
    return %c0_i32, %c0_i32_0 : i32, i32
  }
  func.func @transform_5(%arg0: i32) -> (i32, i32) {
    %c0_i32 = arith.constant 0 : i32
    %c0_i32_0 = arith.constant 0 : i32
    %c0_i32_1 = arith.constant 0 : i32
    return %c0_i32, %c0_i32_0 : i32, i32
  }
  func.func @transform_6(%arg0: i32) -> (i32, i32) {
    %c0_i32 = arith.constant 0 : i32
    %c0_i32_0 = arith.constant 0 : i32
    %c0_i32_1 = arith.constant 0 : i32
    return %c0_i32, %c0_i32_0 : i32, i32
  }
  func.func @transform_7(%arg0: i32) -> (i32, i32) {
    %c0_i32 = arith.constant 0 : i32
    %c0_i32_0 = arith.constant 0 : i32
    %c0_i32_1 = arith.constant 0 : i32
    return %c0_i32, %c0_i32_0 : i32, i32
  }
  func.func @transform_8(%arg0: i32) -> (i32, i32) {
    %c0_i32 = arith.constant 0 : i32
    %c0_i32_0 = arith.constant 0 : i32
    %c0_i32_1 = arith.constant 0 : i32
    return %c0_i32, %c0_i32_0 : i32, i32
  }
  func.func @transform_9(%arg0: i32) -> (i32, i32) {
    %c0_i32 = arith.constant 0 : i32
    %c0_i32_0 = arith.constant 0 : i32
    %c0_i32_1 = arith.constant 0 : i32
    return %c0_i32, %c0_i32_0 : i32, i32
  }
  func.func @transform_10(%arg0: i32) -> (i32, i32) {
    %c0_i32 = arith.constant 0 : i32
    %c0_i32_0 = arith.constant 0 : i32
    return %arg0, %c0_i32 : i32, i32
  }
  func.func @transform_11(%arg0: i32) -> (i32, i32) {
    %c0_i32 = arith.constant 0 : i32
    %c0_i32_0 = arith.constant 0 : i32
    %c0_i32_1 = arith.constant 0 : i32
    return %c0_i32, %c0_i32_0 : i32, i32
  }
  func.func @transform_12(%arg0: i32) -> (i32, i32) {
    %c0_i32 = arith.constant 0 : i32
    %c0_i32_0 = arith.constant 0 : i32
    %c0_i32_1 = arith.constant 0 : i32
    return %c0_i32, %c0_i32_0 : i32, i32
  }
}

module attributes {stable_mosaic.version = 14 : i64} {
  func.func @_node_body(%arg0: i32, %arg1: memref<1000x64xf32, #tpu.memory_space<vmem>>, %arg2: memref<1000x64xf32, #tpu.memory_space<vmem>>, %arg3: memref<1000x64xf32, #tpu.memory_space<vmem>>, %arg4: memref<1000x16xf32, #tpu.memory_space<vmem>>, %arg5: memref<1000x16xf32, #tpu.memory_space<vmem>>, %arg6: memref<1x1x64xf32, #tpu.memory_space<vmem>>, %arg7: memref<64x64xf32, #tpu.memory_space<vmem>>, %arg8: memref<64x64xf32, #tpu.memory_space<vmem>>, %arg9: memref<1x64xf32, #tpu.memory_space<vmem>>, %arg10: memref<64x64xf32, #tpu.memory_space<vmem>>, %arg11: memref<1x64xf32, #tpu.memory_space<vmem>>, %arg12: memref<64x64xf32, #tpu.memory_space<vmem>>, %arg13: memref<64x64xf32, #tpu.memory_space<vmem>>, %arg14: memref<1x64xf32, #tpu.memory_space<vmem>>, %arg15: memref<1x64xf32, #tpu.memory_space<vmem>>, %arg16: memref<1000x64xf32, #tpu.memory_space<vmem>>, %arg17: memref<1000x64xf32, #tpu.memory_space<vmem>>, %arg18: memref<1000x64xf32, #tpu.memory_space<vmem>>, %arg19: memref<1x1x64xf32, #tpu.memory_space<vmem>>) attributes {dimension_semantics = [#tpu.dimension_semantics<arbitrary>], iteration_bounds = array<i64: 10>, scalar_prefetch = 0 : i64, scratch_operands = 0 : i64, tpu.core_type = #tpu.core_type<tc>, window_params = [{transform_indices = @transform_0, window_bounds = array<i64: 1000, 64>}, {transform_indices = @transform_1, window_bounds = array<i64: 1000, 64>}, {transform_indices = @transform_2, window_bounds = array<i64: 1000, 64>}, {transform_indices = @transform_3, window_bounds = array<i64: 1000, 16>}, {transform_indices = @transform_4, window_bounds = array<i64: 1000, 16>}, {transform_indices = @transform_5, window_bounds = array<i64: 1, 1, 64>}, {pipeline_mode = #tpu.pipeline_mode<synchronous>, transform_indices = @transform_6, window_bounds = array<i64: 64, 64>}, {pipeline_mode = #tpu.pipeline_mode<synchronous>, transform_indices = @transform_7, window_bounds = array<i64: 64, 64>}, {pipeline_mode = #tpu.pipeline_mode<synchronous>, transform_indices = @transform_8, window_bounds = array<i64: 1, 64>}, {pipeline_mode = #tpu.pipeline_mode<synchronous>, transform_indices = @transform_9, window_bounds = array<i64: 64, 64>}, {pipeline_mode = #tpu.pipeline_mode<synchronous>, transform_indices = @transform_10, window_bounds = array<i64: 1, 64>}, {pipeline_mode = #tpu.pipeline_mode<synchronous>, transform_indices = @transform_11, window_bounds = array<i64: 64, 64>}, {pipeline_mode = #tpu.pipeline_mode<synchronous>, transform_indices = @transform_12, window_bounds = array<i64: 64, 64>}, {pipeline_mode = #tpu.pipeline_mode<synchronous>, transform_indices = @transform_13, window_bounds = array<i64: 1, 64>}, {pipeline_mode = #tpu.pipeline_mode<synchronous>, transform_indices = @transform_14, window_bounds = array<i64: 1, 64>}, {transform_indices = @transform_15, window_bounds = array<i64: 1000, 64>}, {transform_indices = @transform_16, window_bounds = array<i64: 1000, 64>}, {transform_indices = @transform_17, window_bounds = array<i64: 1000, 64>}, {transform_indices = @transform_18, window_bounds = array<i64: 1, 1, 64>}]} {
    %get3A = arith.constant 0 : index
    %get3A_0 = arith.constant 0 : index
    %get3A_1 = vector.load %arg4[%get3A, %get3A_0] : memref<1000x16xf32, #tpu.memory_space<vmem>>, vector<1000x1xf32>
    %get3A_2 = arith.constant 0 : index
    %get3A_3 = arith.constant 0 : index
    %get3A_4 = vector.load %arg5[%get3A_2, %get3A_3] : memref<1000x16xf32, #tpu.memory_space<vmem>>, vector<1000x1xf32>
    %add3A = arith.addf %get3A_1, %get3A_4 : vector<1000x1xf32>
    %max3A = arith.constant 1.000000e+00 : f32
    %max3A_5 = vector.broadcast %max3A : f32 to vector<1000x1xf32>
    %max3A_6 = arith.maximumf %add3A, %max3A_5 : vector<1000x1xf32>
    %get3A_7 = arith.constant 0 : index
    %get3A_8 = arith.constant 0 : index
    %get3A_9 = vector.load %arg2[%get3A_7, %get3A_8] : memref<1000x64xf32, #tpu.memory_space<vmem>>, vector<1000x64xf32>
    %get3A_10 = arith.constant 0 : index
    %get3A_11 = arith.constant 0 : index
    %get3A_12 = vector.load %arg3[%get3A_10, %get3A_11] : memref<1000x64xf32, #tpu.memory_space<vmem>>, vector<1000x64xf32>
    %add3A_13 = arith.addf %get3A_9, %get3A_12 : vector<1000x64xf32>
    %div3A = vector.broadcast %max3A_6 : vector<1000x1xf32> to vector<1000x64xf32>
    %div3A_14 = arith.divf %add3A_13, %div3A : vector<1000x64xf32>
    %get3A_15 = arith.constant 0 : index
    %get3A_16 = arith.constant 0 : index
    %get3A_17 = vector.load %arg1[%get3A_15, %get3A_16] : memref<1000x64xf32, #tpu.memory_space<vmem>>, vector<1000x64xf32>
    %get3A_18 = arith.constant 0 : index
    %get3A_19 = arith.constant 0 : index
    %get3A_20 = vector.load %arg7[%get3A_18, %get3A_19] : memref<64x64xf32, #tpu.memory_space<vmem>>, vector<64x64xf32>
    %dot_general3A = arith.constant dense<0.000000e+00> : vector<1000x64xf32>
    %dot_general3A_21 = tpu.matmul %get3A_17, %get3A_20, %dot_general3A {dimension_numbers = #tpu.dot_dimension_numbers<[1], [0], [0], [1], [0, 0, 1, 1], [], []>, transpose_lhs_hint = false} : vector<1000x64xf32>, vector<64x64xf32>, vector<1000x64xf32> -> vector<1000x64xf32>
    %get3A_22 = arith.constant 0 : index
    %get3A_23 = arith.constant 0 : index
    %get3A_24 = vector.load %arg8[%get3A_22, %get3A_23] : memref<64x64xf32, #tpu.memory_space<vmem>>, vector<64x64xf32>
    %dot_general3A_25 = arith.constant dense<0.000000e+00> : vector<1000x64xf32>
    %dot_general3A_26 = tpu.matmul %div3A_14, %get3A_24, %dot_general3A_25 {dimension_numbers = #tpu.dot_dimension_numbers<[1], [0], [0], [1], [0, 0, 1, 1], [], []>, transpose_lhs_hint = false} : vector<1000x64xf32>, vector<64x64xf32>, vector<1000x64xf32> -> vector<1000x64xf32>
    %add3A_27 = arith.addf %dot_general3A_21, %dot_general3A_26 : vector<1000x64xf32>
    %get3A_28 = arith.constant 0 : index
    %get3A_29 = arith.constant 0 : index
    %get3A_30 = arith.constant 0 : index
    %get3A_31 = vector.load %arg6[%get3A_28, %get3A_29, %get3A_30] : memref<1x1x64xf32, #tpu.memory_space<vmem>>, vector<1x1x64xf32>
    %get3A_32 = vector.shape_cast %get3A_31 : vector<1x1x64xf32> to vector<1x64xf32>
    %add3A_33 = vector.broadcast %get3A_32 : vector<1x64xf32> to vector<1000x64xf32>
    %add3A_34 = arith.addf %add3A_27, %add3A_33 : vector<1000x64xf32>
    %get3A_35 = arith.constant 0 : index
    %get3A_36 = arith.constant 0 : index
    %get3A_37 = vector.load %arg9[%get3A_35, %get3A_36] : memref<1x64xf32, #tpu.memory_space<vmem>>, vector<1x64xf32>
    %add3A_38 = vector.broadcast %get3A_37 : vector<1x64xf32> to vector<1000x64xf32>
    %add3A_39 = arith.addf %add3A_34, %add3A_38 : vector<1000x64xf32>
    %max3A_40 = arith.constant 0.000000e+00 : f32
    %max3A_41 = vector.broadcast %max3A_40 : f32 to vector<1000x64xf32>
    %max3A_42 = arith.maximumf %add3A_39, %max3A_41 : vector<1000x64xf32>
    %get3A_43 = arith.constant 0 : index
    %get3A_44 = arith.constant 0 : index
    %get3A_45 = vector.load %arg10[%get3A_43, %get3A_44] : memref<64x64xf32, #tpu.memory_space<vmem>>, vector<64x64xf32>
    %dot_general3A_46 = arith.constant dense<0.000000e+00> : vector<1000x64xf32>
    %dot_general3A_47 = tpu.matmul %max3A_42, %get3A_45, %dot_general3A_46 {dimension_numbers = #tpu.dot_dimension_numbers<[1], [0], [0], [1], [0, 0, 1, 1], [], []>, transpose_lhs_hint = false} : vector<1000x64xf32>, vector<64x64xf32>, vector<1000x64xf32> -> vector<1000x64xf32>
    %get3A_48 = arith.constant 0 : index
    %get3A_49 = arith.constant 0 : index
    %get3A_50 = vector.load %arg11[%get3A_48, %get3A_49] : memref<1x64xf32, #tpu.memory_space<vmem>>, vector<1x64xf32>
    %add3A_51 = vector.broadcast %get3A_50 : vector<1x64xf32> to vector<1000x64xf32>
    %add3A_52 = arith.addf %dot_general3A_47, %add3A_51 : vector<1000x64xf32>
    %reduce_sum3A = arith.constant dense<0.000000e+00> : vector<1000xf32>
    %reduce_sum3A_53 = vector.multi_reduction <add>, %add3A_52, %reduce_sum3A [1] : vector<1000x64xf32> to vector<1000xf32>
    %broadcast_in_dim3A = vector.shape_cast %reduce_sum3A_53 : vector<1000xf32> to vector<1000x1xf32>
    %div3A_54 = arith.constant 6.400000e+01 : f32
    %div3A_55 = vector.broadcast %div3A_54 : f32 to vector<1000x1xf32>
    %div3A_56 = arith.divf %broadcast_in_dim3A, %div3A_55 : vector<1000x1xf32>
    %sub3A = vector.broadcast %div3A_56 : vector<1000x1xf32> to vector<1000x64xf32>
    %sub3A_57 = arith.subf %add3A_52, %sub3A : vector<1000x64xf32>
    %integer_pow3A = arith.mulf %sub3A_57, %sub3A_57 : vector<1000x64xf32>
    %reduce_sum3A_58 = arith.constant dense<0.000000e+00> : vector<1000xf32>
    %reduce_sum3A_59 = vector.multi_reduction <add>, %integer_pow3A, %reduce_sum3A_58 [1] : vector<1000x64xf32> to vector<1000xf32>
    %broadcast_in_dim3A_60 = vector.shape_cast %reduce_sum3A_59 : vector<1000xf32> to vector<1000x1xf32>
    %div3A_61 = arith.constant 6.400000e+01 : f32
    %div3A_62 = vector.broadcast %div3A_61 : f32 to vector<1000x1xf32>
    %div3A_63 = arith.divf %broadcast_in_dim3A_60, %div3A_62 : vector<1000x1xf32>
    %sub3A_64 = vector.broadcast %div3A_56 : vector<1000x1xf32> to vector<1000x64xf32>
    %sub3A_65 = arith.subf %add3A_52, %sub3A_64 : vector<1000x64xf32>
    %add3A_66 = arith.constant 9.99999974E-6 : f32
    %add3A_67 = vector.broadcast %add3A_66 : f32 to vector<1000x1xf32>
    %add3A_68 = arith.addf %div3A_63, %add3A_67 : vector<1000x1xf32>
    %sqrt3A = math.sqrt %add3A_68 : vector<1000x1xf32>
    %div3A_69 = vector.broadcast %sqrt3A : vector<1000x1xf32> to vector<1000x64xf32>
    %div3A_70 = arith.divf %sub3A_65, %div3A_69 : vector<1000x64xf32>
    %reduce_sum3A_71 = arith.constant dense<0.000000e+00> : vector<64xf32>
    %reduce_sum3A_72 = vector.multi_reduction <add>, %div3A_70, %reduce_sum3A_71 [0] : vector<1000x64xf32> to vector<64xf32>
    %div3A_73 = arith.constant 1.000000e+03 : f32
    %div3A_74 = vector.broadcast %div3A_73 : f32 to vector<64xf32>
    %div3A_75 = arith.divf %reduce_sum3A_72, %div3A_74 : vector<64xf32>
    %swap3A = arith.constant 0 : index
    %swap3A_76 = arith.constant 0 : index
    %swap3A_77 = arith.constant 0 : index
    %swap3A_78 = vector.load %arg19[%swap3A, %swap3A_76, %swap3A_77] : memref<1x1x64xf32, #tpu.memory_space<vmem>>, vector<1x1x64xf32>
    %swap3A_79 = vector.shape_cast %swap3A_78 : vector<1x1x64xf32> to vector<64xf32>
    %swap3A_80 = vector.shape_cast %div3A_75 : vector<64xf32> to vector<1x1x64xf32>
    tpu.vector_store %arg19[%swap3A, %swap3A_76, %swap3A_77], %swap3A_80 {strides = array<i32>} : memref<1x1x64xf32, #tpu.memory_space<vmem>>, vector<1x1x64xf32>,
    %swap3A_81 = arith.constant 0 : index
    %swap3A_82 = arith.constant 0 : index
    %swap3A_83 = vector.load %arg16[%swap3A_81, %swap3A_82] : memref<1000x64xf32, #tpu.memory_space<vmem>>, vector<1000x64xf32>
    tpu.vector_store %arg16[%swap3A_81, %swap3A_82], %div3A_70 {strides = array<i32>} : memref<1000x64xf32, #tpu.memory_space<vmem>>, vector<1000x64xf32>,
    %get3A_84 = arith.constant 0 : index
    %get3A_85 = arith.constant 0 : index
    %get3A_86 = vector.load %arg12[%get3A_84, %get3A_85] : memref<64x64xf32, #tpu.memory_space<vmem>>, vector<64x64xf32>
    %dot_general3A_87 = arith.constant dense<0.000000e+00> : vector<1000x64xf32>
    %dot_general3A_88 = tpu.matmul %div3A_70, %get3A_86, %dot_general3A_87 {dimension_numbers = #tpu.dot_dimension_numbers<[1], [0], [0], [1], [0, 0, 1, 1], [], []>, transpose_lhs_hint = false} : vector<1000x64xf32>, vector<64x64xf32>, vector<1000x64xf32> -> vector<1000x64xf32>
    %swap3A_89 = arith.constant 0 : index
    %swap3A_90 = arith.constant 0 : index
    %swap3A_91 = vector.load %arg17[%swap3A_89, %swap3A_90] : memref<1000x64xf32, #tpu.memory_space<vmem>>, vector<1000x64xf32>
    tpu.vector_store %arg17[%swap3A_89, %swap3A_90], %dot_general3A_88 {strides = array<i32>} : memref<1000x64xf32, #tpu.memory_space<vmem>>, vector<1000x64xf32>,
    %get3A_92 = arith.constant 0 : index
    %get3A_93 = arith.constant 0 : index
    %get3A_94 = vector.load %arg13[%get3A_92, %get3A_93] : memref<64x64xf32, #tpu.memory_space<vmem>>, vector<64x64xf32>
    %dot_general3A_95 = arith.constant dense<0.000000e+00> : vector<1000x64xf32>
    %dot_general3A_96 = tpu.matmul %div3A_70, %get3A_94, %dot_general3A_95 {dimension_numbers = #tpu.dot_dimension_numbers<[1], [0], [0], [1], [0, 0, 1, 1], [], []>, transpose_lhs_hint = false} : vector<1000x64xf32>, vector<64x64xf32>, vector<1000x64xf32> -> vector<1000x64xf32>
    %swap3A_97 = arith.constant 0 : index
    %swap3A_98 = arith.constant 0 : index
    %swap3A_99 = vector.load %arg18[%swap3A_97, %swap3A_98] : memref<1000x64xf32, #tpu.memory_space<vmem>>, vector<1000x64xf32>
    tpu.vector_store %arg18[%swap3A_97, %swap3A_98], %dot_general3A_96 {strides = array<i32>} : memref<1000x64xf32, #tpu.memory_space<vmem>>, vector<1000x64xf32>,
    return
  }
  func.func @transform_0(%arg0: i32) -> (i32, i32) {
    %c0_i32 = arith.constant 0 : i32
    %c0_i32_0 = arith.constant 0 : i32
    return %arg0, %c0_i32 : i32, i32
  }
  func.func @transform_1(%arg0: i32) -> (i32, i32) {
    %c0_i32 = arith.constant 0 : i32
    %c0_i32_0 = arith.constant 0 : i32
    return %arg0, %c0_i32 : i32, i32
  }
  func.func @transform_2(%arg0: i32) -> (i32, i32) {
    %c0_i32 = arith.constant 0 : i32
    %c0_i32_0 = arith.constant 0 : i32
    return %arg0, %c0_i32 : i32, i32
  }
  func.func @transform_3(%arg0: i32) -> (i32, i32) {
    %c0_i32 = arith.constant 0 : i32
    %c0_i32_0 = arith.constant 0 : i32
    return %arg0, %c0_i32 : i32, i32
  }
  func.func @transform_4(%arg0: i32) -> (i32, i32) {
    %c0_i32 = arith.constant 0 : i32
    %c0_i32_0 = arith.constant 0 : i32
    return %arg0, %c0_i32 : i32, i32
  }
  func.func @transform_5(%arg0: i32) -> (i32, i32, i32) {
    %c0_i32 = arith.constant 0 : i32
    %c0_i32_0 = arith.constant 0 : i32
    %c0_i32_1 = arith.constant 0 : i32
    return %arg0, %c0_i32, %c0_i32_0 : i32, i32, i32
  }
  func.func @transform_6(%arg0: i32) -> (i32, i32) {
    %c0_i32 = arith.constant 0 : i32
    %c0_i32_0 = arith.constant 0 : i32
    %c0_i32_1 = arith.constant 0 : i32
    return %c0_i32, %c0_i32_0 : i32, i32
  }
  func.func @transform_7(%arg0: i32) -> (i32, i32) {
    %c0_i32 = arith.constant 0 : i32
    %c0_i32_0 = arith.constant 0 : i32
    %c0_i32_1 = arith.constant 0 : i32
    return %c0_i32, %c0_i32_0 : i32, i32
  }
  func.func @transform_8(%arg0: i32) -> (i32, i32) {
    %c0_i32 = arith.constant 0 : i32
    %c0_i32_0 = arith.constant 0 : i32
    %c0_i32_1 = arith.constant 0 : i32
    return %c0_i32, %c0_i32_0 : i32, i32
  }
  func.func @transform_9(%arg0: i32) -> (i32, i32) {
    %c0_i32 = arith.constant 0 : i32
    %c0_i32_0 = arith.constant 0 : i32
    %c0_i32_1 = arith.constant 0 : i32
    return %c0_i32, %c0_i32_0 : i32, i32
  }
  func.func @transform_10(%arg0: i32) -> (i32, i32) {
    %c0_i32 = arith.constant 0 : i32
    %c0_i32_0 = arith.constant 0 : i32
    %c0_i32_1 = arith.constant 0 : i32
    return %c0_i32, %c0_i32_0 : i32, i32
  }
  func.func @transform_11(%arg0: i32) -> (i32, i32) {
    %c0_i32 = arith.constant 0 : i32
    %c0_i32_0 = arith.constant 0 : i32
    %c0_i32_1 = arith.constant 0 : i32
    return %c0_i32, %c0_i32_0 : i32, i32
  }
  func.func @transform_12(%arg0: i32) -> (i32, i32) {
    %c0_i32 = arith.constant 0 : i32
    %c0_i32_0 = arith.constant 0 : i32
    %c0_i32_1 = arith.constant 0 : i32
    return %c0_i32, %c0_i32_0 : i32, i32
  }
  func.func @transform_13(%arg0: i32) -> (i32, i32) {
    %c0_i32 = arith.constant 0 : i32
    %c0_i32_0 = arith.constant 0 : i32
    %c0_i32_1 = arith.constant 0 : i32
    return %c0_i32, %c0_i32_0 : i32, i32
  }
  func.func @transform_14(%arg0: i32) -> (i32, i32) {
    %c0_i32 = arith.constant 0 : i32
    %c0_i32_0 = arith.constant 0 : i32
    %c0_i32_1 = arith.constant 0 : i32
    return %c0_i32, %c0_i32_0 : i32, i32
  }
  func.func @transform_15(%arg0: i32) -> (i32, i32) {
    %c0_i32 = arith.constant 0 : i32
    %c0_i32_0 = arith.constant 0 : i32
    return %arg0, %c0_i32 : i32, i32
  }
  func.func @transform_16(%arg0: i32) -> (i32, i32) {
    %c0_i32 = arith.constant 0 : i32
    %c0_i32_0 = arith.constant 0 : i32
    return %arg0, %c0_i32 : i32, i32
  }
  func.func @transform_17(%arg0: i32) -> (i32, i32) {
    %c0_i32 = arith.constant 0 : i32
    %c0_i32_0 = arith.constant 0 : i32
    return %arg0, %c0_i32 : i32, i32
  }
  func.func @transform_18(%arg0: i32) -> (i32, i32, i32) {
    %c0_i32 = arith.constant 0 : i32
    %c0_i32_0 = arith.constant 0 : i32
    %c0_i32_1 = arith.constant 0 : i32
    return %arg0, %c0_i32, %c0_i32_0 : i32, i32, i32
  }
}

module attributes {stable_mosaic.version = 14 : i64} {
  func.func @_glue_body(%arg0: memref<10x64xf32, #tpu.memory_space<vmem>>, %arg1: memref<10x64xf32, #tpu.memory_space<vmem>>, %arg2: memref<10x64xf32, #tpu.memory_space<vmem>>, %arg3: memref<10x64xf32, #tpu.memory_space<vmem>>, %arg4: memref<10x1xf32, #tpu.memory_space<vmem>>, %arg5: memref<10x1xf32, #tpu.memory_space<vmem>>, %arg6: memref<64x64xf32, #tpu.memory_space<vmem>>, %arg7: memref<64x64xf32, #tpu.memory_space<vmem>>, %arg8: memref<64x64xf32, #tpu.memory_space<vmem>>, %arg9: memref<1x64xf32, #tpu.memory_space<vmem>>, %arg10: memref<64x64xf32, #tpu.memory_space<vmem>>, %arg11: memref<1x64xf32, #tpu.memory_space<vmem>>, %arg12: memref<64x64xf32, #tpu.memory_space<vmem>>, %arg13: memref<64x64xf32, #tpu.memory_space<vmem>>, %arg14: memref<1x64xf32, #tpu.memory_space<vmem>>, %arg15: memref<1x64xf32, #tpu.memory_space<vmem>>, %arg16: memref<10x64xf32, #tpu.memory_space<vmem>>, %arg17: memref<10x64xf32, #tpu.memory_space<vmem>>, %arg18: memref<10x64xf32, #tpu.memory_space<vmem>>) attributes {dimension_semantics = [], scalar_prefetch = 0 : i64, scratch_operands = 0 : i64, tpu.core_type = #tpu.core_type<tc>} {
    %get3A = arith.constant 0 : index
    %get3A_0 = arith.constant 0 : index
    %get3A_1 = vector.load %arg2[%get3A, %get3A_0] : memref<10x64xf32, #tpu.memory_space<vmem>>, vector<10x64xf32>
    %get3A_2 = arith.constant 0 : index
    %get3A_3 = arith.constant 0 : index
    %get3A_4 = vector.load %arg3[%get3A_2, %get3A_3] : memref<10x64xf32, #tpu.memory_space<vmem>>, vector<10x64xf32>
    %add3A = arith.addf %get3A_1, %get3A_4 : vector<10x64xf32>
    %get3A_5 = arith.constant 0 : index
    %get3A_6 = arith.constant 0 : index
    %get3A_7 = vector.load %arg4[%get3A_5, %get3A_6] : memref<10x1xf32, #tpu.memory_space<vmem>>, vector<10x1xf32>
    %get3A_8 = arith.constant 0 : index
    %get3A_9 = arith.constant 0 : index
    %get3A_10 = vector.load %arg5[%get3A_8, %get3A_9] : memref<10x1xf32, #tpu.memory_space<vmem>>, vector<10x1xf32>
    %add3A_11 = arith.addf %get3A_7, %get3A_10 : vector<10x1xf32>
    %max3A = arith.constant 1.000000e+00 : f32
    %max3A_12 = vector.broadcast %max3A : f32 to vector<10x1xf32>
    %max3A_13 = arith.maximumf %add3A_11, %max3A_12 : vector<10x1xf32>
    %div3A = vector.broadcast %max3A_13 : vector<10x1xf32> to vector<10x64xf32>
    %div3A_14 = arith.divf %add3A, %div3A : vector<10x64xf32>
    %get3A_15 = arith.constant 0 : index
    %get3A_16 = arith.constant 0 : index
    %get3A_17 = vector.load %arg0[%get3A_15, %get3A_16] : memref<10x64xf32, #tpu.memory_space<vmem>>, vector<10x64xf32>
    %get3A_18 = arith.constant 0 : index
    %get3A_19 = arith.constant 0 : index
    %get3A_20 = vector.load %arg6[%get3A_18, %get3A_19] : memref<64x64xf32, #tpu.memory_space<vmem>>, vector<64x64xf32>
    %dot_general3A = arith.constant dense<0.000000e+00> : vector<10x64xf32>
    %dot_general3A_21 = tpu.matmul %get3A_17, %get3A_20, %dot_general3A {dimension_numbers = #tpu.dot_dimension_numbers<[1], [0], [0], [1], [0, 0, 1, 1], [], []>, transpose_lhs_hint = false} : vector<10x64xf32>, vector<64x64xf32>, vector<10x64xf32> -> vector<10x64xf32>
    %get3A_22 = arith.constant 0 : index
    %get3A_23 = arith.constant 0 : index
    %get3A_24 = vector.load %arg1[%get3A_22, %get3A_23] : memref<10x64xf32, #tpu.memory_space<vmem>>, vector<10x64xf32>
    %get3A_25 = arith.constant 0 : index
    %get3A_26 = arith.constant 0 : index
    %get3A_27 = vector.load %arg7[%get3A_25, %get3A_26] : memref<64x64xf32, #tpu.memory_space<vmem>>, vector<64x64xf32>
    %dot_general3A_28 = arith.constant dense<0.000000e+00> : vector<10x64xf32>
    %dot_general3A_29 = tpu.matmul %get3A_24, %get3A_27, %dot_general3A_28 {dimension_numbers = #tpu.dot_dimension_numbers<[1], [0], [0], [1], [0, 0, 1, 1], [], []>, transpose_lhs_hint = false} : vector<10x64xf32>, vector<64x64xf32>, vector<10x64xf32> -> vector<10x64xf32>
    %add3A_30 = arith.addf %dot_general3A_21, %dot_general3A_29 : vector<10x64xf32>
    %get3A_31 = arith.constant 0 : index
    %get3A_32 = arith.constant 0 : index
    %get3A_33 = vector.load %arg8[%get3A_31, %get3A_32] : memref<64x64xf32, #tpu.memory_space<vmem>>, vector<64x64xf32>
    %dot_general3A_34 = arith.constant dense<0.000000e+00> : vector<10x64xf32>
    %dot_general3A_35 = tpu.matmul %div3A_14, %get3A_33, %dot_general3A_34 {dimension_numbers = #tpu.dot_dimension_numbers<[1], [0], [0], [1], [0, 0, 1, 1], [], []>, transpose_lhs_hint = false} : vector<10x64xf32>, vector<64x64xf32>, vector<10x64xf32> -> vector<10x64xf32>
    %add3A_36 = arith.addf %add3A_30, %dot_general3A_35 : vector<10x64xf32>
    %get3A_37 = arith.constant 0 : index
    %get3A_38 = arith.constant 0 : index
    %get3A_39 = vector.load %arg9[%get3A_37, %get3A_38] : memref<1x64xf32, #tpu.memory_space<vmem>>, vector<1x64xf32>
    %add3A_40 = vector.broadcast %get3A_39 : vector<1x64xf32> to vector<10x64xf32>
    %add3A_41 = arith.addf %add3A_36, %add3A_40 : vector<10x64xf32>
    %max3A_42 = arith.constant 0.000000e+00 : f32
    %max3A_43 = vector.broadcast %max3A_42 : f32 to vector<10x64xf32>
    %max3A_44 = arith.maximumf %add3A_41, %max3A_43 : vector<10x64xf32>
    %get3A_45 = arith.constant 0 : index
    %get3A_46 = arith.constant 0 : index
    %get3A_47 = vector.load %arg10[%get3A_45, %get3A_46] : memref<64x64xf32, #tpu.memory_space<vmem>>, vector<64x64xf32>
    %dot_general3A_48 = arith.constant dense<0.000000e+00> : vector<10x64xf32>
    %dot_general3A_49 = tpu.matmul %max3A_44, %get3A_47, %dot_general3A_48 {dimension_numbers = #tpu.dot_dimension_numbers<[1], [0], [0], [1], [0, 0, 1, 1], [], []>, transpose_lhs_hint = false} : vector<10x64xf32>, vector<64x64xf32>, vector<10x64xf32> -> vector<10x64xf32>
    %get3A_50 = arith.constant 0 : index
    %get3A_51 = arith.constant 0 : index
    %get3A_52 = vector.load %arg11[%get3A_50, %get3A_51] : memref<1x64xf32, #tpu.memory_space<vmem>>, vector<1x64xf32>
    %add3A_53 = vector.broadcast %get3A_52 : vector<1x64xf32> to vector<10x64xf32>
    %add3A_54 = arith.addf %dot_general3A_49, %add3A_53 : vector<10x64xf32>
    %reduce_sum3A = arith.constant dense<0.000000e+00> : vector<10xf32>
    %reduce_sum3A_55 = vector.multi_reduction <add>, %add3A_54, %reduce_sum3A [1] : vector<10x64xf32> to vector<10xf32>
    %broadcast_in_dim3A = vector.shape_cast %reduce_sum3A_55 : vector<10xf32> to vector<10x1xf32>
    %div3A_56 = arith.constant 6.400000e+01 : f32
    %div3A_57 = vector.broadcast %div3A_56 : f32 to vector<10x1xf32>
    %div3A_58 = arith.divf %broadcast_in_dim3A, %div3A_57 : vector<10x1xf32>
    %sub3A = vector.broadcast %div3A_58 : vector<10x1xf32> to vector<10x64xf32>
    %sub3A_59 = arith.subf %add3A_54, %sub3A : vector<10x64xf32>
    %integer_pow3A = arith.mulf %sub3A_59, %sub3A_59 : vector<10x64xf32>
    %reduce_sum3A_60 = arith.constant dense<0.000000e+00> : vector<10xf32>
    %reduce_sum3A_61 = vector.multi_reduction <add>, %integer_pow3A, %reduce_sum3A_60 [1] : vector<10x64xf32> to vector<10xf32>
    %broadcast_in_dim3A_62 = vector.shape_cast %reduce_sum3A_61 : vector<10xf32> to vector<10x1xf32>
    %div3A_63 = arith.constant 6.400000e+01 : f32
    %div3A_64 = vector.broadcast %div3A_63 : f32 to vector<10x1xf32>
    %div3A_65 = arith.divf %broadcast_in_dim3A_62, %div3A_64 : vector<10x1xf32>
    %sub3A_66 = vector.broadcast %div3A_58 : vector<10x1xf32> to vector<10x64xf32>
    %sub3A_67 = arith.subf %add3A_54, %sub3A_66 : vector<10x64xf32>
    %add3A_68 = arith.constant 9.99999974E-6 : f32
    %add3A_69 = vector.broadcast %add3A_68 : f32 to vector<10x1xf32>
    %add3A_70 = arith.addf %div3A_65, %add3A_69 : vector<10x1xf32>
    %sqrt3A = math.sqrt %add3A_70 : vector<10x1xf32>
    %div3A_71 = vector.broadcast %sqrt3A : vector<10x1xf32> to vector<10x64xf32>
    %div3A_72 = arith.divf %sub3A_67, %div3A_71 : vector<10x64xf32>
    %swap3A = arith.constant 0 : index
    %swap3A_73 = arith.constant 0 : index
    %swap3A_74 = vector.load %arg16[%swap3A, %swap3A_73] : memref<10x64xf32, #tpu.memory_space<vmem>>, vector<10x64xf32>
    tpu.vector_store %arg16[%swap3A, %swap3A_73], %div3A_72 {strides = array<i32>} : memref<10x64xf32, #tpu.memory_space<vmem>>, vector<10x64xf32>,
    %get3A_75 = arith.constant 0 : index
    %get3A_76 = arith.constant 0 : index
    %get3A_77 = vector.load %arg12[%get3A_75, %get3A_76] : memref<64x64xf32, #tpu.memory_space<vmem>>, vector<64x64xf32>
    %dot_general3A_78 = arith.constant dense<0.000000e+00> : vector<10x64xf32>
    %dot_general3A_79 = tpu.matmul %div3A_72, %get3A_77, %dot_general3A_78 {dimension_numbers = #tpu.dot_dimension_numbers<[1], [0], [0], [1], [0, 0, 1, 1], [], []>, transpose_lhs_hint = false} : vector<10x64xf32>, vector<64x64xf32>, vector<10x64xf32> -> vector<10x64xf32>
    %swap3A_80 = arith.constant 0 : index
    %swap3A_81 = arith.constant 0 : index
    %swap3A_82 = vector.load %arg17[%swap3A_80, %swap3A_81] : memref<10x64xf32, #tpu.memory_space<vmem>>, vector<10x64xf32>
    tpu.vector_store %arg17[%swap3A_80, %swap3A_81], %dot_general3A_79 {strides = array<i32>} : memref<10x64xf32, #tpu.memory_space<vmem>>, vector<10x64xf32>,
    %get3A_83 = arith.constant 0 : index
    %get3A_84 = arith.constant 0 : index
    %get3A_85 = vector.load %arg13[%get3A_83, %get3A_84] : memref<64x64xf32, #tpu.memory_space<vmem>>, vector<64x64xf32>
    %dot_general3A_86 = arith.constant dense<0.000000e+00> : vector<10x64xf32>
    %dot_general3A_87 = tpu.matmul %div3A_72, %get3A_85, %dot_general3A_86 {dimension_numbers = #tpu.dot_dimension_numbers<[1], [0], [0], [1], [0, 0, 1, 1], [], []>, transpose_lhs_hint = false} : vector<10x64xf32>, vector<64x64xf32>, vector<10x64xf32> -> vector<10x64xf32>
    %swap3A_88 = arith.constant 0 : index
    %swap3A_89 = arith.constant 0 : index
    %swap3A_90 = vector.load %arg18[%swap3A_88, %swap3A_89] : memref<10x64xf32, #tpu.memory_space<vmem>>, vector<10x64xf32>
    tpu.vector_store %arg18[%swap3A_88, %swap3A_89], %dot_general3A_87 {strides = array<i32>} : memref<10x64xf32, #tpu.memory_space<vmem>>, vector<10x64xf32>,
    return
  }
}

module attributes {stable_mosaic.version = 14 : i64} {
  func.func @_edge_body(%arg0: i32, %arg1: memref<4000x64xf32, #tpu.memory_space<vmem>>, %arg2: memref<4000x64xf32, #tpu.memory_space<vmem>>, %arg3: memref<1x4000x1xi32, #tpu.memory_space<vmem>>, %arg4: memref<16x64xf32, #tpu.memory_space<vmem>>, %arg5: memref<1x64xf32, #tpu.memory_space<vmem>>, %arg6: memref<64x64xf32, #tpu.memory_space<vmem>>, %arg7: memref<10x64xf32, #tpu.memory_space<vmem>>, %arg8: memref<1x64xf32, #tpu.memory_space<vmem>>, %arg9: memref<64x64xf32, #tpu.memory_space<vmem>>, %arg10: memref<1x64xf32, #tpu.memory_space<vmem>>, %arg11: memref<4000x64xf32, #tpu.memory_space<vmem>>, %arg12: memref<10x64xf32, #tpu.memory_space<vmem>>, %arg13: memref<10x1xf32, #tpu.memory_space<vmem>>) attributes {dimension_semantics = [#tpu.dimension_semantics<arbitrary>], iteration_bounds = array<i64: 80>, scalar_prefetch = 0 : i64, scratch_operands = 0 : i64, tpu.core_type = #tpu.core_type<tc>, window_params = [{transform_indices = @transform_0, window_bounds = array<i64: 4000, 64>}, {transform_indices = @transform_1, window_bounds = array<i64: 4000, 64>}, {transform_indices = @transform_2, window_bounds = array<i64: 1, 4000, 1>}, {pipeline_mode = #tpu.pipeline_mode<synchronous>, transform_indices = @transform_3, window_bounds = array<i64: 16, 64>}, {pipeline_mode = #tpu.pipeline_mode<synchronous>, transform_indices = @transform_4, window_bounds = array<i64: 1, 64>}, {pipeline_mode = #tpu.pipeline_mode<synchronous>, transform_indices = @transform_5, window_bounds = array<i64: 64, 64>}, {pipeline_mode = #tpu.pipeline_mode<synchronous>, transform_indices = @transform_6, window_bounds = array<i64: 10, 64>}, {pipeline_mode = #tpu.pipeline_mode<synchronous>, transform_indices = @transform_7, window_bounds = array<i64: 1, 64>}, {pipeline_mode = #tpu.pipeline_mode<synchronous>, transform_indices = @transform_8, window_bounds = array<i64: 64, 64>}, {pipeline_mode = #tpu.pipeline_mode<synchronous>, transform_indices = @transform_9, window_bounds = array<i64: 1, 64>}, {transform_indices = @transform_10, window_bounds = array<i64: 4000, 64>}, {pipeline_mode = #tpu.pipeline_mode<synchronous>, transform_indices = @transform_11, window_bounds = array<i64: 10, 64>}, {pipeline_mode = #tpu.pipeline_mode<synchronous>, transform_indices = @transform_12, window_bounds = array<i64: 10, 1>}]} {
    %get3A = arith.constant 0 : index
    %get3A_0 = arith.constant 0 : index
    %get3A_1 = arith.constant 0 : index
    %get3A_2 = vector.load %arg3[%get3A, %get3A_0, %get3A_1] : memref<1x4000x1xi32, #tpu.memory_space<vmem>>, vector<1x4000x1xi32>
    %get3A_3 = vector.shape_cast %get3A_2 : vector<1x4000x1xi32> to vector<4000x1xi32>
    %jit3A = arith.constant 1000 : i32
    %div3A = vector.broadcast %jit3A : i32 to vector<4000x1xi32>
    %div3A_4 = arith.divsi %get3A_3, %div3A : vector<4000x1xi32>
    %sign3A = arith.constant 0 : i32
    %sign3A_5 = vector.broadcast %sign3A : i32 to vector<4000x1xi32>
    %sign3A_6 = arith.cmpi sgt, %get3A_3, %sign3A_5 : vector<4000x1xi32>
    %sign3A_7 = arith.extui %sign3A_6 : vector<4000x1xi1> to vector<4000x1xi32>
    %sign3A_8 = arith.constant 0 : i32
    %sign3A_9 = vector.broadcast %sign3A_8 : i32 to vector<4000x1xi32>
    %sign3A_10 = arith.cmpi slt, %get3A_3, %sign3A_9 : vector<4000x1xi32>
    %sign3A_11 = arith.extui %sign3A_10 : vector<4000x1xi1> to vector<4000x1xi32>
    %sign3A_12 = arith.subi %sign3A_7, %sign3A_11 : vector<4000x1xi32>
    %sign3A_13 = arith.constant 0 : i32
    %sign3A_14 = arith.cmpi sgt, %jit3A, %sign3A_13 : i32
    %sign3A_15 = arith.extui %sign3A_14 : i1 to i32
    %sign3A_16 = arith.constant 0 : i32
    %sign3A_17 = arith.cmpi slt, %jit3A, %sign3A_16 : i32
    %sign3A_18 = arith.extui %sign3A_17 : i1 to i32
    %sign3A_19 = arith.subi %sign3A_15, %sign3A_18 : i32
    %ne3A = vector.broadcast %sign3A_19 : i32 to vector<4000x1xi32>
    %ne3A_20 = arith.cmpi ne, %sign3A_12, %ne3A : vector<4000x1xi32>
    %rem3A = vector.broadcast %jit3A : i32 to vector<4000x1xi32>
    %rem3A_21 = arith.remsi %get3A_3, %rem3A : vector<4000x1xi32>
    %ne3A_22 = arith.constant 0 : i32
    %ne3A_23 = vector.broadcast %ne3A_22 : i32 to vector<4000x1xi32>
    %ne3A_24 = arith.cmpi ne, %rem3A_21, %ne3A_23 : vector<4000x1xi32>
    %and3A = arith.andi %ne3A_20, %ne3A_24 : vector<4000x1xi1>
    %sub3A = arith.constant 1 : i32
    %sub3A_25 = vector.broadcast %sub3A : i32 to vector<4000x1xi32>
    %sub3A_26 = arith.subi %div3A_4, %sub3A_25 : vector<4000x1xi32>
    %select_n3A = arith.select %and3A, %sub3A_26, %div3A_4 : vector<4000x1xi1>, vector<4000x1xi32>
    %iota3A = tpu.iota {dimensions = array<i32: 1>} : vector<4000x10xi32>
    %eq3A = vector.broadcast %select_n3A : vector<4000x1xi32> to vector<4000x10xi32>
    %eq3A_27 = arith.cmpi eq, %eq3A, %iota3A : vector<4000x10xi32>
    %convert_element_type3A = arith.extui %eq3A_27 : vector<4000x10xi1> to vector<4000x10xi32>
    %convert_element_type3A_28 = arith.sitofp %convert_element_type3A : vector<4000x10xi32> to vector<4000x10xf32>
    %get3A_29 = arith.constant 0 : index
    %get3A_30 = arith.constant 0 : index
    %get3A_31 = vector.load %arg2[%get3A_29, %get3A_30] : memref<4000x64xf32, #tpu.memory_space<vmem>>, vector<4000x64xf32>
    %get3A_32 = arith.constant 0 : index
    %get3A_33 = arith.constant 0 : index
    %get3A_34 = vector.load %arg1[%get3A_32, %get3A_33] : memref<4000x64xf32, #tpu.memory_space<vmem>>, vector<4000x64xf32>
    %get3A_35 = arith.constant 0 : index
    %get3A_36 = arith.constant 0 : index
    %get3A_37 = vector.load %arg6[%get3A_35, %get3A_36] : memref<64x64xf32, #tpu.memory_space<vmem>>, vector<64x64xf32>
    %dot_general3A = arith.constant dense<0.000000e+00> : vector<4000x64xf32>
    %dot_general3A_38 = tpu.matmul %get3A_31, %get3A_37, %dot_general3A {dimension_numbers = #tpu.dot_dimension_numbers<[1], [0], [0], [1], [0, 0, 1, 1], [], []>, transpose_lhs_hint = false} : vector<4000x64xf32>, vector<64x64xf32>, vector<4000x64xf32> -> vector<4000x64xf32>
    %add3A = arith.addf %get3A_34, %dot_general3A_38 : vector<4000x64xf32>
    %get3A_39 = arith.constant 0 : index
    %get3A_40 = arith.constant 0 : index
    %get3A_41 = vector.load %arg7[%get3A_39, %get3A_40] : memref<10x64xf32, #tpu.memory_space<vmem>>, vector<10x64xf32>
    %dot_general3A_42 = arith.constant dense<0.000000e+00> : vector<4000x64xf32>
    %dot_general3A_43 = tpu.matmul %convert_element_type3A_28, %get3A_41, %dot_general3A_42 {dimension_numbers = #tpu.dot_dimension_numbers<[1], [0], [0], [1], [0, 0, 1, 1], [], []>, transpose_lhs_hint = false} : vector<4000x10xf32>, vector<10x64xf32>, vector<4000x64xf32> -> vector<4000x64xf32>
    %add3A_44 = arith.addf %add3A, %dot_general3A_43 : vector<4000x64xf32>
    %get3A_45 = arith.constant 0 : index
    %get3A_46 = arith.constant 0 : index
    %get3A_47 = vector.load %arg8[%get3A_45, %get3A_46] : memref<1x64xf32, #tpu.memory_space<vmem>>, vector<1x64xf32>
    %add3A_48 = vector.broadcast %get3A_47 : vector<1x64xf32> to vector<4000x64xf32>
    %add3A_49 = arith.addf %add3A_44, %add3A_48 : vector<4000x64xf32>
    %max3A = arith.constant 0.000000e+00 : f32
    %max3A_50 = vector.broadcast %max3A : f32 to vector<4000x64xf32>
    %max3A_51 = arith.maximumf %add3A_49, %max3A_50 : vector<4000x64xf32>
    %get3A_52 = arith.constant 0 : index
    %get3A_53 = arith.constant 0 : index
    %get3A_54 = vector.load %arg9[%get3A_52, %get3A_53] : memref<64x64xf32, #tpu.memory_space<vmem>>, vector<64x64xf32>
    %dot_general3A_55 = arith.constant dense<0.000000e+00> : vector<4000x64xf32>
    %dot_general3A_56 = tpu.matmul %max3A_51, %get3A_54, %dot_general3A_55 {dimension_numbers = #tpu.dot_dimension_numbers<[1], [0], [0], [1], [0, 0, 1, 1], [], []>, transpose_lhs_hint = false} : vector<4000x64xf32>, vector<64x64xf32>, vector<4000x64xf32> -> vector<4000x64xf32>
    %get3A_57 = arith.constant 0 : index
    %get3A_58 = arith.constant 0 : index
    %get3A_59 = vector.load %arg10[%get3A_57, %get3A_58] : memref<1x64xf32, #tpu.memory_space<vmem>>, vector<1x64xf32>
    %add3A_60 = vector.broadcast %get3A_59 : vector<1x64xf32> to vector<4000x64xf32>
    %add3A_61 = arith.addf %dot_general3A_56, %add3A_60 : vector<4000x64xf32>
    %reduce_sum3A = arith.constant dense<0.000000e+00> : vector<4000xf32>
    %reduce_sum3A_62 = vector.multi_reduction <add>, %add3A_61, %reduce_sum3A [1] : vector<4000x64xf32> to vector<4000xf32>
    %broadcast_in_dim3A = vector.shape_cast %reduce_sum3A_62 : vector<4000xf32> to vector<4000x1xf32>
    %div3A_63 = arith.constant 6.400000e+01 : f32
    %div3A_64 = vector.broadcast %div3A_63 : f32 to vector<4000x1xf32>
    %div3A_65 = arith.divf %broadcast_in_dim3A, %div3A_64 : vector<4000x1xf32>
    %sub3A_66 = vector.broadcast %div3A_65 : vector<4000x1xf32> to vector<4000x64xf32>
    %sub3A_67 = arith.subf %add3A_61, %sub3A_66 : vector<4000x64xf32>
    %integer_pow3A = arith.mulf %sub3A_67, %sub3A_67 : vector<4000x64xf32>
    %reduce_sum3A_68 = arith.constant dense<0.000000e+00> : vector<4000xf32>
    %reduce_sum3A_69 = vector.multi_reduction <add>, %integer_pow3A, %reduce_sum3A_68 [1] : vector<4000x64xf32> to vector<4000xf32>
    %broadcast_in_dim3A_70 = vector.shape_cast %reduce_sum3A_69 : vector<4000xf32> to vector<4000x1xf32>
    %div3A_71 = arith.constant 6.400000e+01 : f32
    %div3A_72 = vector.broadcast %div3A_71 : f32 to vector<4000x1xf32>
    %div3A_73 = arith.divf %broadcast_in_dim3A_70, %div3A_72 : vector<4000x1xf32>
    %sub3A_74 = vector.broadcast %div3A_65 : vector<4000x1xf32> to vector<4000x64xf32>
    %sub3A_75 = arith.subf %add3A_61, %sub3A_74 : vector<4000x64xf32>
    %add3A_76 = arith.constant 9.99999974E-6 : f32
    %add3A_77 = vector.broadcast %add3A_76 : f32 to vector<4000x1xf32>
    %add3A_78 = arith.addf %div3A_73, %add3A_77 : vector<4000x1xf32>
    %sqrt3A = math.sqrt %add3A_78 : vector<4000x1xf32>
    %div3A_79 = vector.broadcast %sqrt3A : vector<4000x1xf32> to vector<4000x64xf32>
    %div3A_80 = arith.divf %sub3A_75, %div3A_79 : vector<4000x64xf32>
    %swap3A = arith.constant 0 : index
    %swap3A_81 = arith.constant 0 : index
    %swap3A_82 = vector.load %arg11[%swap3A, %swap3A_81] : memref<4000x64xf32, #tpu.memory_space<vmem>>, vector<4000x64xf32>
    tpu.vector_store %arg11[%swap3A, %swap3A_81], %div3A_80 {strides = array<i32>} : memref<4000x64xf32, #tpu.memory_space<vmem>>, vector<4000x64xf32>,
    %eq3A_83 = arith.constant 0 : i32
    %eq3A_84 = arith.cmpi eq, %arg0, %eq3A_83 : i32
    %convert_element_type3A_85 = arith.extui %eq3A_84 : i1 to i32
    %cond3A = arith.constant 0 : i32
    %cond3A_86 = arith.cmpi ne, %convert_element_type3A_85, %cond3A : i32
    scf.if %cond3A_86 {
      %broadcast_in_dim3A_106 = arith.constant 0.000000e+00 : f32
      %broadcast_in_dim3A_107 = vector.broadcast %broadcast_in_dim3A_106 : f32 to vector<10x64xf32>
      %swap3A_108 = arith.constant 0 : index
      %swap3A_109 = arith.constant 0 : index
      %swap3A_110 = vector.load %arg12[%swap3A_108, %swap3A_109] : memref<10x64xf32, #tpu.memory_space<vmem>>, vector<10x64xf32>
      tpu.vector_store %arg12[%swap3A_108, %swap3A_109], %broadcast_in_dim3A_107 {strides = array<i32>} : memref<10x64xf32, #tpu.memory_space<vmem>>, vector<10x64xf32>,
      %broadcast_in_dim3A_111 = arith.constant 0.000000e+00 : f32
      %broadcast_in_dim3A_112 = vector.broadcast %broadcast_in_dim3A_111 : f32 to vector<10x1xf32>
      %swap3A_113 = arith.constant 0 : index
      %swap3A_114 = arith.constant 0 : index
      %swap3A_115 = vector.load %arg13[%swap3A_113, %swap3A_114] : memref<10x1xf32, #tpu.memory_space<vmem>>, vector<10x1xf32>
      tpu.vector_store %arg13[%swap3A_113, %swap3A_114], %broadcast_in_dim3A_112 {strides = array<i32>} : memref<10x1xf32, #tpu.memory_space<vmem>>, vector<10x1xf32>,
    } else {
    }
    %get3A_87 = arith.constant 0 : index
    %get3A_88 = arith.constant 0 : index
    %get3A_89 = vector.load %arg12[%get3A_87, %get3A_88] : memref<10x64xf32, #tpu.memory_space<vmem>>, vector<10x64xf32>
    %dot_general3A_90 = arith.constant dense<0.000000e+00> : vector<10x64xf32>
    %dot_general3A_91 = tpu.matmul %convert_element_type3A_28, %div3A_80, %dot_general3A_90 {dimension_numbers = #tpu.dot_dimension_numbers<[0], [0], [1], [1], [0, 1, 1, 1], [], []>, transpose_lhs_hint = false} : vector<4000x10xf32>, vector<4000x64xf32>, vector<10x64xf32> -> vector<10x64xf32>
    %add3A_92 = arith.addf %get3A_89, %dot_general3A_91 : vector<10x64xf32>
    %swap3A_93 = arith.constant 0 : index
    %swap3A_94 = arith.constant 0 : index
    %swap3A_95 = vector.load %arg12[%swap3A_93, %swap3A_94] : memref<10x64xf32, #tpu.memory_space<vmem>>, vector<10x64xf32>
    tpu.vector_store %arg12[%swap3A_93, %swap3A_94], %add3A_92 {strides = array<i32>} : memref<10x64xf32, #tpu.memory_space<vmem>>, vector<10x64xf32>,
    %get3A_96 = arith.constant 0 : index
    %get3A_97 = arith.constant 0 : index
    %get3A_98 = vector.load %arg13[%get3A_96, %get3A_97] : memref<10x1xf32, #tpu.memory_space<vmem>>, vector<10x1xf32>
    %reduce_sum3A_99 = arith.constant dense<0.000000e+00> : vector<10xf32>
    %reduce_sum3A_100 = vector.multi_reduction <add>, %convert_element_type3A_28, %reduce_sum3A_99 [0] : vector<4000x10xf32> to vector<10xf32>
    %broadcast_in_dim3A_101 = vector.shape_cast %reduce_sum3A_100 : vector<10xf32> to vector<10x1xf32>
    %add3A_102 = arith.addf %get3A_98, %broadcast_in_dim3A_101 : vector<10x1xf32>
    %swap3A_103 = arith.constant 0 : index
    %swap3A_104 = arith.constant 0 : index
    %swap3A_105 = vector.load %arg13[%swap3A_103, %swap3A_104] : memref<10x1xf32, #tpu.memory_space<vmem>>, vector<10x1xf32>
    tpu.vector_store %arg13[%swap3A_103, %swap3A_104], %add3A_102 {strides = array<i32>} : memref<10x1xf32, #tpu.memory_space<vmem>>, vector<10x1xf32>,
    return
  }
  func.func @transform_0(%arg0: i32) -> (i32, i32) {
    %c0_i32 = arith.constant 0 : i32
    %c0_i32_0 = arith.constant 0 : i32
    return %arg0, %c0_i32 : i32, i32
  }
  func.func @transform_1(%arg0: i32) -> (i32, i32) {
    %c0_i32 = arith.constant 0 : i32
    %c0_i32_0 = arith.constant 0 : i32
    return %arg0, %c0_i32 : i32, i32
  }
  func.func @transform_2(%arg0: i32) -> (i32, i32, i32) {
    %c0_i32 = arith.constant 0 : i32
    %c0_i32_0 = arith.constant 0 : i32
    %c0_i32_1 = arith.constant 0 : i32
    return %arg0, %c0_i32, %c0_i32_0 : i32, i32, i32
  }
  func.func @transform_3(%arg0: i32) -> (i32, i32) {
    %c0_i32 = arith.constant 0 : i32
    %c0_i32_0 = arith.constant 0 : i32
    %c0_i32_1 = arith.constant 0 : i32
    return %c0_i32, %c0_i32_0 : i32, i32
  }
  func.func @transform_4(%arg0: i32) -> (i32, i32) {
    %c0_i32 = arith.constant 0 : i32
    %c0_i32_0 = arith.constant 0 : i32
    %c0_i32_1 = arith.constant 0 : i32
    return %c0_i32, %c0_i32_0 : i32, i32
  }
  func.func @transform_5(%arg0: i32) -> (i32, i32) {
    %c0_i32 = arith.constant 0 : i32
    %c0_i32_0 = arith.constant 0 : i32
    %c0_i32_1 = arith.constant 0 : i32
    return %c0_i32, %c0_i32_0 : i32, i32
  }
  func.func @transform_6(%arg0: i32) -> (i32, i32) {
    %c0_i32 = arith.constant 0 : i32
    %c0_i32_0 = arith.constant 0 : i32
    %c0_i32_1 = arith.constant 0 : i32
    return %c0_i32, %c0_i32_0 : i32, i32
  }
  func.func @transform_7(%arg0: i32) -> (i32, i32) {
    %c0_i32 = arith.constant 0 : i32
    %c0_i32_0 = arith.constant 0 : i32
    %c0_i32_1 = arith.constant 0 : i32
    return %c0_i32, %c0_i32_0 : i32, i32
  }
  func.func @transform_8(%arg0: i32) -> (i32, i32) {
    %c0_i32 = arith.constant 0 : i32
    %c0_i32_0 = arith.constant 0 : i32
    %c0_i32_1 = arith.constant 0 : i32
    return %c0_i32, %c0_i32_0 : i32, i32
  }
  func.func @transform_9(%arg0: i32) -> (i32, i32) {
    %c0_i32 = arith.constant 0 : i32
    %c0_i32_0 = arith.constant 0 : i32
    %c0_i32_1 = arith.constant 0 : i32
    return %c0_i32, %c0_i32_0 : i32, i32
  }
  func.func @transform_10(%arg0: i32) -> (i32, i32) {
    %c0_i32 = arith.constant 0 : i32
    %c0_i32_0 = arith.constant 0 : i32
    return %arg0, %c0_i32 : i32, i32
  }
  func.func @transform_11(%arg0: i32) -> (i32, i32) {
    %c0_i32 = arith.constant 0 : i32
    %c0_i32_0 = arith.constant 0 : i32
    %c0_i32_1 = arith.constant 0 : i32
    return %c0_i32, %c0_i32_0 : i32, i32
  }
  func.func @transform_12(%arg0: i32) -> (i32, i32) {
    %c0_i32 = arith.constant 0 : i32
    %c0_i32_0 = arith.constant 0 : i32
    %c0_i32_1 = arith.constant 0 : i32
    return %c0_i32, %c0_i32_0 : i32, i32
  }
}

module attributes {stable_mosaic.version = 14 : i64} {
  func.func @_node_body(%arg0: i32, %arg1: memref<1000x64xf32, #tpu.memory_space<vmem>>, %arg2: memref<1000x64xf32, #tpu.memory_space<vmem>>, %arg3: memref<1000x64xf32, #tpu.memory_space<vmem>>, %arg4: memref<1000x16xf32, #tpu.memory_space<vmem>>, %arg5: memref<1000x16xf32, #tpu.memory_space<vmem>>, %arg6: memref<1x1x64xf32, #tpu.memory_space<vmem>>, %arg7: memref<64x64xf32, #tpu.memory_space<vmem>>, %arg8: memref<64x64xf32, #tpu.memory_space<vmem>>, %arg9: memref<1x64xf32, #tpu.memory_space<vmem>>, %arg10: memref<64x64xf32, #tpu.memory_space<vmem>>, %arg11: memref<1x64xf32, #tpu.memory_space<vmem>>, %arg12: memref<64x64xf32, #tpu.memory_space<vmem>>, %arg13: memref<64x1xf32, #tpu.memory_space<vmem>>, %arg14: memref<1x64xf32, #tpu.memory_space<vmem>>, %arg15: memref<1x1xf32, #tpu.memory_space<vmem>>, %arg16: memref<1000x1xf32, #tpu.memory_space<vmem>>, %arg17: memref<1000x64xf32, #tpu.memory_space<vmem>>, %arg18: memref<1000x64xf32, #tpu.memory_space<vmem>>, %arg19: memref<1x1x64xf32, #tpu.memory_space<vmem>>) attributes {dimension_semantics = [#tpu.dimension_semantics<arbitrary>], iteration_bounds = array<i64: 10>, scalar_prefetch = 0 : i64, scratch_operands = 0 : i64, tpu.core_type = #tpu.core_type<tc>, window_params = [{transform_indices = @transform_0, window_bounds = array<i64: 1000, 64>}, {transform_indices = @transform_1, window_bounds = array<i64: 1000, 64>}, {transform_indices = @transform_2, window_bounds = array<i64: 1000, 64>}, {transform_indices = @transform_3, window_bounds = array<i64: 1000, 16>}, {transform_indices = @transform_4, window_bounds = array<i64: 1000, 16>}, {transform_indices = @transform_5, window_bounds = array<i64: 1, 1, 64>}, {pipeline_mode = #tpu.pipeline_mode<synchronous>, transform_indices = @transform_6, window_bounds = array<i64: 64, 64>}, {pipeline_mode = #tpu.pipeline_mode<synchronous>, transform_indices = @transform_7, window_bounds = array<i64: 64, 64>}, {pipeline_mode = #tpu.pipeline_mode<synchronous>, transform_indices = @transform_8, window_bounds = array<i64: 1, 64>}, {pipeline_mode = #tpu.pipeline_mode<synchronous>, transform_indices = @transform_9, window_bounds = array<i64: 64, 64>}, {pipeline_mode = #tpu.pipeline_mode<synchronous>, transform_indices = @transform_10, window_bounds = array<i64: 1, 64>}, {pipeline_mode = #tpu.pipeline_mode<synchronous>, transform_indices = @transform_11, window_bounds = array<i64: 64, 64>}, {pipeline_mode = #tpu.pipeline_mode<synchronous>, transform_indices = @transform_12, window_bounds = array<i64: 64, 1>}, {pipeline_mode = #tpu.pipeline_mode<synchronous>, transform_indices = @transform_13, window_bounds = array<i64: 1, 64>}, {pipeline_mode = #tpu.pipeline_mode<synchronous>, transform_indices = @transform_14, window_bounds = array<i64: 1, 1>}, {transform_indices = @transform_15, window_bounds = array<i64: 1000, 1>}, {transform_indices = @transform_16, window_bounds = array<i64: 1000, 64>}, {transform_indices = @transform_17, window_bounds = array<i64: 1000, 64>}, {transform_indices = @transform_18, window_bounds = array<i64: 1, 1, 64>}]} {
    %get3A = arith.constant 0 : index
    %get3A_0 = arith.constant 0 : index
    %get3A_1 = vector.load %arg4[%get3A, %get3A_0] : memref<1000x16xf32, #tpu.memory_space<vmem>>, vector<1000x1xf32>
    %get3A_2 = arith.constant 0 : index
    %get3A_3 = arith.constant 0 : index
    %get3A_4 = vector.load %arg5[%get3A_2, %get3A_3] : memref<1000x16xf32, #tpu.memory_space<vmem>>, vector<1000x1xf32>
    %add3A = arith.addf %get3A_1, %get3A_4 : vector<1000x1xf32>
    %max3A = arith.constant 1.000000e+00 : f32
    %max3A_5 = vector.broadcast %max3A : f32 to vector<1000x1xf32>
    %max3A_6 = arith.maximumf %add3A, %max3A_5 : vector<1000x1xf32>
    %get3A_7 = arith.constant 0 : index
    %get3A_8 = arith.constant 0 : index
    %get3A_9 = vector.load %arg2[%get3A_7, %get3A_8] : memref<1000x64xf32, #tpu.memory_space<vmem>>, vector<1000x64xf32>
    %get3A_10 = arith.constant 0 : index
    %get3A_11 = arith.constant 0 : index
    %get3A_12 = vector.load %arg3[%get3A_10, %get3A_11] : memref<1000x64xf32, #tpu.memory_space<vmem>>, vector<1000x64xf32>
    %add3A_13 = arith.addf %get3A_9, %get3A_12 : vector<1000x64xf32>
    %div3A = vector.broadcast %max3A_6 : vector<1000x1xf32> to vector<1000x64xf32>
    %div3A_14 = arith.divf %add3A_13, %div3A : vector<1000x64xf32>
    %get3A_15 = arith.constant 0 : index
    %get3A_16 = arith.constant 0 : index
    %get3A_17 = vector.load %arg1[%get3A_15, %get3A_16] : memref<1000x64xf32, #tpu.memory_space<vmem>>, vector<1000x64xf32>
    %get3A_18 = arith.constant 0 : index
    %get3A_19 = arith.constant 0 : index
    %get3A_20 = vector.load %arg7[%get3A_18, %get3A_19] : memref<64x64xf32, #tpu.memory_space<vmem>>, vector<64x64xf32>
    %dot_general3A = arith.constant dense<0.000000e+00> : vector<1000x64xf32>
    %dot_general3A_21 = tpu.matmul %get3A_17, %get3A_20, %dot_general3A {dimension_numbers = #tpu.dot_dimension_numbers<[1], [0], [0], [1], [0, 0, 1, 1], [], []>, transpose_lhs_hint = false} : vector<1000x64xf32>, vector<64x64xf32>, vector<1000x64xf32> -> vector<1000x64xf32>
    %get3A_22 = arith.constant 0 : index
    %get3A_23 = arith.constant 0 : index
    %get3A_24 = vector.load %arg8[%get3A_22, %get3A_23] : memref<64x64xf32, #tpu.memory_space<vmem>>, vector<64x64xf32>
    %dot_general3A_25 = arith.constant dense<0.000000e+00> : vector<1000x64xf32>
    %dot_general3A_26 = tpu.matmul %div3A_14, %get3A_24, %dot_general3A_25 {dimension_numbers = #tpu.dot_dimension_numbers<[1], [0], [0], [1], [0, 0, 1, 1], [], []>, transpose_lhs_hint = false} : vector<1000x64xf32>, vector<64x64xf32>, vector<1000x64xf32> -> vector<1000x64xf32>
    %add3A_27 = arith.addf %dot_general3A_21, %dot_general3A_26 : vector<1000x64xf32>
    %get3A_28 = arith.constant 0 : index
    %get3A_29 = arith.constant 0 : index
    %get3A_30 = arith.constant 0 : index
    %get3A_31 = vector.load %arg6[%get3A_28, %get3A_29, %get3A_30] : memref<1x1x64xf32, #tpu.memory_space<vmem>>, vector<1x1x64xf32>
    %get3A_32 = vector.shape_cast %get3A_31 : vector<1x1x64xf32> to vector<1x64xf32>
    %add3A_33 = vector.broadcast %get3A_32 : vector<1x64xf32> to vector<1000x64xf32>
    %add3A_34 = arith.addf %add3A_27, %add3A_33 : vector<1000x64xf32>
    %get3A_35 = arith.constant 0 : index
    %get3A_36 = arith.constant 0 : index
    %get3A_37 = vector.load %arg9[%get3A_35, %get3A_36] : memref<1x64xf32, #tpu.memory_space<vmem>>, vector<1x64xf32>
    %add3A_38 = vector.broadcast %get3A_37 : vector<1x64xf32> to vector<1000x64xf32>
    %add3A_39 = arith.addf %add3A_34, %add3A_38 : vector<1000x64xf32>
    %max3A_40 = arith.constant 0.000000e+00 : f32
    %max3A_41 = vector.broadcast %max3A_40 : f32 to vector<1000x64xf32>
    %max3A_42 = arith.maximumf %add3A_39, %max3A_41 : vector<1000x64xf32>
    %get3A_43 = arith.constant 0 : index
    %get3A_44 = arith.constant 0 : index
    %get3A_45 = vector.load %arg10[%get3A_43, %get3A_44] : memref<64x64xf32, #tpu.memory_space<vmem>>, vector<64x64xf32>
    %dot_general3A_46 = arith.constant dense<0.000000e+00> : vector<1000x64xf32>
    %dot_general3A_47 = tpu.matmul %max3A_42, %get3A_45, %dot_general3A_46 {dimension_numbers = #tpu.dot_dimension_numbers<[1], [0], [0], [1], [0, 0, 1, 1], [], []>, transpose_lhs_hint = false} : vector<1000x64xf32>, vector<64x64xf32>, vector<1000x64xf32> -> vector<1000x64xf32>
    %get3A_48 = arith.constant 0 : index
    %get3A_49 = arith.constant 0 : index
    %get3A_50 = vector.load %arg11[%get3A_48, %get3A_49] : memref<1x64xf32, #tpu.memory_space<vmem>>, vector<1x64xf32>
    %add3A_51 = vector.broadcast %get3A_50 : vector<1x64xf32> to vector<1000x64xf32>
    %add3A_52 = arith.addf %dot_general3A_47, %add3A_51 : vector<1000x64xf32>
    %reduce_sum3A = arith.constant dense<0.000000e+00> : vector<1000xf32>
    %reduce_sum3A_53 = vector.multi_reduction <add>, %add3A_52, %reduce_sum3A [1] : vector<1000x64xf32> to vector<1000xf32>
    %broadcast_in_dim3A = vector.shape_cast %reduce_sum3A_53 : vector<1000xf32> to vector<1000x1xf32>
    %div3A_54 = arith.constant 6.400000e+01 : f32
    %div3A_55 = vector.broadcast %div3A_54 : f32 to vector<1000x1xf32>
    %div3A_56 = arith.divf %broadcast_in_dim3A, %div3A_55 : vector<1000x1xf32>
    %sub3A = vector.broadcast %div3A_56 : vector<1000x1xf32> to vector<1000x64xf32>
    %sub3A_57 = arith.subf %add3A_52, %sub3A : vector<1000x64xf32>
    %integer_pow3A = arith.mulf %sub3A_57, %sub3A_57 : vector<1000x64xf32>
    %reduce_sum3A_58 = arith.constant dense<0.000000e+00> : vector<1000xf32>
    %reduce_sum3A_59 = vector.multi_reduction <add>, %integer_pow3A, %reduce_sum3A_58 [1] : vector<1000x64xf32> to vector<1000xf32>
    %broadcast_in_dim3A_60 = vector.shape_cast %reduce_sum3A_59 : vector<1000xf32> to vector<1000x1xf32>
    %div3A_61 = arith.constant 6.400000e+01 : f32
    %div3A_62 = vector.broadcast %div3A_61 : f32 to vector<1000x1xf32>
    %div3A_63 = arith.divf %broadcast_in_dim3A_60, %div3A_62 : vector<1000x1xf32>
    %sub3A_64 = vector.broadcast %div3A_56 : vector<1000x1xf32> to vector<1000x64xf32>
    %sub3A_65 = arith.subf %add3A_52, %sub3A_64 : vector<1000x64xf32>
    %add3A_66 = arith.constant 9.99999974E-6 : f32
    %add3A_67 = vector.broadcast %add3A_66 : f32 to vector<1000x1xf32>
    %add3A_68 = arith.addf %div3A_63, %add3A_67 : vector<1000x1xf32>
    %sqrt3A = math.sqrt %add3A_68 : vector<1000x1xf32>
    %div3A_69 = vector.broadcast %sqrt3A : vector<1000x1xf32> to vector<1000x64xf32>
    %div3A_70 = arith.divf %sub3A_65, %div3A_69 : vector<1000x64xf32>
    %reduce_sum3A_71 = arith.constant dense<0.000000e+00> : vector<64xf32>
    %reduce_sum3A_72 = vector.multi_reduction <add>, %div3A_70, %reduce_sum3A_71 [0] : vector<1000x64xf32> to vector<64xf32>
    %div3A_73 = arith.constant 1.000000e+03 : f32
    %div3A_74 = vector.broadcast %div3A_73 : f32 to vector<64xf32>
    %div3A_75 = arith.divf %reduce_sum3A_72, %div3A_74 : vector<64xf32>
    %swap3A = arith.constant 0 : index
    %swap3A_76 = arith.constant 0 : index
    %swap3A_77 = arith.constant 0 : index
    %swap3A_78 = vector.load %arg19[%swap3A, %swap3A_76, %swap3A_77] : memref<1x1x64xf32, #tpu.memory_space<vmem>>, vector<1x1x64xf32>
    %swap3A_79 = vector.shape_cast %swap3A_78 : vector<1x1x64xf32> to vector<64xf32>
    %swap3A_80 = vector.shape_cast %div3A_75 : vector<64xf32> to vector<1x1x64xf32>
    tpu.vector_store %arg19[%swap3A, %swap3A_76, %swap3A_77], %swap3A_80 {strides = array<i32>} : memref<1x1x64xf32, #tpu.memory_space<vmem>>, vector<1x1x64xf32>,
    %get3A_81 = arith.constant 0 : index
    %get3A_82 = arith.constant 0 : index
    %get3A_83 = vector.load %arg12[%get3A_81, %get3A_82] : memref<64x64xf32, #tpu.memory_space<vmem>>, vector<64x64xf32>
    %dot_general3A_84 = arith.constant dense<0.000000e+00> : vector<1000x64xf32>
    %dot_general3A_85 = tpu.matmul %div3A_70, %get3A_83, %dot_general3A_84 {dimension_numbers = #tpu.dot_dimension_numbers<[1], [0], [0], [1], [0, 0, 1, 1], [], []>, transpose_lhs_hint = false} : vector<1000x64xf32>, vector<64x64xf32>, vector<1000x64xf32> -> vector<1000x64xf32>
    %get3A_86 = arith.constant 0 : index
    %get3A_87 = arith.constant 0 : index
    %get3A_88 = vector.load %arg14[%get3A_86, %get3A_87] : memref<1x64xf32, #tpu.memory_space<vmem>>, vector<1x64xf32>
    %add3A_89 = vector.broadcast %get3A_88 : vector<1x64xf32> to vector<1000x64xf32>
    %add3A_90 = arith.addf %dot_general3A_85, %add3A_89 : vector<1000x64xf32>
    %max3A_91 = arith.constant 0.000000e+00 : f32
    %max3A_92 = vector.broadcast %max3A_91 : f32 to vector<1000x64xf32>
    %max3A_93 = arith.maximumf %add3A_90, %max3A_92 : vector<1000x64xf32>
    %get3A_94 = arith.constant 0 : index
    %get3A_95 = arith.constant 0 : index
    %get3A_96 = vector.load %arg13[%get3A_94, %get3A_95] : memref<64x1xf32, #tpu.memory_space<vmem>>, vector<64x1xf32>
    %dot_general3A_97 = arith.constant dense<0.000000e+00> : vector<1000x1xf32>
    %dot_general3A_98 = tpu.matmul %max3A_93, %get3A_96, %dot_general3A_97 {dimension_numbers = #tpu.dot_dimension_numbers<[1], [0], [0], [1], [0, 0, 1, 1], [], []>, transpose_lhs_hint = false} : vector<1000x64xf32>, vector<64x1xf32>, vector<1000x1xf32> -> vector<1000x1xf32>
    %get3A_99 = arith.constant 0 : index
    %get3A_100 = arith.constant 0 : index
    %get3A_101 = vector.load %arg15[%get3A_99, %get3A_100] : memref<1x1xf32, #tpu.memory_space<vmem>>, vector<1x1xf32>
    %add3A_102 = vector.broadcast %get3A_101 : vector<1x1xf32> to vector<1000x1xf32>
    %add3A_103 = arith.addf %dot_general3A_98, %add3A_102 : vector<1000x1xf32>
    %swap3A_104 = arith.constant 0 : index
    %swap3A_105 = arith.constant 0 : index
    %swap3A_106 = vector.load %arg16[%swap3A_104, %swap3A_105] : memref<1000x1xf32, #tpu.memory_space<vmem>>, vector<1000x1xf32>
    tpu.vector_store %arg16[%swap3A_104, %swap3A_105], %add3A_103 {strides = array<i32>} : memref<1000x1xf32, #tpu.memory_space<vmem>>, vector<1000x1xf32>,
    %swap3A_107 = arith.constant 0 : index
    %swap3A_108 = arith.constant 0 : index
    %swap3A_109 = vector.load %arg17[%swap3A_107, %swap3A_108] : memref<1000x64xf32, #tpu.memory_space<vmem>>, vector<1000x64xf32>
    tpu.vector_store %arg17[%swap3A_107, %swap3A_108], %div3A_70 {strides = array<i32>} : memref<1000x64xf32, #tpu.memory_space<vmem>>, vector<1000x64xf32>,
    %swap3A_110 = arith.constant 0 : index
    %swap3A_111 = arith.constant 0 : index
    %swap3A_112 = vector.load %arg18[%swap3A_110, %swap3A_111] : memref<1000x64xf32, #tpu.memory_space<vmem>>, vector<1000x64xf32>
    tpu.vector_store %arg18[%swap3A_110, %swap3A_111], %div3A_70 {strides = array<i32>} : memref<1000x64xf32, #tpu.memory_space<vmem>>, vector<1000x64xf32>,
    return
  }
  func.func @transform_0(%arg0: i32) -> (i32, i32) {
    %c0_i32 = arith.constant 0 : i32
    %c0_i32_0 = arith.constant 0 : i32
    return %arg0, %c0_i32 : i32, i32
  }
  func.func @transform_1(%arg0: i32) -> (i32, i32) {
    %c0_i32 = arith.constant 0 : i32
    %c0_i32_0 = arith.constant 0 : i32
    return %arg0, %c0_i32 : i32, i32
  }
  func.func @transform_2(%arg0: i32) -> (i32, i32) {
    %c0_i32 = arith.constant 0 : i32
    %c0_i32_0 = arith.constant 0 : i32
    return %arg0, %c0_i32 : i32, i32
  }
  func.func @transform_3(%arg0: i32) -> (i32, i32) {
    %c0_i32 = arith.constant 0 : i32
    %c0_i32_0 = arith.constant 0 : i32
    return %arg0, %c0_i32 : i32, i32
  }
  func.func @transform_4(%arg0: i32) -> (i32, i32) {
    %c0_i32 = arith.constant 0 : i32
    %c0_i32_0 = arith.constant 0 : i32
    return %arg0, %c0_i32 : i32, i32
  }
  func.func @transform_5(%arg0: i32) -> (i32, i32, i32) {
    %c0_i32 = arith.constant 0 : i32
    %c0_i32_0 = arith.constant 0 : i32
    %c0_i32_1 = arith.constant 0 : i32
    return %arg0, %c0_i32, %c0_i32_0 : i32, i32, i32
  }
  func.func @transform_6(%arg0: i32) -> (i32, i32) {
    %c0_i32 = arith.constant 0 : i32
    %c0_i32_0 = arith.constant 0 : i32
    %c0_i32_1 = arith.constant 0 : i32
    return %c0_i32, %c0_i32_0 : i32, i32
  }
  func.func @transform_7(%arg0: i32) -> (i32, i32) {
    %c0_i32 = arith.constant 0 : i32
    %c0_i32_0 = arith.constant 0 : i32
    %c0_i32_1 = arith.constant 0 : i32
    return %c0_i32, %c0_i32_0 : i32, i32
  }
  func.func @transform_8(%arg0: i32) -> (i32, i32) {
    %c0_i32 = arith.constant 0 : i32
    %c0_i32_0 = arith.constant 0 : i32
    %c0_i32_1 = arith.constant 0 : i32
    return %c0_i32, %c0_i32_0 : i32, i32
  }
  func.func @transform_9(%arg0: i32) -> (i32, i32) {
    %c0_i32 = arith.constant 0 : i32
    %c0_i32_0 = arith.constant 0 : i32
    %c0_i32_1 = arith.constant 0 : i32
    return %c0_i32, %c0_i32_0 : i32, i32
  }
  func.func @transform_10(%arg0: i32) -> (i32, i32) {
    %c0_i32 = arith.constant 0 : i32
    %c0_i32_0 = arith.constant 0 : i32
    %c0_i32_1 = arith.constant 0 : i32
    return %c0_i32, %c0_i32_0 : i32, i32
  }
  func.func @transform_11(%arg0: i32) -> (i32, i32) {
    %c0_i32 = arith.constant 0 : i32
    %c0_i32_0 = arith.constant 0 : i32
    %c0_i32_1 = arith.constant 0 : i32
    return %c0_i32, %c0_i32_0 : i32, i32
  }
  func.func @transform_12(%arg0: i32) -> (i32, i32) {
    %c0_i32 = arith.constant 0 : i32
    %c0_i32_0 = arith.constant 0 : i32
    %c0_i32_1 = arith.constant 0 : i32
    return %c0_i32, %c0_i32_0 : i32, i32
  }
  func.func @transform_13(%arg0: i32) -> (i32, i32) {
    %c0_i32 = arith.constant 0 : i32
    %c0_i32_0 = arith.constant 0 : i32
    %c0_i32_1 = arith.constant 0 : i32
    return %c0_i32, %c0_i32_0 : i32, i32
  }
  func.func @transform_14(%arg0: i32) -> (i32, i32) {
    %c0_i32 = arith.constant 0 : i32
    %c0_i32_0 = arith.constant 0 : i32
    %c0_i32_1 = arith.constant 0 : i32
    return %c0_i32, %c0_i32_0 : i32, i32
  }
  func.func @transform_15(%arg0: i32) -> (i32, i32) {
    %c0_i32 = arith.constant 0 : i32
    %c0_i32_0 = arith.constant 0 : i32
    return %arg0, %c0_i32 : i32, i32
  }
  func.func @transform_16(%arg0: i32) -> (i32, i32) {
    %c0_i32 = arith.constant 0 : i32
    %c0_i32_0 = arith.constant 0 : i32
    return %arg0, %c0_i32 : i32, i32
  }
  func.func @transform_17(%arg0: i32) -> (i32, i32) {
    %c0_i32 = arith.constant 0 : i32
    %c0_i32_0 = arith.constant 0 : i32
    return %arg0, %c0_i32 : i32, i32
  }
  func.func @transform_18(%arg0: i32) -> (i32, i32, i32) {
    %c0_i32 = arith.constant 0 : i32
    %c0_i32_0 = arith.constant 0 : i32
    %c0_i32_1 = arith.constant 0 : i32
    return %arg0, %c0_i32, %c0_i32_0 : i32, i32, i32
  }
}

module attributes {stable_mosaic.version = 14 : i64} {
  func.func @_glue_body(%arg0: memref<10x64xf32, #tpu.memory_space<vmem>>, %arg1: memref<10x64xf32, #tpu.memory_space<vmem>>, %arg2: memref<10x64xf32, #tpu.memory_space<vmem>>, %arg3: memref<10x64xf32, #tpu.memory_space<vmem>>, %arg4: memref<10x1xf32, #tpu.memory_space<vmem>>, %arg5: memref<10x1xf32, #tpu.memory_space<vmem>>, %arg6: memref<64x64xf32, #tpu.memory_space<vmem>>, %arg7: memref<64x64xf32, #tpu.memory_space<vmem>>, %arg8: memref<64x64xf32, #tpu.memory_space<vmem>>, %arg9: memref<1x64xf32, #tpu.memory_space<vmem>>, %arg10: memref<64x64xf32, #tpu.memory_space<vmem>>, %arg11: memref<1x64xf32, #tpu.memory_space<vmem>>, %arg12: memref<64x64xf32, #tpu.memory_space<vmem>>, %arg13: memref<64x1xf32, #tpu.memory_space<vmem>>, %arg14: memref<1x64xf32, #tpu.memory_space<vmem>>, %arg15: memref<1x1xf32, #tpu.memory_space<vmem>>, %arg16: memref<10x64xf32, #tpu.memory_space<vmem>>, %arg17: memref<10x1xf32, #tpu.memory_space<vmem>>, %arg18: memref<10x64xf32, #tpu.memory_space<vmem>>) attributes {dimension_semantics = [], scalar_prefetch = 0 : i64, scratch_operands = 0 : i64, tpu.core_type = #tpu.core_type<tc>} {
    %get3A = arith.constant 0 : index
    %get3A_0 = arith.constant 0 : index
    %get3A_1 = vector.load %arg2[%get3A, %get3A_0] : memref<10x64xf32, #tpu.memory_space<vmem>>, vector<10x64xf32>
    %get3A_2 = arith.constant 0 : index
    %get3A_3 = arith.constant 0 : index
    %get3A_4 = vector.load %arg3[%get3A_2, %get3A_3] : memref<10x64xf32, #tpu.memory_space<vmem>>, vector<10x64xf32>
    %add3A = arith.addf %get3A_1, %get3A_4 : vector<10x64xf32>
    %get3A_5 = arith.constant 0 : index
    %get3A_6 = arith.constant 0 : index
    %get3A_7 = vector.load %arg4[%get3A_5, %get3A_6] : memref<10x1xf32, #tpu.memory_space<vmem>>, vector<10x1xf32>
    %get3A_8 = arith.constant 0 : index
    %get3A_9 = arith.constant 0 : index
    %get3A_10 = vector.load %arg5[%get3A_8, %get3A_9] : memref<10x1xf32, #tpu.memory_space<vmem>>, vector<10x1xf32>
    %add3A_11 = arith.addf %get3A_7, %get3A_10 : vector<10x1xf32>
    %max3A = arith.constant 1.000000e+00 : f32
    %max3A_12 = vector.broadcast %max3A : f32 to vector<10x1xf32>
    %max3A_13 = arith.maximumf %add3A_11, %max3A_12 : vector<10x1xf32>
    %div3A = vector.broadcast %max3A_13 : vector<10x1xf32> to vector<10x64xf32>
    %div3A_14 = arith.divf %add3A, %div3A : vector<10x64xf32>
    %get3A_15 = arith.constant 0 : index
    %get3A_16 = arith.constant 0 : index
    %get3A_17 = vector.load %arg0[%get3A_15, %get3A_16] : memref<10x64xf32, #tpu.memory_space<vmem>>, vector<10x64xf32>
    %get3A_18 = arith.constant 0 : index
    %get3A_19 = arith.constant 0 : index
    %get3A_20 = vector.load %arg6[%get3A_18, %get3A_19] : memref<64x64xf32, #tpu.memory_space<vmem>>, vector<64x64xf32>
    %dot_general3A = arith.constant dense<0.000000e+00> : vector<10x64xf32>
    %dot_general3A_21 = tpu.matmul %get3A_17, %get3A_20, %dot_general3A {dimension_numbers = #tpu.dot_dimension_numbers<[1], [0], [0], [1], [0, 0, 1, 1], [], []>, transpose_lhs_hint = false} : vector<10x64xf32>, vector<64x64xf32>, vector<10x64xf32> -> vector<10x64xf32>
    %get3A_22 = arith.constant 0 : index
    %get3A_23 = arith.constant 0 : index
    %get3A_24 = vector.load %arg1[%get3A_22, %get3A_23] : memref<10x64xf32, #tpu.memory_space<vmem>>, vector<10x64xf32>
    %get3A_25 = arith.constant 0 : index
    %get3A_26 = arith.constant 0 : index
    %get3A_27 = vector.load %arg7[%get3A_25, %get3A_26] : memref<64x64xf32, #tpu.memory_space<vmem>>, vector<64x64xf32>
    %dot_general3A_28 = arith.constant dense<0.000000e+00> : vector<10x64xf32>
    %dot_general3A_29 = tpu.matmul %get3A_24, %get3A_27, %dot_general3A_28 {dimension_numbers = #tpu.dot_dimension_numbers<[1], [0], [0], [1], [0, 0, 1, 1], [], []>, transpose_lhs_hint = false} : vector<10x64xf32>, vector<64x64xf32>, vector<10x64xf32> -> vector<10x64xf32>
    %add3A_30 = arith.addf %dot_general3A_21, %dot_general3A_29 : vector<10x64xf32>
    %get3A_31 = arith.constant 0 : index
    %get3A_32 = arith.constant 0 : index
    %get3A_33 = vector.load %arg8[%get3A_31, %get3A_32] : memref<64x64xf32, #tpu.memory_space<vmem>>, vector<64x64xf32>
    %dot_general3A_34 = arith.constant dense<0.000000e+00> : vector<10x64xf32>
    %dot_general3A_35 = tpu.matmul %div3A_14, %get3A_33, %dot_general3A_34 {dimension_numbers = #tpu.dot_dimension_numbers<[1], [0], [0], [1], [0, 0, 1, 1], [], []>, transpose_lhs_hint = false} : vector<10x64xf32>, vector<64x64xf32>, vector<10x64xf32> -> vector<10x64xf32>
    %add3A_36 = arith.addf %add3A_30, %dot_general3A_35 : vector<10x64xf32>
    %get3A_37 = arith.constant 0 : index
    %get3A_38 = arith.constant 0 : index
    %get3A_39 = vector.load %arg9[%get3A_37, %get3A_38] : memref<1x64xf32, #tpu.memory_space<vmem>>, vector<1x64xf32>
    %add3A_40 = vector.broadcast %get3A_39 : vector<1x64xf32> to vector<10x64xf32>
    %add3A_41 = arith.addf %add3A_36, %add3A_40 : vector<10x64xf32>
    %max3A_42 = arith.constant 0.000000e+00 : f32
    %max3A_43 = vector.broadcast %max3A_42 : f32 to vector<10x64xf32>
    %max3A_44 = arith.maximumf %add3A_41, %max3A_43 : vector<10x64xf32>
    %get3A_45 = arith.constant 0 : index
    %get3A_46 = arith.constant 0 : index
    %get3A_47 = vector.load %arg10[%get3A_45, %get3A_46] : memref<64x64xf32, #tpu.memory_space<vmem>>, vector<64x64xf32>
    %dot_general3A_48 = arith.constant dense<0.000000e+00> : vector<10x64xf32>
    %dot_general3A_49 = tpu.matmul %max3A_44, %get3A_47, %dot_general3A_48 {dimension_numbers = #tpu.dot_dimension_numbers<[1], [0], [0], [1], [0, 0, 1, 1], [], []>, transpose_lhs_hint = false} : vector<10x64xf32>, vector<64x64xf32>, vector<10x64xf32> -> vector<10x64xf32>
    %get3A_50 = arith.constant 0 : index
    %get3A_51 = arith.constant 0 : index
    %get3A_52 = vector.load %arg11[%get3A_50, %get3A_51] : memref<1x64xf32, #tpu.memory_space<vmem>>, vector<1x64xf32>
    %add3A_53 = vector.broadcast %get3A_52 : vector<1x64xf32> to vector<10x64xf32>
    %add3A_54 = arith.addf %dot_general3A_49, %add3A_53 : vector<10x64xf32>
    %reduce_sum3A = arith.constant dense<0.000000e+00> : vector<10xf32>
    %reduce_sum3A_55 = vector.multi_reduction <add>, %add3A_54, %reduce_sum3A [1] : vector<10x64xf32> to vector<10xf32>
    %broadcast_in_dim3A = vector.shape_cast %reduce_sum3A_55 : vector<10xf32> to vector<10x1xf32>
    %div3A_56 = arith.constant 6.400000e+01 : f32
    %div3A_57 = vector.broadcast %div3A_56 : f32 to vector<10x1xf32>
    %div3A_58 = arith.divf %broadcast_in_dim3A, %div3A_57 : vector<10x1xf32>
    %sub3A = vector.broadcast %div3A_58 : vector<10x1xf32> to vector<10x64xf32>
    %sub3A_59 = arith.subf %add3A_54, %sub3A : vector<10x64xf32>
    %integer_pow3A = arith.mulf %sub3A_59, %sub3A_59 : vector<10x64xf32>
    %reduce_sum3A_60 = arith.constant dense<0.000000e+00> : vector<10xf32>
    %reduce_sum3A_61 = vector.multi_reduction <add>, %integer_pow3A, %reduce_sum3A_60 [1] : vector<10x64xf32> to vector<10xf32>
    %broadcast_in_dim3A_62 = vector.shape_cast %reduce_sum3A_61 : vector<10xf32> to vector<10x1xf32>
    %div3A_63 = arith.constant 6.400000e+01 : f32
    %div3A_64 = vector.broadcast %div3A_63 : f32 to vector<10x1xf32>
    %div3A_65 = arith.divf %broadcast_in_dim3A_62, %div3A_64 : vector<10x1xf32>
    %sub3A_66 = vector.broadcast %div3A_58 : vector<10x1xf32> to vector<10x64xf32>
    %sub3A_67 = arith.subf %add3A_54, %sub3A_66 : vector<10x64xf32>
    %add3A_68 = arith.constant 9.99999974E-6 : f32
    %add3A_69 = vector.broadcast %add3A_68 : f32 to vector<10x1xf32>
    %add3A_70 = arith.addf %div3A_65, %add3A_69 : vector<10x1xf32>
    %sqrt3A = math.sqrt %add3A_70 : vector<10x1xf32>
    %div3A_71 = vector.broadcast %sqrt3A : vector<10x1xf32> to vector<10x64xf32>
    %div3A_72 = arith.divf %sub3A_67, %div3A_71 : vector<10x64xf32>
    %swap3A = arith.constant 0 : index
    %swap3A_73 = arith.constant 0 : index
    %swap3A_74 = vector.load %arg16[%swap3A, %swap3A_73] : memref<10x64xf32, #tpu.memory_space<vmem>>, vector<10x64xf32>
    tpu.vector_store %arg16[%swap3A, %swap3A_73], %div3A_72 {strides = array<i32>} : memref<10x64xf32, #tpu.memory_space<vmem>>, vector<10x64xf32>,
    %get3A_75 = arith.constant 0 : index
    %get3A_76 = arith.constant 0 : index
    %get3A_77 = vector.load %arg12[%get3A_75, %get3A_76] : memref<64x64xf32, #tpu.memory_space<vmem>>, vector<64x64xf32>
    %dot_general3A_78 = arith.constant dense<0.000000e+00> : vector<10x64xf32>
    %dot_general3A_79 = tpu.matmul %div3A_72, %get3A_77, %dot_general3A_78 {dimension_numbers = #tpu.dot_dimension_numbers<[1], [0], [0], [1], [0, 0, 1, 1], [], []>, transpose_lhs_hint = false} : vector<10x64xf32>, vector<64x64xf32>, vector<10x64xf32> -> vector<10x64xf32>
    %get3A_80 = arith.constant 0 : index
    %get3A_81 = arith.constant 0 : index
    %get3A_82 = vector.load %arg14[%get3A_80, %get3A_81] : memref<1x64xf32, #tpu.memory_space<vmem>>, vector<1x64xf32>
    %add3A_83 = vector.broadcast %get3A_82 : vector<1x64xf32> to vector<10x64xf32>
    %add3A_84 = arith.addf %dot_general3A_79, %add3A_83 : vector<10x64xf32>
    %max3A_85 = arith.constant 0.000000e+00 : f32
    %max3A_86 = vector.broadcast %max3A_85 : f32 to vector<10x64xf32>
    %max3A_87 = arith.maximumf %add3A_84, %max3A_86 : vector<10x64xf32>
    %get3A_88 = arith.constant 0 : index
    %get3A_89 = arith.constant 0 : index
    %get3A_90 = vector.load %arg13[%get3A_88, %get3A_89] : memref<64x1xf32, #tpu.memory_space<vmem>>, vector<64x1xf32>
    %dot_general3A_91 = arith.constant dense<0.000000e+00> : vector<10x1xf32>
    %dot_general3A_92 = tpu.matmul %max3A_87, %get3A_90, %dot_general3A_91 {dimension_numbers = #tpu.dot_dimension_numbers<[1], [0], [0], [1], [0, 0, 1, 1], [], []>, transpose_lhs_hint = false} : vector<10x64xf32>, vector<64x1xf32>, vector<10x1xf32> -> vector<10x1xf32>
    %get3A_93 = arith.constant 0 : index
    %get3A_94 = arith.constant 0 : index
    %get3A_95 = vector.load %arg15[%get3A_93, %get3A_94] : memref<1x1xf32, #tpu.memory_space<vmem>>, vector<1x1xf32>
    %add3A_96 = vector.broadcast %get3A_95 : vector<1x1xf32> to vector<10x1xf32>
    %add3A_97 = arith.addf %dot_general3A_92, %add3A_96 : vector<10x1xf32>
    %swap3A_98 = arith.constant 0 : index
    %swap3A_99 = arith.constant 0 : index
    %swap3A_100 = vector.load %arg17[%swap3A_98, %swap3A_99] : memref<10x1xf32, #tpu.memory_space<vmem>>, vector<10x1xf32>
    tpu.vector_store %arg17[%swap3A_98, %swap3A_99], %add3A_97 {strides = array<i32>} : memref<10x1xf32, #tpu.memory_space<vmem>>, vector<10x1xf32>,
    %swap3A_101 = arith.constant 0 : index
    %swap3A_102 = arith.constant 0 : index
    %swap3A_103 = vector.load %arg18[%swap3A_101, %swap3A_102] : memref<10x64xf32, #tpu.memory_space<vmem>>, vector<10x64xf32>
    tpu.vector_store %arg18[%swap3A_101, %swap3A_102], %div3A_72 {strides = array<i32>} : memref<10x64xf32, #tpu.memory_space<vmem>>, vector<10x64xf32>,
    return
  }
}

module attributes {stable_mosaic.version = 14 : i64} {
  func.func @_head_body(%arg0: memref<10x1000xf32, #tpu.memory_space<vmem>>, %arg1: memref<10x1000xf32, #tpu.memory_space<vmem>>, %arg2: memref<10x1xi32, #tpu.memory_space<vmem>>, %arg3: memref<10x1xf32, #tpu.memory_space<vmem>>, %arg4: memref<10x1xf32, #tpu.memory_space<vmem>>) attributes {dimension_semantics = [], scalar_prefetch = 0 : i64, scratch_operands = 0 : i64, tpu.core_type = #tpu.core_type<tc>} {
    %get3A = arith.constant 0 : index
    %get3A_0 = arith.constant 0 : index
    %get3A_1 = vector.load %arg1[%get3A, %get3A_0] : memref<10x1000xf32, #tpu.memory_space<vmem>>, vector<10x1000xf32>
    %gt3A = arith.constant 0.000000e+00 : f32
    %gt3A_2 = vector.broadcast %gt3A : f32 to vector<10x1000xf32>
    %gt3A_3 = arith.cmpf ogt, %get3A_1, %gt3A_2 : vector<10x1000xf32>
    %get3A_4 = arith.constant 0 : index
    %get3A_5 = arith.constant 0 : index
    %get3A_6 = vector.load %arg0[%get3A_4, %get3A_5] : memref<10x1000xf32, #tpu.memory_space<vmem>>, vector<10x1000xf32>
    %jit3A = arith.constant 0xFF800000 : f32
    %broadcast_in_dim3A = vector.broadcast %jit3A : f32 to vector<10x1000xf32>
    %select_n3A = arith.select %gt3A_3, %get3A_6, %broadcast_in_dim3A : vector<10x1000xi1>, vector<10x1000xf32>
    %reduce_max3A = arith.constant dense<0xFF800000> : vector<10xf32>
    %reduce_max3A_7 = vector.multi_reduction <maximumf>, %select_n3A, %reduce_max3A [1] : vector<10x1000xf32> to vector<10xf32>
    %broadcast_in_dim3A_8 = vector.shape_cast %reduce_max3A_7 : vector<10xf32> to vector<10x1xf32>
    %sub3A = vector.broadcast %broadcast_in_dim3A_8 : vector<10x1xf32> to vector<10x1000xf32>
    %sub3A_9 = arith.subf %select_n3A, %sub3A : vector<10x1000xf32>
    %exp3A = math.exp %sub3A_9 : vector<10x1000xf32>
    %reduce_sum3A = arith.constant dense<0.000000e+00> : vector<10xf32>
    %reduce_sum3A_10 = vector.multi_reduction <add>, %exp3A, %reduce_sum3A [1] : vector<10x1000xf32> to vector<10xf32>
    %broadcast_in_dim3A_11 = vector.shape_cast %reduce_sum3A_10 : vector<10xf32> to vector<10x1xf32>
    %log3A = math.log %broadcast_in_dim3A_11 : vector<10x1xf32>
    %add3A = arith.addf %broadcast_in_dim3A_8, %log3A : vector<10x1xf32>
    %sub3A_12 = vector.broadcast %add3A : vector<10x1xf32> to vector<10x1000xf32>
    %sub3A_13 = arith.subf %select_n3A, %sub3A_12 : vector<10x1000xf32>
    %iota3A = tpu.iota {dimensions = array<i32: 1>} : vector<10x1000xi32>
    %get3A_14 = arith.constant 0 : index
    %get3A_15 = arith.constant 0 : index
    %get3A_16 = vector.load %arg2[%get3A_14, %get3A_15] : memref<10x1xi32, #tpu.memory_space<vmem>>, vector<10x1xi32>
    %eq3A = vector.broadcast %get3A_16 : vector<10x1xi32> to vector<10x1000xi32>
    %eq3A_17 = arith.cmpi eq, %iota3A, %eq3A : vector<10x1000xi32>
    %jit3A_18 = arith.constant 0.000000e+00 : f32
    %broadcast_in_dim3A_19 = vector.broadcast %jit3A_18 : f32 to vector<10x1000xf32>
    %select_n3A_20 = arith.select %eq3A_17, %sub3A_13, %broadcast_in_dim3A_19 : vector<10x1000xi1>, vector<10x1000xf32>
    %reduce_sum3A_21 = arith.constant dense<0.000000e+00> : vector<10xf32>
    %reduce_sum3A_22 = vector.multi_reduction <add>, %select_n3A_20, %reduce_sum3A_21 [1] : vector<10x1000xf32> to vector<10xf32>
    %broadcast_in_dim3A_23 = vector.shape_cast %reduce_sum3A_22 : vector<10xf32> to vector<10x1xf32>
    %swap3A = arith.constant 0 : index
    %swap3A_24 = arith.constant 0 : index
    %swap3A_25 = vector.load %arg3[%swap3A, %swap3A_24] : memref<10x1xf32, #tpu.memory_space<vmem>>, vector<10x1xf32>
    tpu.vector_store %arg3[%swap3A, %swap3A_24], %broadcast_in_dim3A_23 {strides = array<i32>} : memref<10x1xf32, #tpu.memory_space<vmem>>, vector<10x1xf32>,
    %exp3A_26 = math.exp %sub3A_13 : vector<10x1000xf32>
    %gt3A_27 = arith.constant 0.000000e+00 : f32
    %gt3A_28 = vector.broadcast %gt3A_27 : f32 to vector<10x1000xf32>
    %gt3A_29 = arith.cmpf ogt, %exp3A_26, %gt3A_28 : vector<10x1000xf32>
    %mul3A = arith.mulf %exp3A_26, %sub3A_13 : vector<10x1000xf32>
    %jit3A_30 = arith.constant 0.000000e+00 : f32
    %broadcast_in_dim3A_31 = vector.broadcast %jit3A_30 : f32 to vector<10x1000xf32>
    %select_n3A_32 = arith.select %gt3A_29, %mul3A, %broadcast_in_dim3A_31 : vector<10x1000xi1>, vector<10x1000xf32>
    %reduce_sum3A_33 = arith.constant dense<0.000000e+00> : vector<10xf32>
    %reduce_sum3A_34 = vector.multi_reduction <add>, %select_n3A_32, %reduce_sum3A_33 [1] : vector<10x1000xf32> to vector<10xf32>
    %broadcast_in_dim3A_35 = vector.shape_cast %reduce_sum3A_34 : vector<10xf32> to vector<10x1xf32>
    %neg3A = arith.constant 0.000000e+00 : f32
    %neg3A_36 = vector.broadcast %neg3A : f32 to vector<10x1xf32>
    %neg3A_37 = arith.subf %neg3A_36, %broadcast_in_dim3A_35 : vector<10x1xf32>
    %swap3A_38 = arith.constant 0 : index
    %swap3A_39 = arith.constant 0 : index
    %swap3A_40 = vector.load %arg4[%swap3A_38, %swap3A_39] : memref<10x1xf32, #tpu.memory_space<vmem>>, vector<10x1xf32>
    tpu.vector_store %arg4[%swap3A_38, %swap3A_39], %neg3A_37 {strides = array<i32>} : memref<10x1xf32, #tpu.memory_space<vmem>>, vector<10x1xf32>,
    return
  }
}

</mosaic_0001>

<sc_bundles>
// kernel: kernel.14.cloned.1.call-start
scs
__scs_entry_jumppad:
0x0: {  	(pc) =	sbr.rel $0x88, $3  }
0x1: {  	(tag) =	ssettag $0x0;
	lr =	simm.s32 $0x1  }
0x2: {  	[smem:$0x3F77] =	sst lr;
	_ =	strace $0xD0000000  }
0x3: {  	_ = 	snop  }
0x4: {  	_ = 	snop  }
0x5: {  	_ = 	snop  }
0x6: {  	_ = 	snop  }
0x7: {  	_ = 	snop  }
__scs_overlays_trampoline_lowered:
0x8: {  	[smem:$0x3F86] =	sst s0  }
0x9: {  	[smem:$0x3F87] =	sst s1  }
0xa: {  	[smem:$0x3F88] =	sst s2  }
0xb: {  	[smem:$0x3F89] =	sst s3  }
0xc: {  	[smem:$0x3F8A] =	sst s4  }
0xd: {  	[smem:$0x3F8B] =	sst s5  }
0xe: {  	[smem:$0x3F8C] =	sst s6  }
0xf: {  	[smem:$0x3F8D] =	sst s7  }
0x10: {  	[smem:$0x3F8E] =	sst s8  }
0x11: {  	[smem:$0x3F8F] =	sst s9;
	s0 =	simm.s32 @!p0 $0x0  }
0x12: {  	s1 =	sld [smem:$0x3F75];
	s0 =	simm.s32 @p0 $0x1  }
0x13: {  	[smem:$0x3F90] =	sst s0;
	s0 =	simm.s32 @!p1 $0x0  }
0x14: {  	s2 =	sld [smem:$0x3F74];
	s0 =	simm.s32 @p1 $0x1  }
0x15: {  	[smem:$0x3F91] =	sst s0;
	s0 =	simm.s32 @!p2 $0x0  }
0x16: {  	s3 =	sld [smem:$0x3FDB];
	s0 =	simm.s32 @p2 $0x1  }
0x17: {  	s4 =	simm.s32 $0x1BF5;
	[smem:$0x3F93] =	sst s0  }
0x18: {  	s0 =	sld [smem:$0x3F76];
	_ =	swait.ge [sflag:s4], $0x0  }
0x19: {  	s7 =	sld [smem:$0x3F77]  }
0x1a: {  	s8 =	sadd.s32 $0xFFFFE003, lr  }
0x1b: {  	s9 =	sadd.s32 $0xFFFFFEF7, lr;
	s5 =	simm.s32 $0xFFFFFFFF;
	p2 =	slt.u32 s8, $0xFFFFF086  }
0x1c: {  	p1 =	slt.u32 s9, $0xF7A;
	s5 =	simm.s32 @!p2 $0x0  }
0x1d: {  	s5 =	simm.s32 @p1 $0x1;
	p0 =	seq.s32 s7, s2  }
0x1e: {  	s7 =	smul.u32 @!p0 $0xF7A, s2;
	p2 =	seq.s32 @!p0 s5, $0x0  }
0x1f: {  	s9 =	smul.u32 $0xF7A, s1;
	s8 =	simm.s32 @!p0 $0x1BF5;
	p2 =	por !p2, p0  }
0x20: {  	[sflag:s8] =	ssyncset.s32 @!p0 $0xFFFFF086;
	s6 =	sadd.s32 @!p0 s3, s7;
	s7 =	simm.s32 @!p0 $0x108  }
0x21: {  	s3 =	sadd.s32 s3, s9;
	s6 =	sadd.s32 @!p0 $0x88, s6;
	s7 =	simm.s32 @p2 $0x1082  }
0x22: {  	[simem:s7], [sflag:s8] =	dma.local @!p0 [hbm:s6], $0xF7A  }
0x23: {  	s9 =	sor.u32 $0xD0000000, s2;
	s6 =	simm.s32 $0x108;
	_ =	swait.ge @!p0 [sflag:s8], $0x0  }
0x24: {  	s3 =	sadd.s32 $0x88, s3;
	s6 =	simm.s32 @!p1 $0x1082;
	[sflag:s4] =	ssyncset.s32 $0xFFFFF086  }
0x25: {  	[simem:s6], [sflag:s4] =	dma.local [hbm:s3], $0xF7A  }
0x26: {  	[smem:$0x3F77] =	sst s1;
	(tag) =	ssettag s2;
	_ =	strace s9  }
0x27: {  	s1 =	sld [smem:$0x3F87]  }
0x28: {  	s2 =	sld [smem:$0x3F88]  }
0x29: {  	s4 =	sld [smem:$0x3F8A]  }
0x2a: {  	p0 =	seq.s32 s5, $0x0;
	s5 =	sld [smem:$0x3F8B]  }
0x2b: {  	s6 =	sld [smem:$0x3F8C]  }
0x2c: {  	s7 =	sld [smem:$0x3F8D]  }
0x2d: {  	s3 =	simm.s32 $0x108;
	s8 =	sld [smem:$0x3F8E]  }
0x2e: {  	s3 =	simm.s32 @!p0 $0x1082;
	s9 =	sld [smem:$0x3F8F]  }
0x2f: {  	lr =	sadd.s32 s0, s3;
	s0 =	sld [smem:$0x3F86]  }
0x30: {  	s3 =	sld [smem:$0x3F89]  }
0x31: {  	[smem:$0x3F92] =	sst s10  }
0x32: {  	s10 =	sld [smem:$0x3F90];
	_ =	sdelay $0x3  }
0x33: {  	p0 =	seq.s32 s10, $0x1;
	s10 =	sld [smem:$0x3F92];
	_ =	sdelay $0x3  }
0x34: {  	[smem:$0x3F92] =	sst s10  }
0x35: {  	s10 =	sld [smem:$0x3F91];
	_ =	sdelay $0x3  }
0x36: {  	p1 =	seq.s32 s10, $0x1;
	s10 =	sld [smem:$0x3F92];
	_ =	sdelay $0x3  }
0x37: {  	[smem:$0x3F92] =	sst s10  }
0x38: {  	s10 =	sld [smem:$0x3F93]  }
0x39: {  	_ = 	snop;
	(pc) =	sbr.ind lr, $3  }
0x3a: {  	_ = 	snop  }
0x3b: {  	_ = 	snop  }
0x3c: {  	p2 =	seq.s32 s10, $0x1;
	s10 =	sld [smem:$0x3F92]  }
0x3d: {  	_ =	shalt  }
0x3e: {  	_ =	shalt  }
0x3f: {  	_ =	shalt  }
0x40: {  	_ =	shalt  }
0x41: {  	_ =	shalt  }
0x42: {  	_ =	shalt  }
0x43: {  	_ =	shalt  }
0x44: {  	_ =	shalt  }
0x45: {  	_ =	shalt  }
0x46: {  	_ =	shalt  }
0x47: {  	_ =	shalt  }
0x48: {  	_ =	shalt  }
0x49: {  	_ =	shalt  }
0x4a: {  	_ =	shalt  }
0x4b: {  	_ =	shalt  }
0x4c: {  	_ =	shalt  }
0x4d: {  	_ =	shalt  }
0x4e: {  	_ =	shalt  }
0x4f: {  	_ =	shalt  }
0x50: {  	_ =	shalt  }
0x51: {  	_ =	shalt  }
0x52: {  	_ =	shalt  }
0x53: {  	_ =	shalt  }
0x54: {  	_ =	shalt  }
0x55: {  	_ =	shalt  }
0x56: {  	_ =	shalt  }
0x57: {  	_ =	shalt  }
0x58: {  	_ =	shalt  }
0x59: {  	_ =	shalt  }
0x5a: {  	_ =	shalt  }
0x5b: {  	_ =	shalt  }
0x5c: {  	_ =	shalt  }
0x5d: {  	_ =	shalt  }
0x5e: {  	_ =	shalt  }
0x5f: {  	_ =	shalt  }
0x60: {  	_ =	shalt  }
0x61: {  	_ =	shalt  }
0x62: {  	_ =	shalt  }
0x63: {  	_ =	shalt  }
0x64: {  	_ =	shalt  }
0x65: {  	_ =	shalt  }
0x66: {  	_ =	shalt  }
0x67: {  	_ =	shalt  }
0x68: {  	_ =	shalt  }
0x69: {  	_ =	shalt  }
0x6a: {  	_ =	shalt  }
0x6b: {  	_ =	shalt  }
0x6c: {  	_ =	shalt  }
0x6d: {  	_ =	shalt  }
0x6e: {  	_ =	shalt  }
0x6f: {  	_ =	shalt  }
0x70: {  	_ =	shalt  }
0x71: {  	_ =	shalt  }
0x72: {  	_ =	shalt  }
0x73: {  	_ =	shalt  }
0x74: {  	_ =	shalt  }
0x75: {  	_ =	shalt  }
0x76: {  	_ =	shalt  }
0x77: {  	_ =	shalt  }
0x78: {  	_ =	shalt  }
0x79: {  	_ =	shalt  }
0x7a: {  	_ =	shalt  }
0x7b: {  	_ =	shalt  }
0x7c: {  	_ =	shalt  }
0x7d: {  	_ =	shalt  }
0x7e: {  	_ =	shalt  }
0x7f: {  	_ =	shalt  }
0x80: {  	_ =	shalt  }
0x81: {  	_ =	shalt  }
0x82: {  	_ =	shalt  }
0x83: {  	_ =	shalt  }
0x84: {  	_ =	shalt  }
0x85: {  	_ =	shalt  }
0x86: {  	_ =	shalt  }
0x87: {  	_ =	shalt  }
.Lfunc_end0:
.L_simem_size_0:
called_computation_lowered:
.L_overlay_start_0:
0x88: {  	s2 =	sld [smem:$0x3FD9]  }
0x89: {  	s3 =	sld [smem:$0x3FFE];
	_ =	sdelay $0x1  }
0x8a: {  	s1 =	srdreg.scid  }
0x8b: {  	s0 =	sand.u32 $0x1, s1  }
0x8c: {  	s16 =	sshll.u32 s0, $0xA;
	s2 =	sadd.s32 s3, s2  }
0x8d: {  	s2 =	sadd.s32 s2, s16  }
0x8e: {  	[smem:$0x3F9E] =	sst s2  }
0x8f: {  	_ = 	snop  }
0x90: {  	(tm) =	ssettm $0x1  }
0x91: {  	s17 =	sld [smem:$0x3FFB];
	_ =	sdelay $0x3  }
0x92: {  	_ =	strace s17  }
0x93: {  	s2 =	sld [smem:$0x3FFC];
	_ =	sdelay $0x3  }
0x94: {  	_ =	strace s2  }
0x95: {  	s2 =	sld [smem:$0x3FFD];
	_ =	sdelay $0x3  }
0x96: {  	_ =	strace s2  }
0x97: {  	_ =	strace $0x8FFFFFFF  }
0x98: {  	s18 =	sld [smem:$0x3FDB];
	_ =	sdelay $0x1  }
0x99: {  	s19 =	simm.s32 $_scs_section_size  }
0x9a: {  	s4 =	simm.s32 $_size__tile_overlayer_lowered;
	s5 =	simm.s32 $_tile_overlayer_lowered  }
0x9b: {  	s22 =	simm.s32 $0x1BFF;
	s21 =	sshll.u32 s5, $0x1;
	s2 =	sadd.s32 s19, s18  }
0x9c: {  	s6 =	simm.s32 $0x0;
	s20 =	sshll.u32 s4, $0x1;
	s4 =	sadd.s32 s21, s2  }
0x9d: {  	[timem:s6], [sflag:s22] =	dma.local [hbm:s4], s20  }
0x9e: {  	_ =	swait.ge [sflag:s22], s20  }
0x9f: {  	s3 =	ssub.s32 $0x0, s20;
	[sflag:s22] =	ssyncset.done $0x0  }
0xa0: {  	[sflag:s22] =	ssyncadd.s32 s3;
	_ =	sdelay $0x1  }
0xa1: {  	s23 =	simm.s32 $0x1B8B  }
0xa2: {  	_ =	swait.ge [sflag:s23], $0x1  }
0xa3: {  	[sflag:s23] =	ssyncset.done $0x0  }
0xa4: {  	s25 =	simm.s32 $0x1B8E;
	s24 =	sld [smem:$0x3FFE];
	[sflag:s23] =	ssyncadd.s32 $0xFFFFFFFF  }
0xa5: {  	s26 =	simm.s32 $execute0_lowered;
	[smem:$0x3FD2] =	sst s25  }
0xa6: {  	s4 =	sshll.u32 s26, $0x1;
	_ =	strace $0x80000046;
	[dreg:$0x1] =	wrdreg $0xFFFFFFFF  }
0xa7: {  	s28 =	simm.s32 $_size_execute0_lowered;
	s2 =	sadd.s32 s2, s4;
	[dreg:$0x0] =	wrdreg $0x0  }
0xa8: {  	s4 =	sshll.u32 s28, $0x1;
	[dreg:$0x2] =	wrdreg s2  }
0xa9: {  	[dreg:$0x3] =	wrdreg s4  }
0xaa: {  	[dreg:$0x4] =	wrdreg $0xC0  }
0xab: {  	_ =	task [dreg:s6], $0x5FFFF  }
0xac: {  	[dreg:$0x1] =	wrdreg $0xFFFFFFFF  }
0xad: {  	[dreg:$0x0] =	wrdreg $0x60  }
0xae: {  	[dreg:$0x2] =	wrdreg s24  }
0xaf: {  	[dreg:$0x3] =	wrdreg $0x9  }
0xb0: {  	_ =	task.clear_ibuf [dreg:s6], $0x4FFFF;
	_ =	strace $0x90000046  }
0xb1: {  	s29 =	simm.s32 $0x9;
	_ =	strace $0x80000048  }
0xb2: {  	_ =	swait.ge [sflag:s29], $0x1  }
0xb3: {  	[sflag:s29] =	ssyncadd.s32 $0xFFFFFFFF  }
0xb4: {  	_ =	strace $0x90000048  }
0xb5: {  	_ =	sfence  }
0xb6: {  	s30 =	sld [smem:$0x0];
	_ =	sdelay $0x2  }
0xb7: {  	s31 =	sshll.u32 s1, $0xD;
	s1 =	sshrl.u32 s1, $0x2  }
0xb8: {  	s3 =	sand.u32 $0x4000, s31;
	s1 =	sadd.s32 s1, s30  }
0xb9: {  	s0 =	sor.u32 s3, s0;
	s1 =	sshll.u32 s1, $0x11  }
0xba: {  	s0 =	sor.u32 s1, s0  }
0xbb: {  	s0 =	sadd.s32 $0x8F2B, s0  }
0xbc: {  	[sflag:s0] =	ssyncadd.remote.s32 $0x1  }
0xbd: {  	_ =	sfence.sel $0xFFFF  }
0xbe: {  	[dreg:$0x0] =	wrdreg $0xFFFFFFFF;
	(pc) =	sbr.abs _section_cstart, $3  }
0xbf: {  	[dreg:$0x1] =	wrdreg $0xFFFFFFFF  }
0xc0: {  	_ =	task.clear_ibuf [dreg:s6], $0x2FFFF;
	_ =	strace $0x9FFFFFFF  }
0xc1: {  	(tm) =	ssettm $0x7FFFFFFF  }
tec
execute0_lowered:
.L_overlay_start_1:
0x0: {  	(tag) =	ssettag $0x1  }
0x1: {  	s5 =	rddreg [dreg:$0x0]  }
0x2: {  	s0 =	rddreg [dreg:$0x1]  }
0x3: {  	s2 =	simm.s32 $0x0;
	s3 =	srdreg.scid;
	s1 =	stileid.u32  }
0x4: {  	s11 =	simm.s32 $0x7D0;
	s12 =	simm.s32 $0x1;
	s13 =	simm.s32 $0x2  }
0x5: {  	s14 =	simm.s32 $0x0;
	[smem:$0x7FF] =	sst s2;
	s7 =	smul.u32 $0x4E20, s1  }
0x6: {  	s6 =	sand.u32 $0x1, s3;
	s3 =	sadd.s32 $0x49000, s5;
	s9 =	smul.u32 $0x27100, s1  }
0x7: {  	s4 =	sadd.s32 $0x35600, s5;
	s8 =	smul.u32 $0x2710, s6;
	s10 =	ssub.s32 $0x2, s6  }
0x8: {  	_ =	strace $0x80000047;
	s6 =	smul.u32 $0x13880, s6;
	s30 =	sshrl.u32 s10, $0x1  }
0x9: {  	s9 =	sadd.s32 s9, s5;
	s7 =	sadd.s32 s8, s7;
	s8 =	ssub.s32 s10, s30  }
0xa: {  	s6 =	sadd.s32 s6, s9;
	s9 =	simm.s32 $0x3;
	s7 =	sshrl.u32 s7, $0x3  }
0xb: {  	s10 =	simm.s32 $0x3E8;
	s6 =	sadd.s32 $0x70800, s6;
	s31 =	sadd.s32 s7, s5  }
0xc: {  	s5 =	smax.u32 s8, $0x1;
	s7 =	sadd.s32 $0x66800, s31;
	s8 =	sadd.s32 $0x5CA00, s31  }
.LBB2_1:
0xd: {  	s15 =	sadd.s32 $0x0, s8  }
0xe: {  	[tilespmem:s2], [sflag:$0x3] =	stream.linear.gather [hbm4b:s15+s2], $0x3E8, $0x38;
	[tilespmem:$0x101D0] =	vst v63  }
0xf: {  	_ =	swait.ge [sflag:s9], $0x3E8  }
0x10: {  	[sflag:s9] =	ssyncset.done $0x0  }
0x11: {  	s31 =	sadd.s32 $0x0, s7;
	[sflag:s9] =	ssyncadd.s32 $0xFFFFFC18  }
0x12: {  	[tilespmem:s10], [sflag:$0x3] =	stream.linear.gather [hbm4b:s31+s2], $0x3E8, $0x38;
	[tilespmem:$0x101D0] =	vst v63  }
0x13: {  	_ =	swait.ge [sflag:s9], $0x3E8  }
0x14: {  	[sflag:s9] =	ssyncset.done $0x0  }
0x15: {  	[sflag:s9] =	ssyncadd.s32 $0xFFFFFC18  }
0x16: {  	[tilespmem:s11], [sflag:$0x1] =	stream.indirect.gather [hbm4b:s3+s10], $0x40, s2, s10, $0xb8;
	[tilespmem:$0x101D0] =	vst v63  }
0x17: {  	_ =	swait.ge [sflag:s12], $0xFA00  }
0x18: {  	[sflag:s12] =	ssyncset.done $0x0  }
0x19: {  	[sflag:s12] =	ssyncadd.s32 $0xFFFF0600  }
0x1a: {  	[tilespmem:s11], [sflag:$0x2] =	stream.indirect.gather.add.f32 [hbm:s4], $0x40, s10, s10, $0xb8;
	[tilespmem:$0x101D0] =	vst v63  }
0x1b: {  	_ =	swait.ge [sflag:s13], $0xFA00  }
0x1c: {  	[sflag:s13] =	ssyncset.done $0x0  }
0x1d: {  	[sflag:s13] =	ssyncadd.s32 $0xFFFF0600  }
0x1e: {  	[hbm4b:s6+s2] =	stream.linear.scatter [tilespmem:s11], [sflag:$0x3], $0xFA00, $0x38;
	[tilespmem:$0x101D0] =	vst v63  }
0x1f: {  	s16 =	simm.s32 $0x7D;
	_ =	swait.ge [sflag:s9], $0xFA00  }
0x20: {  	s17 =	simm.s32 $0xFA;
	s15 =	sadd.s32 $0x1F40, s6;
	[sflag:s9] =	ssyncset.done $0x0  }
.LBB2_2:
0x21: {  	s18 =	sadd.s32 s16, s8  }
0x22: {  	[sflag:s9] =	ssyncadd.s32 $0xFFFF0600;
	s19 =	smov.u32 s17;
	s20 =	sadd.s32 $0x7D, s17  }
0x23: {  	[tilespmem:s2], [sflag:$0x3] =	stream.linear.gather [hbm4b:s18+s2], $0x3E8, $0x38;
	[tilespmem:$0x101D0] =	vst v63  }
0x24: {  	p0 =	sne.s32 s17, $0x465;
	_ =	swait.ge [sflag:s9], $0x3E8  }
0x25: {  	[sflag:s9] =	ssyncset.done $0x0  }
0x26: {  	s17 =	sadd.s32 s16, s7;
	s16 =	smov.u32 s19;
	[sflag:s9] =	ssyncadd.s32 $0xFFFFFC18  }
0x27: {  	[tilespmem:s10], [sflag:$0x3] =	stream.linear.gather [hbm4b:s17+s2], $0x3E8, $0x38;
	[tilespmem:$0x101D0] =	vst v63  }
0x28: {  	_ =	swait.ge [sflag:s9], $0x3E8  }
0x29: {  	[sflag:s9] =	ssyncset.done $0x0  }
0x2a: {  	[sflag:s9] =	ssyncadd.s32 $0xFFFFFC18  }
0x2b: {  	[tilespmem:s11], [sflag:$0x1] =	stream.indirect.gather [hbm4b:s3+s10], $0x40, s2, s10, $0xb8;
	[tilespmem:$0x101D0] =	vst v63  }
0x2c: {  	_ =	swait.ge [sflag:s12], $0xFA00  }
0x2d: {  	[sflag:s12] =	ssyncset.done $0x0  }
0x2e: {  	[sflag:s12] =	ssyncadd.s32 $0xFFFF0600  }
0x2f: {  	[tilespmem:s11], [sflag:$0x2] =	stream.indirect.gather.add.f32 [hbm:s4], $0x40, s10, s10, $0xb8;
	[tilespmem:$0x101D0] =	vst v63  }
0x30: {  	_ =	swait.ge [sflag:s13], $0xFA00  }
.Ltmp0:
0x31: {  	[sflag:s13] =	ssyncset.done $0x0;
	(pc) =	sbr.rel @p0 .LBB2_2-.Ltmp0, $4  }
0x32: {  	[sflag:s13] =	ssyncadd.s32 $0xFFFF0600  }
0x33: {  	[hbm4b:s15+s2] =	stream.linear.scatter [tilespmem:s11], [sflag:$0x3], $0xFA00, $0x38;
	[tilespmem:$0x101D0] =	vst v63  }
0x34: {  	_ =	swait.ge [sflag:s9], $0xFA00  }
0x35: {  	s17 =	smov.u32 s20;
	s15 =	sadd.s32 $0x1F40, s15;
	[sflag:s9] =	ssyncset.done $0x0  }
0x36: {  	s17 =	sadd.s32 s16, s8;
	[sflag:s9] =	ssyncadd.s32 $0xFFFF0600  }
0x37: {  	[tilespmem:s2], [sflag:$0x3] =	stream.linear.gather [hbm4b:s17+s2], $0x3E8, $0x38;
	[tilespmem:$0x101D0] =	vst v63  }
0x38: {  	_ =	swait.ge [sflag:s9], $0x3E8  }
0x39: {  	[sflag:s9] =	ssyncset.done $0x0  }
0x3a: {  	s31 =	sadd.s32 s16, s7;
	[sflag:s9] =	ssyncadd.s32 $0xFFFFFC18  }
0x3b: {  	[tilespmem:s10], [sflag:$0x3] =	stream.linear.gather [hbm4b:s31+s2], $0x3E8, $0x38;
	[tilespmem:$0x101D0] =	vst v63  }
0x3c: {  	_ =	swait.ge [sflag:s9], $0x3E8  }
0x3d: {  	[sflag:s9] =	ssyncset.done $0x0  }
0x3e: {  	[sflag:s9] =	ssyncadd.s32 $0xFFFFFC18  }
0x3f: {  	[tilespmem:s11], [sflag:$0x1] =	stream.indirect.gather [hbm4b:s3+s10], $0x40, s2, s10, $0xb8;
	[tilespmem:$0x101D0] =	vst v63  }
0x40: {  	_ =	swait.ge [sflag:s12], $0xFA00  }
0x41: {  	[sflag:s12] =	ssyncset.done $0x0  }
0x42: {  	[sflag:s12] =	ssyncadd.s32 $0xFFFF0600  }
0x43: {  	[tilespmem:s11], [sflag:$0x2] =	stream.indirect.gather.add.f32 [hbm:s4], $0x40, s10, s10, $0xb8;
	[tilespmem:$0x101D0] =	vst v63  }
0x44: {  	s14 =	sadd.s32 $0x1, s14;
	_ =	swait.ge [sflag:s13], $0xFA00  }
0x45: {  	p0 =	sne.s32 s14, s5;
	[sflag:s13] =	ssyncset.done $0x0  }
.Ltmp1:
0x46: {  	[sflag:s13] =	ssyncadd.s32 $0xFFFF0600;
	(pc) =	sbr.rel @p0 .LBB2_1-.Ltmp1, $4  }
0x47: {  	[hbm4b:s15+s2] =	stream.linear.scatter [tilespmem:s11], [sflag:$0x3], $0xFA00, $0x38;
	[tilespmem:$0x101D0] =	vst v63  }
0x48: {  	_ =	swait.ge [sflag:s9], $0xFA00  }
0x49: {  	[sflag:s9] =	ssyncset.done $0x0  }
0x4a: {  	[sflag:s9] =	ssyncadd.s32 $0xFFFF0600  }
0x4b: {  	_ =	sfence.sel $0x180000  }
0x4c: {  	[bflag:$0x0] =	sbarrier.arrive $0xFFFF  }
0x4d: {  	p0 =	sne.s32 s1, $0x0;
	_ =	strace $0x90000047  }
0x4e: {  	s0 =	sadd.s32 @!p0 $0x100000, s0;
	[bflag:$0x2] =	sbarrier.arrive $0xFFFF  }
0x4f: {  	[sflag:s0] =	ssyncadd.tile.s32 @!p0 $0x1;
	_ =	shalt  }
.Lfunc_end2:
_tile_overlayer_lowered:
.L_overlay_start_2:
0x50: {  	(tag) =	ssettag $0x2  }
0x51: {  	s0 =	rddreg [dreg:$0x0];
	s2 =	stileid.u32  }
0x52: {  	s1 =	rddreg [dreg:$0x1];
	p0 =	sne.s32 s2, $0x0  }
0x53: {  	s3 =	rddreg [dreg:$0x2];
	[bflag:$0x3] =	sbarrier.arrive $0xFFFF;
	s2 =	simm.s32 @!p0 $0x1C03  }
0x54: {  	[timem:s3], [sflag:s2] =	dma.local @!p0 [hbm:s0], s1  }
0x55: {  	s0 =	simm.s32 @!p0 $0x3  }
0x56: {  	_ =	swait.ge @!p0 [sflag:s0], s1  }
0x57: {  	s1 =	ssub.s32 @!p0 $0x0, s1;
	[sflag:s0] =	ssyncset.done @!p0 $0x0  }
0x58: {  	[sflag:s0] =	ssyncadd.s32 @!p0 s1  }
0x59: {  	[bflag:$0x3] =	sbarrier.arrive $0xFFFF  }
0x5a: {  	_ =	shalt  }

// kernel: kernel.17.cloned.1.call-start
scs
__scs_entry_jumppad:
0x0: {  	(pc) =	sbr.rel $0x88, $3  }
0x1: {  	(tag) =	ssettag $0x0;
	lr =	simm.s32 $0x1  }
0x2: {  	[smem:$0x3F77] =	sst lr;
	_ =	strace $0xD0000000  }
0x3: {  	_ = 	snop  }
0x4: {  	_ = 	snop  }
0x5: {  	_ = 	snop  }
0x6: {  	_ = 	snop  }
0x7: {  	_ = 	snop  }
__scs_overlays_trampoline_lowered:
0x8: {  	[smem:$0x3F86] =	sst s0  }
0x9: {  	[smem:$0x3F87] =	sst s1  }
0xa: {  	[smem:$0x3F88] =	sst s2  }
0xb: {  	[smem:$0x3F89] =	sst s3  }
0xc: {  	[smem:$0x3F8A] =	sst s4  }
0xd: {  	[smem:$0x3F8B] =	sst s5  }
0xe: {  	[smem:$0x3F8C] =	sst s6  }
0xf: {  	[smem:$0x3F8D] =	sst s7  }
0x10: {  	[smem:$0x3F8E] =	sst s8  }
0x11: {  	[smem:$0x3F8F] =	sst s9;
	s0 =	simm.s32 @!p0 $0x0  }
0x12: {  	s1 =	sld [smem:$0x3F75];
	s0 =	simm.s32 @p0 $0x1  }
0x13: {  	[smem:$0x3F90] =	sst s0;
	s0 =	simm.s32 @!p1 $0x0  }
0x14: {  	s2 =	sld [smem:$0x3F74];
	s0 =	simm.s32 @p1 $0x1  }
0x15: {  	[smem:$0x3F91] =	sst s0;
	s0 =	simm.s32 @!p2 $0x0  }
0x16: {  	s3 =	sld [smem:$0x3FDB];
	s0 =	simm.s32 @p2 $0x1  }
0x17: {  	s4 =	simm.s32 $0x1BF5;
	[smem:$0x3F93] =	sst s0  }
0x18: {  	s0 =	sld [smem:$0x3F76];
	_ =	swait.ge [sflag:s4], $0x0  }
0x19: {  	s7 =	sld [smem:$0x3F77]  }
0x1a: {  	s8 =	sadd.s32 $0xFFFFE003, lr  }
0x1b: {  	s9 =	sadd.s32 $0xFFFFFEF7, lr;
	s5 =	simm.s32 $0xFFFFFFFF;
	p2 =	slt.u32 s8, $0xFFFFF086  }
0x1c: {  	p1 =	slt.u32 s9, $0xF7A;
	s5 =	simm.s32 @!p2 $0x0  }
0x1d: {  	s5 =	simm.s32 @p1 $0x1;
	p0 =	seq.s32 s7, s2  }
0x1e: {  	s7 =	smul.u32 @!p0 $0xF7A, s2;
	p2 =	seq.s32 @!p0 s5, $0x0  }
0x1f: {  	s9 =	smul.u32 $0xF7A, s1;
	s8 =	simm.s32 @!p0 $0x1BF5;
	p2 =	por !p2, p0  }
0x20: {  	[sflag:s8] =	ssyncset.s32 @!p0 $0xFFFFF086;
	s6 =	sadd.s32 @!p0 s3, s7;
	s7 =	simm.s32 @!p0 $0x108  }
0x21: {  	s3 =	sadd.s32 s3, s9;
	s6 =	sadd.s32 @!p0 $0x88, s6;
	s7 =	simm.s32 @p2 $0x1082  }
0x22: {  	[simem:s7], [sflag:s8] =	dma.local @!p0 [hbm:s6], $0xF7A  }
0x23: {  	s9 =	sor.u32 $0xD0000000, s2;
	s6 =	simm.s32 $0x108;
	_ =	swait.ge @!p0 [sflag:s8], $0x0  }
0x24: {  	s3 =	sadd.s32 $0x88, s3;
	s6 =	simm.s32 @!p1 $0x1082;
	[sflag:s4] =	ssyncset.s32 $0xFFFFF086  }
0x25: {  	[simem:s6], [sflag:s4] =	dma.local [hbm:s3], $0xF7A  }
0x26: {  	[smem:$0x3F77] =	sst s1;
	(tag) =	ssettag s2;
	_ =	strace s9  }
0x27: {  	s1 =	sld [smem:$0x3F87]  }
0x28: {  	s2 =	sld [smem:$0x3F88]  }
0x29: {  	s4 =	sld [smem:$0x3F8A]  }
0x2a: {  	p0 =	seq.s32 s5, $0x0;
	s5 =	sld [smem:$0x3F8B]  }
0x2b: {  	s6 =	sld [smem:$0x3F8C]  }
0x2c: {  	s7 =	sld [smem:$0x3F8D]  }
0x2d: {  	s3 =	simm.s32 $0x108;
	s8 =	sld [smem:$0x3F8E]  }
0x2e: {  	s3 =	simm.s32 @!p0 $0x1082;
	s9 =	sld [smem:$0x3F8F]  }
0x2f: {  	lr =	sadd.s32 s0, s3;
	s0 =	sld [smem:$0x3F86]  }
0x30: {  	s3 =	sld [smem:$0x3F89]  }
0x31: {  	[smem:$0x3F92] =	sst s10  }
0x32: {  	s10 =	sld [smem:$0x3F90];
	_ =	sdelay $0x3  }
0x33: {  	p0 =	seq.s32 s10, $0x1;
	s10 =	sld [smem:$0x3F92];
	_ =	sdelay $0x3  }
0x34: {  	[smem:$0x3F92] =	sst s10  }
0x35: {  	s10 =	sld [smem:$0x3F91];
	_ =	sdelay $0x3  }
0x36: {  	p1 =	seq.s32 s10, $0x1;
	s10 =	sld [smem:$0x3F92];
	_ =	sdelay $0x3  }
0x37: {  	[smem:$0x3F92] =	sst s10  }
0x38: {  	s10 =	sld [smem:$0x3F93]  }
0x39: {  	_ = 	snop;
	(pc) =	sbr.ind lr, $3  }
0x3a: {  	_ = 	snop  }
0x3b: {  	_ = 	snop  }
0x3c: {  	p2 =	seq.s32 s10, $0x1;
	s10 =	sld [smem:$0x3F92]  }
0x3d: {  	_ =	shalt  }
0x3e: {  	_ =	shalt  }
0x3f: {  	_ =	shalt  }
0x40: {  	_ =	shalt  }
0x41: {  	_ =	shalt  }
0x42: {  	_ =	shalt  }
0x43: {  	_ =	shalt  }
0x44: {  	_ =	shalt  }
0x45: {  	_ =	shalt  }
0x46: {  	_ =	shalt  }
0x47: {  	_ =	shalt  }
0x48: {  	_ =	shalt  }
0x49: {  	_ =	shalt  }
0x4a: {  	_ =	shalt  }
0x4b: {  	_ =	shalt  }
0x4c: {  	_ =	shalt  }
0x4d: {  	_ =	shalt  }
0x4e: {  	_ =	shalt  }
0x4f: {  	_ =	shalt  }
0x50: {  	_ =	shalt  }
0x51: {  	_ =	shalt  }
0x52: {  	_ =	shalt  }
0x53: {  	_ =	shalt  }
0x54: {  	_ =	shalt  }
0x55: {  	_ =	shalt  }
0x56: {  	_ =	shalt  }
0x57: {  	_ =	shalt  }
0x58: {  	_ =	shalt  }
0x59: {  	_ =	shalt  }
0x5a: {  	_ =	shalt  }
0x5b: {  	_ =	shalt  }
0x5c: {  	_ =	shalt  }
0x5d: {  	_ =	shalt  }
0x5e: {  	_ =	shalt  }
0x5f: {  	_ =	shalt  }
0x60: {  	_ =	shalt  }
0x61: {  	_ =	shalt  }
0x62: {  	_ =	shalt  }
0x63: {  	_ =	shalt  }
0x64: {  	_ =	shalt  }
0x65: {  	_ =	shalt  }
0x66: {  	_ =	shalt  }
0x67: {  	_ =	shalt  }
0x68: {  	_ =	shalt  }
0x69: {  	_ =	shalt  }
0x6a: {  	_ =	shalt  }
0x6b: {  	_ =	shalt  }
0x6c: {  	_ =	shalt  }
0x6d: {  	_ =	shalt  }
0x6e: {  	_ =	shalt  }
0x6f: {  	_ =	shalt  }
0x70: {  	_ =	shalt  }
0x71: {  	_ =	shalt  }
0x72: {  	_ =	shalt  }
0x73: {  	_ =	shalt  }
0x74: {  	_ =	shalt  }
0x75: {  	_ =	shalt  }
0x76: {  	_ =	shalt  }
0x77: {  	_ =	shalt  }
0x78: {  	_ =	shalt  }
0x79: {  	_ =	shalt  }
0x7a: {  	_ =	shalt  }
0x7b: {  	_ =	shalt  }
0x7c: {  	_ =	shalt  }
0x7d: {  	_ =	shalt  }
0x7e: {  	_ =	shalt  }
0x7f: {  	_ =	shalt  }
0x80: {  	_ =	shalt  }
0x81: {  	_ =	shalt  }
0x82: {  	_ =	shalt  }
0x83: {  	_ =	shalt  }
0x84: {  	_ =	shalt  }
0x85: {  	_ =	shalt  }
0x86: {  	_ =	shalt  }
0x87: {  	_ =	shalt  }
.Lfunc_end0:
.L_simem_size_0:
called_computation.1_lowered:
.L_overlay_start_0:
0x88: {  	s2 =	sld [smem:$0x3FD9]  }
0x89: {  	s3 =	sld [smem:$0x3FFE];
	_ =	sdelay $0x1  }
0x8a: {  	s1 =	srdreg.scid  }
0x8b: {  	s0 =	sand.u32 $0x1, s1  }
0x8c: {  	s16 =	sshll.u32 s0, $0xA;
	s2 =	sadd.s32 s3, s2  }
0x8d: {  	s2 =	sadd.s32 s2, s16  }
0x8e: {  	[smem:$0x3F9E] =	sst s2  }
0x8f: {  	_ = 	snop  }
0x90: {  	(tm) =	ssettm $0x1  }
0x91: {  	s17 =	sld [smem:$0x3FFB];
	_ =	sdelay $0x3  }
0x92: {  	_ =	strace s17  }
0x93: {  	s2 =	sld [smem:$0x3FFC];
	_ =	sdelay $0x3  }
0x94: {  	_ =	strace s2  }
0x95: {  	s2 =	sld [smem:$0x3FFD];
	_ =	sdelay $0x3  }
0x96: {  	_ =	strace s2  }
0x97: {  	_ =	strace $0x8FFFFFFF  }
0x98: {  	s18 =	sld [smem:$0x3FDB];
	_ =	sdelay $0x1  }
0x99: {  	s19 =	simm.s32 $_scs_section_size  }
0x9a: {  	s4 =	simm.s32 $_size__tile_overlayer_lowered;
	s5 =	simm.s32 $_tile_overlayer_lowered  }
0x9b: {  	s22 =	simm.s32 $0x1BFF;
	s21 =	sshll.u32 s5, $0x1;
	s2 =	sadd.s32 s19, s18  }
0x9c: {  	s6 =	simm.s32 $0x0;
	s20 =	sshll.u32 s4, $0x1;
	s4 =	sadd.s32 s21, s2  }
0x9d: {  	[timem:s6], [sflag:s22] =	dma.local [hbm:s4], s20  }
0x9e: {  	_ =	swait.ge [sflag:s22], s20  }
0x9f: {  	s3 =	ssub.s32 $0x0, s20;
	[sflag:s22] =	ssyncset.done $0x0  }
0xa0: {  	[sflag:s22] =	ssyncadd.s32 s3;
	_ =	sdelay $0x1  }
0xa1: {  	s23 =	simm.s32 $0x1B8B  }
0xa2: {  	_ =	swait.ge [sflag:s23], $0x1  }
0xa3: {  	[sflag:s23] =	ssyncset.done $0x0  }
0xa4: {  	s25 =	simm.s32 $0x1B8E;
	s24 =	sld [smem:$0x3FFE];
	[sflag:s23] =	ssyncadd.s32 $0xFFFFFFFF  }
0xa5: {  	s26 =	simm.s32 $execute0_lowered;
	[smem:$0x3FD2] =	sst s25  }
0xa6: {  	s4 =	sshll.u32 s26, $0x1;
	_ =	strace $0x80000049;
	[dreg:$0x1] =	wrdreg $0xFFFFFFFF  }
0xa7: {  	s28 =	simm.s32 $_size_execute0_lowered;
	s2 =	sadd.s32 s2, s4;
	[dreg:$0x0] =	wrdreg $0x0  }
0xa8: {  	s4 =	sshll.u32 s28, $0x1;
	[dreg:$0x2] =	wrdreg s2  }
0xa9: {  	[dreg:$0x3] =	wrdreg s4  }
0xaa: {  	[dreg:$0x4] =	wrdreg $0xC0  }
0xab: {  	_ =	task [dreg:s6], $0x5FFFF  }
0xac: {  	[dreg:$0x1] =	wrdreg $0xFFFFFFFF  }
0xad: {  	[dreg:$0x0] =	wrdreg $0x60  }
0xae: {  	[dreg:$0x2] =	wrdreg s24  }
0xaf: {  	[dreg:$0x3] =	wrdreg $0x13C680  }
0xb0: {  	[dreg:$0x4] =	wrdreg $0x1D8A80  }
0xb1: {  	[dreg:$0x5] =	wrdreg $0x9  }
0xb2: {  	_ =	task.clear_ibuf [dreg:s6], $0x6FFFF;
	_ =	strace $0x90000049  }
0xb3: {  	s29 =	simm.s32 $0x9;
	_ =	strace $0x8000004B  }
0xb4: {  	_ =	swait.ge [sflag:s29], $0x1  }
0xb5: {  	[sflag:s29] =	ssyncadd.s32 $0xFFFFFFFF  }
0xb6: {  	_ =	strace $0x9000004B  }
0xb7: {  	_ =	sfence  }
0xb8: {  	s30 =	sld [smem:$0x0];
	_ =	sdelay $0x2  }
0xb9: {  	s31 =	sshll.u32 s1, $0xD;
	s1 =	sshrl.u32 s1, $0x2  }
0xba: {  	s3 =	sand.u32 $0x4000, s31;
	s1 =	sadd.s32 s1, s30  }
0xbb: {  	s0 =	sor.u32 s3, s0;
	s1 =	sshll.u32 s1, $0x11  }
0xbc: {  	s0 =	sor.u32 s1, s0  }
0xbd: {  	s0 =	sadd.s32 $0x8F2B, s0  }
0xbe: {  	[sflag:s0] =	ssyncadd.remote.s32 $0x1  }
0xbf: {  	_ =	sfence.sel $0xFFFF  }
0xc0: {  	[dreg:$0x0] =	wrdreg $0xFFFFFFFF;
	(pc) =	sbr.abs _section_cstart, $3  }
0xc1: {  	[dreg:$0x1] =	wrdreg $0xFFFFFFFF  }
0xc2: {  	_ =	task.clear_ibuf [dreg:s6], $0x2FFFF;
	_ =	strace $0x9FFFFFFF  }
0xc3: {  	(tm) =	ssettm $0x7FFFFFFF  }
tec
execute0_lowered:
.L_overlay_start_1:
0x0: {  	(tag) =	ssettag $0x1  }
0x1: {  	s5 =	rddreg [dreg:$0x0];
	s0 =	stileid.u32  }
0x2: {  	s1 =	srdreg.scid;
	s2 =	rddreg [dreg:$0x1]  }
0x3: {  	s3 =	rddreg [dreg:$0x2];
	s6 =	smul.u32 $0x27100, s0  }
0x4: {  	s4 =	simm.s32 $0x0;
	s17 =	simm.s32 $0xFDE8;
	s9 =	smul.u32 $0x4E20, s0  }
0x5: {  	s7 =	sand.u32 $0x1, s1;
	s1 =	rddreg [dreg:$0x3];
	s10 =	smul.u32 $0x271, s0  }
0x6: {  	s18 =	simm.s32 $0x0;
	[smem:$0x7FF] =	sst s4;
	s13 =	smul.u32 $0x9C40, s0  }
0x7: {  	s29 =	sshll.u32 s0, $0x6;
	s8 =	smul.u32 $0x2710, s7;
	_ =	strace $0x8000004A  }
0x8: {  	s26 =	ssub.s32 $0x2, s7;
	s31 =	smul.u32 $0x13880, s7;
	s11 =	sadd.s32 s6, s5  }
0x9: {  	s28 =	sshrl.u32 s26, $0x1;
	s6 =	sshrl.u32 s6, $0x2;
	s30 =	sshrl.u32 s13, $0x2  }
0xa: {  	s9 =	sadd.s32 s8, s9;
	s8 =	sadd.s32 s10, s8;
	s14 =	ssub.s32 s26, s28  }
0xb: {  	s15 =	sadd.s32 s6, s2;
	s6 =	sor.u32 $0x1C01, s29;
	s16 =	sadd.s32 s30, s3  }
0xc: {  	s11 =	sadd.s32 s31, s11;
	s9 =	sshrl.u32 s9, $0x3;
	s24 =	sshll.u32 s8, $0x3  }
0xd: {  	s8 =	sshll.u32 s8, $0x1;
	s10 =	smax.u32 s14, $0x1;
	s11 =	sadd.s32 $0x70600, s11  }
0xe: {  	s13 =	sshrl.u32 s15, $0x3;
	s15 =	sshrl.u32 s16, $0x3;
	s16 =	simm.s32 $0x3E8  }
0xf: {  	s12 =	sadd.s32 s9, s5;
	s9 =	sadd.s32 s24, s5;
	s25 =	sadd.s32 s8, s5  }
0x10: {  	v0 =	vimm.f32 $0.0e+00;
	vm0 =	vcmask $0x300;
	s14 =	simm.s32 $0x1;
	s7 =	sadd.s32 $0x7C3800, s25;
	s8 =	sadd.s32 $0x7CD600, s9  }
0x11: {  	v0 =	vsel vm0, $0x3F800000, v0;
	s5 =	sadd.s32 $0x35600, s9;
	s9 =	sadd.s32 $0x7F4800, s25;
	s12 =	sadd.s32 $0x66800, s12  }
.LBB2_1:
0x12: {  	[spmem:s13], [sflag:s6] =	dma.local [hbm:s5], $0x1388  }
0x13: {  	_ =	swait.ge [sflag:s14], $0x1388  }
0x14: {  	[sflag:s14] =	ssyncset.done $0x0  }
0x15: {  	[sflag:s14] =	ssyncadd.s32 $0xFFFFEC78  }
0x16: {  	[spmem:s15], [sflag:s6] =	dma.local [hbm:s7], $0x4E2  }
0x17: {  	_ =	swait.ge [sflag:s14], $0x4E2  }
0x18: {  	[sflag:s14] =	ssyncset.done $0x0  }
0x19: {  	s19 =	simm.s32 $0x40;
	s20 =	simm.s32 $0x0;
	[sflag:s14] =	ssyncadd.s32 $0xFFFFFB1E  }
.LBB2_2:
0x1a: {  	p0 =	sne.s32 s19, $0xF9C0;
	[tilespmem:s20+$0xFDE8] =	vst v0;
	s20 =	smov.u32 s19;
	s19 =	sadd.s32 $0x40, s19  }
.Ltmp0:
0x1b: {  	(pc) =	sbr.rel @p0 .LBB2_2-.Ltmp0, $2  }
0x1c: {  	_ =	sdelay $0x2  }
0x1d: {  	s20 =	sshra.s32 s20, $0x2  }
0x1e: {  	[tilespmem:s20+$0xFDE8] =	vst v0  }
0x1f: {  	s19 =	sadd.s32 $0x0, s12;
	[bflag:$0x0] =	sbarrier.arrive $0xFFFF  }
0x20: {  	[tilespmem:s4], [sflag:$0x1] =	stream.linear.gather [hbm4b:s19+s4], $0x3E8, $0x38;
	v63 =	vld [tilespmem:$0x0]  }
0x21: {  	_ =	swait.ge [sflag:s14], $0x3E8  }
0x22: {  	[sflag:s14] =	ssyncset.done $0x0  }
0x23: {  	[sflag:s14] =	ssyncadd.s32 $0xFFFFFC18  }
0x24: {  	[tilespmem:s16], [sflag:$0x1] =	stream.linear.gather [hbm4b:s11+s4], $0xFA00, $0x38;
	v63 =	vld [tilespmem:$0x0]  }
0x25: {  	_ =	swait.ge [sflag:s14], $0xFA00  }
0x26: {  	[sflag:s14] =	ssyncset.done $0x0  }
0x27: {  	[sflag:s14] =	ssyncadd.s32 $0xFFFF0600  }
0x28: {  	[spmem:s2] =	stream.indirect.scatter.add.f32 [tilespmem:s16], [sflag:$0x1], $0x40, s4, s16, $0xb8;
	v63 =	vld [tilespmem:$0x0]  }
0x29: {  	_ =	swait.ge [sflag:s14], $0xFA00  }
0x2a: {  	[sflag:s14] =	ssyncset.done $0x0  }
0x2b: {  	[sflag:s14] =	ssyncadd.s32 $0xFFFF0600  }
0x2c: {  	[spmem:s3] =	stream.indirect.scatter.add.f32 [tilespmem:s17], [sflag:$0x1], $0x10, s4, s16, $0xb8;
	v63 =	vld [tilespmem:$0x0]  }
0x2d: {  	s20 =	simm.s32 $0x7D;
	_ =	swait.ge [sflag:s14], $0x3E80  }
0x2e: {  	s21 =	simm.s32 $0xFA;
	s19 =	sadd.s32 $0x1F40, s11;
	[sflag:s14] =	ssyncset.done $0x0  }
.LBB2_4:
0x2f: {  	s22 =	sadd.s32 s20, s12  }
0x30: {  	[sflag:s14] =	ssyncadd.s32 $0xFFFFC180;
	s20 =	smov.u32 s21;
	s23 =	sadd.s32 $0x7D, s21  }
0x31: {  	[tilespmem:s4], [sflag:$0x1] =	stream.linear.gather [hbm4b:s22+s4], $0x3E8, $0x38;
	v63 =	vld [tilespmem:$0x0]  }
0x32: {  	p0 =	sne.s32 s21, $0x465;
	_ =	swait.ge [sflag:s14], $0x3E8  }
0x33: {  	[sflag:s14] =	ssyncset.done $0x0  }
0x34: {  	[sflag:s14] =	ssyncadd.s32 $0xFFFFFC18  }
0x35: {  	[tilespmem:s16], [sflag:$0x1] =	stream.linear.gather [hbm4b:s19+s4], $0xFA00, $0x38;
	v63 =	vld [tilespmem:$0x0]  }
0x36: {  	_ =	swait.ge [sflag:s14], $0xFA00  }
0x37: {  	[sflag:s14] =	ssyncset.done $0x0  }
0x38: {  	[sflag:s14] =	ssyncadd.s32 $0xFFFF0600  }
0x39: {  	[spmem:s2] =	stream.indirect.scatter.add.f32 [tilespmem:s16], [sflag:$0x1], $0x40, s4, s16, $0xb8;
	v63 =	vld [tilespmem:$0x0]  }
0x3a: {  	_ =	swait.ge [sflag:s14], $0xFA00  }
.Ltmp1:
0x3b: {  	[sflag:s14] =	ssyncset.done $0x0;
	(pc) =	sbr.rel @p0 .LBB2_4-.Ltmp1, $4  }
0x3c: {  	[sflag:s14] =	ssyncadd.s32 $0xFFFF0600  }
0x3d: {  	[spmem:s3] =	stream.indirect.scatter.add.f32 [tilespmem:s17], [sflag:$0x1], $0x10, s4, s16, $0xb8;
	v63 =	vld [tilespmem:$0x0]  }
0x3e: {  	_ =	swait.ge [sflag:s14], $0x3E80  }
0x3f: {  	s21 =	smov.u32 s23;
	s19 =	sadd.s32 $0x1F40, s19;
	[sflag:s14] =	ssyncset.done $0x0  }
0x40: {  	s20 =	sadd.s32 s20, s12;
	[sflag:s14] =	ssyncadd.s32 $0xFFFFC180  }
0x41: {  	[tilespmem:s4], [sflag:$0x1] =	stream.linear.gather [hbm4b:s20+s4], $0x3E8, $0x38;
	v63 =	vld [tilespmem:$0x0]  }
0x42: {  	_ =	swait.ge [sflag:s14], $0x3E8  }
0x43: {  	[sflag:s14] =	ssyncset.done $0x0  }
0x44: {  	[sflag:s14] =	ssyncadd.s32 $0xFFFFFC18  }
0x45: {  	[tilespmem:s16], [sflag:$0x1] =	stream.linear.gather [hbm4b:s19+s4], $0xFA00, $0x38;
	v63 =	vld [tilespmem:$0x0]  }
0x46: {  	_ =	swait.ge [sflag:s14], $0xFA00  }
0x47: {  	[sflag:s14] =	ssyncset.done $0x0  }
0x48: {  	[sflag:s14] =	ssyncadd.s32 $0xFFFF0600  }
0x49: {  	[spmem:s2] =	stream.indirect.scatter.add.f32 [tilespmem:s16], [sflag:$0x1], $0x40, s4, s16, $0xb8;
	v63 =	vld [tilespmem:$0x0]  }
0x4a: {  	_ =	swait.ge [sflag:s14], $0xFA00  }
0x4b: {  	[sflag:s14] =	ssyncset.done $0x0  }
0x4c: {  	[sflag:s14] =	ssyncadd.s32 $0xFFFF0600  }
0x4d: {  	[spmem:s3] =	stream.indirect.scatter.add.f32 [tilespmem:s17], [sflag:$0x1], $0x10, s4, s16, $0xb8;
	v63 =	vld [tilespmem:$0x0]  }
0x4e: {  	_ =	swait.ge [sflag:s14], $0x3E80  }
0x4f: {  	[sflag:s14] =	ssyncset.done $0x0  }
0x50: {  	[sflag:s14] =	ssyncadd.s32 $0xFFFFC180  }
0x51: {  	[bflag:$0x0] =	sbarrier.arrive $0xFFFF  }
0x52: {  	[hbm:s8], [sflag:s6] =	dma.local [spmem:s13], $0x1388  }
0x53: {  	s18 =	sadd.s32 $0x1, s18;
	_ =	swait.ge [sflag:s14], $0x1388  }
0x54: {  	p0 =	sne.s32 s18, s10;
	[sflag:s14] =	ssyncset.done $0x0  }
.Ltmp2:
0x55: {  	[sflag:s14] =	ssyncadd.s32 $0xFFFFEC78;
	(pc) =	sbr.rel @p0 .LBB2_1-.Ltmp2, $4  }
0x56: {  	[hbm:s9], [sflag:s6] =	dma.local [spmem:s15], $0x4E2  }
0x57: {  	_ =	swait.ge [sflag:s14], $0x4E2  }
0x58: {  	[sflag:s14] =	ssyncset.done $0x0  }
0x59: {  	[sflag:s14] =	ssyncadd.s32 $0xFFFFFB1E  }
0x5a: {  	_ =	sfence.sel $0x180000  }
0x5b: {  	[bflag:$0x0] =	sbarrier.arrive $0xFFFF  }
0x5c: {  	p0 =	sne.s32 s0, $0x0;
	_ =	strace $0x9000004A  }
0x5d: {  	s0 =	sadd.s32 @!p0 $0x100000, s1;
	[bflag:$0x2] =	sbarrier.arrive $0xFFFF  }
0x5e: {  	[sflag:s0] =	ssyncadd.tile.s32 @!p0 $0x1;
	_ =	shalt  }
.Lfunc_end2:
_tile_overlayer_lowered:
.L_overlay_start_2:
0x5f: {  	(tag) =	ssettag $0x2  }
0x60: {  	s0 =	rddreg [dreg:$0x0];
	s2 =	stileid.u32  }
0x61: {  	s1 =	rddreg [dreg:$0x1];
	p0 =	sne.s32 s2, $0x0  }
0x62: {  	s3 =	rddreg [dreg:$0x2];
	[bflag:$0x3] =	sbarrier.arrive $0xFFFF;
	s2 =	simm.s32 @!p0 $0x1C01  }
0x63: {  	[timem:s3], [sflag:s2] =	dma.local @!p0 [hbm:s0], s1  }
0x64: {  	s0 =	simm.s32 @!p0 $0x1  }
0x65: {  	_ =	swait.ge @!p0 [sflag:s0], s1  }
0x66: {  	s1 =	ssub.s32 @!p0 $0x0, s1;
	[sflag:s0] =	ssyncset.done @!p0 $0x0  }
0x67: {  	[sflag:s0] =	ssyncadd.s32 @!p0 s1  }
0x68: {  	[bflag:$0x3] =	sbarrier.arrive $0xFFFF  }
0x69: {  	_ =	shalt  }

// kernel: kernel.20.cloned.1.call-start
scs
__scs_entry_jumppad:
0x0: {  	(pc) =	sbr.rel $0x88, $3  }
0x1: {  	(tag) =	ssettag $0x0;
	lr =	simm.s32 $0x1  }
0x2: {  	[smem:$0x3F77] =	sst lr;
	_ =	strace $0xD0000000  }
0x3: {  	_ = 	snop  }
0x4: {  	_ = 	snop  }
0x5: {  	_ = 	snop  }
0x6: {  	_ = 	snop  }
0x7: {  	_ = 	snop  }
__scs_overlays_trampoline_lowered:
0x8: {  	[smem:$0x3F86] =	sst s0  }
0x9: {  	[smem:$0x3F87] =	sst s1  }
0xa: {  	[smem:$0x3F88] =	sst s2  }
0xb: {  	[smem:$0x3F89] =	sst s3  }
0xc: {  	[smem:$0x3F8A] =	sst s4  }
0xd: {  	[smem:$0x3F8B] =	sst s5  }
0xe: {  	[smem:$0x3F8C] =	sst s6  }
0xf: {  	[smem:$0x3F8D] =	sst s7  }
0x10: {  	[smem:$0x3F8E] =	sst s8  }
0x11: {  	[smem:$0x3F8F] =	sst s9;
	s0 =	simm.s32 @!p0 $0x0  }
0x12: {  	s1 =	sld [smem:$0x3F75];
	s0 =	simm.s32 @p0 $0x1  }
0x13: {  	[smem:$0x3F90] =	sst s0;
	s0 =	simm.s32 @!p1 $0x0  }
0x14: {  	s2 =	sld [smem:$0x3F74];
	s0 =	simm.s32 @p1 $0x1  }
0x15: {  	[smem:$0x3F91] =	sst s0;
	s0 =	simm.s32 @!p2 $0x0  }
0x16: {  	s3 =	sld [smem:$0x3FDB];
	s0 =	simm.s32 @p2 $0x1  }
0x17: {  	s4 =	simm.s32 $0x1BF5;
	[smem:$0x3F93] =	sst s0  }
0x18: {  	s0 =	sld [smem:$0x3F76];
	_ =	swait.ge [sflag:s4], $0x0  }
0x19: {  	s7 =	sld [smem:$0x3F77]  }
0x1a: {  	s8 =	sadd.s32 $0xFFFFE003, lr  }
0x1b: {  	s9 =	sadd.s32 $0xFFFFFEF7, lr;
	s5 =	simm.s32 $0xFFFFFFFF;
	p2 =	slt.u32 s8, $0xFFFFF086  }
0x1c: {  	p1 =	slt.u32 s9, $0xF7A;
	s5 =	simm.s32 @!p2 $0x0  }
0x1d: {  	s5 =	simm.s32 @p1 $0x1;
	p0 =	seq.s32 s7, s2  }
0x1e: {  	s7 =	smul.u32 @!p0 $0xF7A, s2;
	p2 =	seq.s32 @!p0 s5, $0x0  }
0x1f: {  	s9 =	smul.u32 $0xF7A, s1;
	s8 =	simm.s32 @!p0 $0x1BF5;
	p2 =	por !p2, p0  }
0x20: {  	[sflag:s8] =	ssyncset.s32 @!p0 $0xFFFFF086;
	s6 =	sadd.s32 @!p0 s3, s7;
	s7 =	simm.s32 @!p0 $0x108  }
0x21: {  	s3 =	sadd.s32 s3, s9;
	s6 =	sadd.s32 @!p0 $0x88, s6;
	s7 =	simm.s32 @p2 $0x1082  }
0x22: {  	[simem:s7], [sflag:s8] =	dma.local @!p0 [hbm:s6], $0xF7A  }
0x23: {  	s9 =	sor.u32 $0xD0000000, s2;
	s6 =	simm.s32 $0x108;
	_ =	swait.ge @!p0 [sflag:s8], $0x0  }
0x24: {  	s3 =	sadd.s32 $0x88, s3;
	s6 =	simm.s32 @!p1 $0x1082;
	[sflag:s4] =	ssyncset.s32 $0xFFFFF086  }
0x25: {  	[simem:s6], [sflag:s4] =	dma.local [hbm:s3], $0xF7A  }
0x26: {  	[smem:$0x3F77] =	sst s1;
	(tag) =	ssettag s2;
	_ =	strace s9  }
0x27: {  	s1 =	sld [smem:$0x3F87]  }
0x28: {  	s2 =	sld [smem:$0x3F88]  }
0x29: {  	s4 =	sld [smem:$0x3F8A]  }
0x2a: {  	p0 =	seq.s32 s5, $0x0;
	s5 =	sld [smem:$0x3F8B]  }
0x2b: {  	s6 =	sld [smem:$0x3F8C]  }
0x2c: {  	s7 =	sld [smem:$0x3F8D]  }
0x2d: {  	s3 =	simm.s32 $0x108;
	s8 =	sld [smem:$0x3F8E]  }
0x2e: {  	s3 =	simm.s32 @!p0 $0x1082;
	s9 =	sld [smem:$0x3F8F]  }
0x2f: {  	lr =	sadd.s32 s0, s3;
	s0 =	sld [smem:$0x3F86]  }
0x30: {  	s3 =	sld [smem:$0x3F89]  }
0x31: {  	[smem:$0x3F92] =	sst s10  }
0x32: {  	s10 =	sld [smem:$0x3F90];
	_ =	sdelay $0x3  }
0x33: {  	p0 =	seq.s32 s10, $0x1;
	s10 =	sld [smem:$0x3F92];
	_ =	sdelay $0x3  }
0x34: {  	[smem:$0x3F92] =	sst s10  }
0x35: {  	s10 =	sld [smem:$0x3F91];
	_ =	sdelay $0x3  }
0x36: {  	p1 =	seq.s32 s10, $0x1;
	s10 =	sld [smem:$0x3F92];
	_ =	sdelay $0x3  }
0x37: {  	[smem:$0x3F92] =	sst s10  }
0x38: {  	s10 =	sld [smem:$0x3F93]  }
0x39: {  	_ = 	snop;
	(pc) =	sbr.ind lr, $3  }
0x3a: {  	_ = 	snop  }
0x3b: {  	_ = 	snop  }
0x3c: {  	p2 =	seq.s32 s10, $0x1;
	s10 =	sld [smem:$0x3F92]  }
0x3d: {  	_ =	shalt  }
0x3e: {  	_ =	shalt  }
0x3f: {  	_ =	shalt  }
0x40: {  	_ =	shalt  }
0x41: {  	_ =	shalt  }
0x42: {  	_ =	shalt  }
0x43: {  	_ =	shalt  }
0x44: {  	_ =	shalt  }
0x45: {  	_ =	shalt  }
0x46: {  	_ =	shalt  }
0x47: {  	_ =	shalt  }
0x48: {  	_ =	shalt  }
0x49: {  	_ =	shalt  }
0x4a: {  	_ =	shalt  }
0x4b: {  	_ =	shalt  }
0x4c: {  	_ =	shalt  }
0x4d: {  	_ =	shalt  }
0x4e: {  	_ =	shalt  }
0x4f: {  	_ =	shalt  }
0x50: {  	_ =	shalt  }
0x51: {  	_ =	shalt  }
0x52: {  	_ =	shalt  }
0x53: {  	_ =	shalt  }
0x54: {  	_ =	shalt  }
0x55: {  	_ =	shalt  }
0x56: {  	_ =	shalt  }
0x57: {  	_ =	shalt  }
0x58: {  	_ =	shalt  }
0x59: {  	_ =	shalt  }
0x5a: {  	_ =	shalt  }
0x5b: {  	_ =	shalt  }
0x5c: {  	_ =	shalt  }
0x5d: {  	_ =	shalt  }
0x5e: {  	_ =	shalt  }
0x5f: {  	_ =	shalt  }
0x60: {  	_ =	shalt  }
0x61: {  	_ =	shalt  }
0x62: {  	_ =	shalt  }
0x63: {  	_ =	shalt  }
0x64: {  	_ =	shalt  }
0x65: {  	_ =	shalt  }
0x66: {  	_ =	shalt  }
0x67: {  	_ =	shalt  }
0x68: {  	_ =	shalt  }
0x69: {  	_ =	shalt  }
0x6a: {  	_ =	shalt  }
0x6b: {  	_ =	shalt  }
0x6c: {  	_ =	shalt  }
0x6d: {  	_ =	shalt  }
0x6e: {  	_ =	shalt  }
0x6f: {  	_ =	shalt  }
0x70: {  	_ =	shalt  }
0x71: {  	_ =	shalt  }
0x72: {  	_ =	shalt  }
0x73: {  	_ =	shalt  }
0x74: {  	_ =	shalt  }
0x75: {  	_ =	shalt  }
0x76: {  	_ =	shalt  }
0x77: {  	_ =	shalt  }
0x78: {  	_ =	shalt  }
0x79: {  	_ =	shalt  }
0x7a: {  	_ =	shalt  }
0x7b: {  	_ =	shalt  }
0x7c: {  	_ =	shalt  }
0x7d: {  	_ =	shalt  }
0x7e: {  	_ =	shalt  }
0x7f: {  	_ =	shalt  }
0x80: {  	_ =	shalt  }
0x81: {  	_ =	shalt  }
0x82: {  	_ =	shalt  }
0x83: {  	_ =	shalt  }
0x84: {  	_ =	shalt  }
0x85: {  	_ =	shalt  }
0x86: {  	_ =	shalt  }
0x87: {  	_ =	shalt  }
.Lfunc_end0:
.L_simem_size_0:
called_computation.2_lowered:
.L_overlay_start_0:
0x88: {  	s2 =	sld [smem:$0x3FD9]  }
0x89: {  	s3 =	sld [smem:$0x3FFE];
	_ =	sdelay $0x1  }
0x8a: {  	s1 =	srdreg.scid  }
0x8b: {  	s0 =	sand.u32 $0x1, s1  }
0x8c: {  	s16 =	sshll.u32 s0, $0xA;
	s2 =	sadd.s32 s3, s2  }
0x8d: {  	s2 =	sadd.s32 s2, s16  }
0x8e: {  	[smem:$0x3F9E] =	sst s2  }
0x8f: {  	_ = 	snop  }
0x90: {  	(tm) =	ssettm $0x1  }
0x91: {  	s17 =	sld [smem:$0x3FFB];
	_ =	sdelay $0x3  }
0x92: {  	_ =	strace s17  }
0x93: {  	s2 =	sld [smem:$0x3FFC];
	_ =	sdelay $0x3  }
0x94: {  	_ =	strace s2  }
0x95: {  	s2 =	sld [smem:$0x3FFD];
	_ =	sdelay $0x3  }
0x96: {  	_ =	strace s2  }
0x97: {  	_ =	strace $0x8FFFFFFF  }
0x98: {  	s18 =	sld [smem:$0x3FDB];
	_ =	sdelay $0x1  }
0x99: {  	s19 =	simm.s32 $_scs_section_size  }
0x9a: {  	s4 =	simm.s32 $_size__tile_overlayer_lowered;
	s5 =	simm.s32 $_tile_overlayer_lowered  }
0x9b: {  	s22 =	simm.s32 $0x1BFF;
	s21 =	sshll.u32 s5, $0x1;
	s2 =	sadd.s32 s19, s18  }
0x9c: {  	s6 =	simm.s32 $0x0;
	s20 =	sshll.u32 s4, $0x1;
	s4 =	sadd.s32 s21, s2  }
0x9d: {  	[timem:s6], [sflag:s22] =	dma.local [hbm:s4], s20  }
0x9e: {  	_ =	swait.ge [sflag:s22], s20  }
0x9f: {  	s3 =	ssub.s32 $0x0, s20;
	[sflag:s22] =	ssyncset.done $0x0  }
0xa0: {  	[sflag:s22] =	ssyncadd.s32 s3;
	_ =	sdelay $0x1  }
0xa1: {  	s23 =	simm.s32 $0x1B8B  }
0xa2: {  	_ =	swait.ge [sflag:s23], $0x1  }
0xa3: {  	[sflag:s23] =	ssyncset.done $0x0  }
0xa4: {  	s25 =	simm.s32 $0x1B8E;
	s24 =	sld [smem:$0x3FFE];
	[sflag:s23] =	ssyncadd.s32 $0xFFFFFFFF  }
0xa5: {  	s26 =	simm.s32 $execute0_lowered;
	[smem:$0x3FD2] =	sst s25  }
0xa6: {  	s4 =	sshll.u32 s26, $0x1;
	_ =	strace $0x8000004C;
	[dreg:$0x1] =	wrdreg $0xFFFFFFFF  }
0xa7: {  	s28 =	simm.s32 $_size_execute0_lowered;
	s2 =	sadd.s32 s2, s4;
	[dreg:$0x0] =	wrdreg $0x0  }
0xa8: {  	s4 =	sshll.u32 s28, $0x1;
	[dreg:$0x2] =	wrdreg s2  }
0xa9: {  	[dreg:$0x3] =	wrdreg s4  }
0xaa: {  	[dreg:$0x4] =	wrdreg $0xC0  }
0xab: {  	_ =	task [dreg:s6], $0x5FFFF  }
0xac: {  	[dreg:$0x1] =	wrdreg $0xFFFFFFFF  }
0xad: {  	[dreg:$0x0] =	wrdreg $0x60  }
0xae: {  	[dreg:$0x2] =	wrdreg s24  }
0xaf: {  	[dreg:$0x3] =	wrdreg $0x9  }
0xb0: {  	_ =	task.clear_ibuf [dreg:s6], $0x4FFFF;
	_ =	strace $0x9000004C  }
0xb1: {  	s29 =	simm.s32 $0x9;
	_ =	strace $0x8000004E  }
0xb2: {  	_ =	swait.ge [sflag:s29], $0x1  }
0xb3: {  	[sflag:s29] =	ssyncadd.s32 $0xFFFFFFFF  }
0xb4: {  	_ =	strace $0x9000004E  }
0xb5: {  	_ =	sfence  }
0xb6: {  	s30 =	sld [smem:$0x0];
	_ =	sdelay $0x2  }
0xb7: {  	s31 =	sshll.u32 s1, $0xD;
	s1 =	sshrl.u32 s1, $0x2  }
0xb8: {  	s3 =	sand.u32 $0x4000, s31;
	s1 =	sadd.s32 s1, s30  }
0xb9: {  	s0 =	sor.u32 s3, s0;
	s1 =	sshll.u32 s1, $0x11  }
0xba: {  	s0 =	sor.u32 s1, s0  }
0xbb: {  	s0 =	sadd.s32 $0x8F2B, s0  }
0xbc: {  	[sflag:s0] =	ssyncadd.remote.s32 $0x1  }
0xbd: {  	_ =	sfence.sel $0xFFFF  }
0xbe: {  	[dreg:$0x0] =	wrdreg $0xFFFFFFFF;
	(pc) =	sbr.abs _section_cstart, $3  }
0xbf: {  	[dreg:$0x1] =	wrdreg $0xFFFFFFFF  }
0xc0: {  	_ =	task.clear_ibuf [dreg:s6], $0x2FFFF;
	_ =	strace $0x9FFFFFFF  }
0xc1: {  	(tm) =	ssettm $0x7FFFFFFF  }
tec
execute0_lowered:
.L_overlay_start_1:
0x0: {  	(tag) =	ssettag $0x1  }
0x1: {  	s5 =	rddreg [dreg:$0x0]  }
0x2: {  	s0 =	rddreg [dreg:$0x1]  }
0x3: {  	s2 =	simm.s32 $0x0;
	s3 =	srdreg.scid;
	s1 =	stileid.u32  }
0x4: {  	s11 =	simm.s32 $0x7D0;
	s12 =	simm.s32 $0x1;
	s13 =	simm.s32 $0x2  }
0x5: {  	s14 =	simm.s32 $0x0;
	[smem:$0x7FF] =	sst s2;
	s7 =	smul.u32 $0x4E20, s1  }
0x6: {  	s6 =	sand.u32 $0x1, s3;
	s3 =	sadd.s32 $0x133E00, s5;
	s9 =	smul.u32 $0x27100, s1  }
0x7: {  	s4 =	sadd.s32 $0xBE800, s5;
	s8 =	smul.u32 $0x2710, s6;
	s10 =	ssub.s32 $0x2, s6  }
0x8: {  	_ =	strace $0x8000004D;
	s6 =	smul.u32 $0x13880, s6;
	s30 =	sshrl.u32 s10, $0x1  }
0x9: {  	s9 =	sadd.s32 s9, s5;
	s7 =	sadd.s32 s8, s7;
	s8 =	ssub.s32 s10, s30  }
0xa: {  	s6 =	sadd.s32 s6, s9;
	s9 =	simm.s32 $0x3;
	s7 =	sshrl.u32 s7, $0x3  }
0xb: {  	s10 =	simm.s32 $0x3E8;
	s6 =	sadd.s32 $0x7CD600, s6;
	s31 =	sadd.s32 s7, s5  }
0xc: {  	s5 =	smax.u32 s8, $0x1;
	s7 =	sadd.s32 $0x66800, s31;
	s8 =	sadd.s32 $0x5CA00, s31  }
.LBB2_1:
0xd: {  	s15 =	sadd.s32 $0x0, s8  }
0xe: {  	[tilespmem:s2], [sflag:$0x3] =	stream.linear.gather [hbm4b:s15+s2], $0x3E8, $0x38;
	[tilespmem:$0x101D0] =	vst v63  }
0xf: {  	_ =	swait.ge [sflag:s9], $0x3E8  }
0x10: {  	[sflag:s9] =	ssyncset.done $0x0  }
0x11: {  	s31 =	sadd.s32 $0x0, s7;
	[sflag:s9] =	ssyncadd.s32 $0xFFFFFC18  }
0x12: {  	[tilespmem:s10], [sflag:$0x3] =	stream.linear.gather [hbm4b:s31+s2], $0x3E8, $0x38;
	[tilespmem:$0x101D0] =	vst v63  }
0x13: {  	_ =	swait.ge [sflag:s9], $0x3E8  }
0x14: {  	[sflag:s9] =	ssyncset.done $0x0  }
0x15: {  	[sflag:s9] =	ssyncadd.s32 $0xFFFFFC18  }
0x16: {  	[tilespmem:s11], [sflag:$0x1] =	stream.indirect.gather [hbm4b:s3+s10], $0x40, s2, s10, $0xb8;
	[tilespmem:$0x101D0] =	vst v63  }
0x17: {  	_ =	swait.ge [sflag:s12], $0xFA00  }
0x18: {  	[sflag:s12] =	ssyncset.done $0x0  }
0x19: {  	[sflag:s12] =	ssyncadd.s32 $0xFFFF0600  }
0x1a: {  	[tilespmem:s11], [sflag:$0x2] =	stream.indirect.gather.add.f32 [hbm:s4], $0x40, s10, s10, $0xb8;
	[tilespmem:$0x101D0] =	vst v63  }
0x1b: {  	_ =	swait.ge [sflag:s13], $0xFA00  }
0x1c: {  	[sflag:s13] =	ssyncset.done $0x0  }
0x1d: {  	[sflag:s13] =	ssyncadd.s32 $0xFFFF0600  }
0x1e: {  	[hbm4b:s6+s2] =	stream.linear.scatter [tilespmem:s11], [sflag:$0x3], $0xFA00, $0x38;
	[tilespmem:$0x101D0] =	vst v63  }
0x1f: {  	s16 =	simm.s32 $0x7D;
	_ =	swait.ge [sflag:s9], $0xFA00  }
0x20: {  	s17 =	simm.s32 $0xFA;
	s15 =	sadd.s32 $0x1F40, s6;
	[sflag:s9] =	ssyncset.done $0x0  }
.LBB2_2:
0x21: {  	s18 =	sadd.s32 s16, s8  }
0x22: {  	[sflag:s9] =	ssyncadd.s32 $0xFFFF0600;
	s19 =	smov.u32 s17;
	s20 =	sadd.s32 $0x7D, s17  }
0x23: {  	[tilespmem:s2], [sflag:$0x3] =	stream.linear.gather [hbm4b:s18+s2], $0x3E8, $0x38;
	[tilespmem:$0x101D0] =	vst v63  }
0x24: {  	p0 =	sne.s32 s17, $0x465;
	_ =	swait.ge [sflag:s9], $0x3E8  }
0x25: {  	[sflag:s9] =	ssyncset.done $0x0  }
0x26: {  	s17 =	sadd.s32 s16, s7;
	s16 =	smov.u32 s19;
	[sflag:s9] =	ssyncadd.s32 $0xFFFFFC18  }
0x27: {  	[tilespmem:s10], [sflag:$0x3] =	stream.linear.gather [hbm4b:s17+s2], $0x3E8, $0x38;
	[tilespmem:$0x101D0] =	vst v63  }
0x28: {  	_ =	swait.ge [sflag:s9], $0x3E8  }
0x29: {  	[sflag:s9] =	ssyncset.done $0x0  }
0x2a: {  	[sflag:s9] =	ssyncadd.s32 $0xFFFFFC18  }
0x2b: {  	[tilespmem:s11], [sflag:$0x1] =	stream.indirect.gather [hbm4b:s3+s10], $0x40, s2, s10, $0xb8;
	[tilespmem:$0x101D0] =	vst v63  }
0x2c: {  	_ =	swait.ge [sflag:s12], $0xFA00  }
0x2d: {  	[sflag:s12] =	ssyncset.done $0x0  }
0x2e: {  	[sflag:s12] =	ssyncadd.s32 $0xFFFF0600  }
0x2f: {  	[tilespmem:s11], [sflag:$0x2] =	stream.indirect.gather.add.f32 [hbm:s4], $0x40, s10, s10, $0xb8;
	[tilespmem:$0x101D0] =	vst v63  }
0x30: {  	_ =	swait.ge [sflag:s13], $0xFA00  }
.Ltmp0:
0x31: {  	[sflag:s13] =	ssyncset.done $0x0;
	(pc) =	sbr.rel @p0 .LBB2_2-.Ltmp0, $4  }
0x32: {  	[sflag:s13] =	ssyncadd.s32 $0xFFFF0600  }
0x33: {  	[hbm4b:s15+s2] =	stream.linear.scatter [tilespmem:s11], [sflag:$0x3], $0xFA00, $0x38;
	[tilespmem:$0x101D0] =	vst v63  }
0x34: {  	_ =	swait.ge [sflag:s9], $0xFA00  }
0x35: {  	s17 =	smov.u32 s20;
	s15 =	sadd.s32 $0x1F40, s15;
	[sflag:s9] =	ssyncset.done $0x0  }
0x36: {  	s17 =	sadd.s32 s16, s8;
	[sflag:s9] =	ssyncadd.s32 $0xFFFF0600  }
0x37: {  	[tilespmem:s2], [sflag:$0x3] =	stream.linear.gather [hbm4b:s17+s2], $0x3E8, $0x38;
	[tilespmem:$0x101D0] =	vst v63  }
0x38: {  	_ =	swait.ge [sflag:s9], $0x3E8  }
0x39: {  	[sflag:s9] =	ssyncset.done $0x0  }
0x3a: {  	s31 =	sadd.s32 s16, s7;
	[sflag:s9] =	ssyncadd.s32 $0xFFFFFC18  }
0x3b: {  	[tilespmem:s10], [sflag:$0x3] =	stream.linear.gather [hbm4b:s31+s2], $0x3E8, $0x38;
	[tilespmem:$0x101D0] =	vst v63  }
0x3c: {  	_ =	swait.ge [sflag:s9], $0x3E8  }
0x3d: {  	[sflag:s9] =	ssyncset.done $0x0  }
0x3e: {  	[sflag:s9] =	ssyncadd.s32 $0xFFFFFC18  }
0x3f: {  	[tilespmem:s11], [sflag:$0x1] =	stream.indirect.gather [hbm4b:s3+s10], $0x40, s2, s10, $0xb8;
	[tilespmem:$0x101D0] =	vst v63  }
0x40: {  	_ =	swait.ge [sflag:s12], $0xFA00  }
0x41: {  	[sflag:s12] =	ssyncset.done $0x0  }
0x42: {  	[sflag:s12] =	ssyncadd.s32 $0xFFFF0600  }
0x43: {  	[tilespmem:s11], [sflag:$0x2] =	stream.indirect.gather.add.f32 [hbm:s4], $0x40, s10, s10, $0xb8;
	[tilespmem:$0x101D0] =	vst v63  }
0x44: {  	s14 =	sadd.s32 $0x1, s14;
	_ =	swait.ge [sflag:s13], $0xFA00  }
0x45: {  	p0 =	sne.s32 s14, s5;
	[sflag:s13] =	ssyncset.done $0x0  }
.Ltmp1:
0x46: {  	[sflag:s13] =	ssyncadd.s32 $0xFFFF0600;
	(pc) =	sbr.rel @p0 .LBB2_1-.Ltmp1, $4  }
0x47: {  	[hbm4b:s15+s2] =	stream.linear.scatter [tilespmem:s11], [sflag:$0x3], $0xFA00, $0x38;
	[tilespmem:$0x101D0] =	vst v63  }
0x48: {  	_ =	swait.ge [sflag:s9], $0xFA00  }
0x49: {  	[sflag:s9] =	ssyncset.done $0x0  }
0x4a: {  	[sflag:s9] =	ssyncadd.s32 $0xFFFF0600  }
0x4b: {  	_ =	sfence.sel $0x180000  }
0x4c: {  	[bflag:$0x0] =	sbarrier.arrive $0xFFFF  }
0x4d: {  	p0 =	sne.s32 s1, $0x0;
	_ =	strace $0x9000004D  }
0x4e: {  	s0 =	sadd.s32 @!p0 $0x100000, s0;
	[bflag:$0x2] =	sbarrier.arrive $0xFFFF  }
0x4f: {  	[sflag:s0] =	ssyncadd.tile.s32 @!p0 $0x1;
	_ =	shalt  }
.Lfunc_end2:
_tile_overlayer_lowered:
.L_overlay_start_2:
0x50: {  	(tag) =	ssettag $0x2  }
0x51: {  	s0 =	rddreg [dreg:$0x0];
	s2 =	stileid.u32  }
0x52: {  	s1 =	rddreg [dreg:$0x1];
	p0 =	sne.s32 s2, $0x0  }
0x53: {  	s3 =	rddreg [dreg:$0x2];
	[bflag:$0x3] =	sbarrier.arrive $0xFFFF;
	s2 =	simm.s32 @!p0 $0x1C03  }
0x54: {  	[timem:s3], [sflag:s2] =	dma.local @!p0 [hbm:s0], s1  }
0x55: {  	s0 =	simm.s32 @!p0 $0x3  }
0x56: {  	_ =	swait.ge @!p0 [sflag:s0], s1  }
0x57: {  	s1 =	ssub.s32 @!p0 $0x0, s1;
	[sflag:s0] =	ssyncset.done @!p0 $0x0  }
0x58: {  	[sflag:s0] =	ssyncadd.s32 @!p0 s1  }
0x59: {  	[bflag:$0x3] =	sbarrier.arrive $0xFFFF  }
0x5a: {  	_ =	shalt  }

// kernel: kernel.23.cloned.1.call-start
scs
__scs_entry_jumppad:
0x0: {  	(pc) =	sbr.rel $0x88, $3  }
0x1: {  	(tag) =	ssettag $0x0;
	lr =	simm.s32 $0x1  }
0x2: {  	[smem:$0x3F77] =	sst lr;
	_ =	strace $0xD0000000  }
0x3: {  	_ = 	snop  }
0x4: {  	_ = 	snop  }
0x5: {  	_ = 	snop  }
0x6: {  	_ = 	snop  }
0x7: {  	_ = 	snop  }
__scs_overlays_trampoline_lowered:
0x8: {  	[smem:$0x3F86] =	sst s0  }
0x9: {  	[smem:$0x3F87] =	sst s1  }
0xa: {  	[smem:$0x3F88] =	sst s2  }
0xb: {  	[smem:$0x3F89] =	sst s3  }
0xc: {  	[smem:$0x3F8A] =	sst s4  }
0xd: {  	[smem:$0x3F8B] =	sst s5  }
0xe: {  	[smem:$0x3F8C] =	sst s6  }
0xf: {  	[smem:$0x3F8D] =	sst s7  }
0x10: {  	[smem:$0x3F8E] =	sst s8  }
0x11: {  	[smem:$0x3F8F] =	sst s9;
	s0 =	simm.s32 @!p0 $0x0  }
0x12: {  	s1 =	sld [smem:$0x3F75];
	s0 =	simm.s32 @p0 $0x1  }
0x13: {  	[smem:$0x3F90] =	sst s0;
	s0 =	simm.s32 @!p1 $0x0  }
0x14: {  	s2 =	sld [smem:$0x3F74];
	s0 =	simm.s32 @p1 $0x1  }
0x15: {  	[smem:$0x3F91] =	sst s0;
	s0 =	simm.s32 @!p2 $0x0  }
0x16: {  	s3 =	sld [smem:$0x3FDB];
	s0 =	simm.s32 @p2 $0x1  }
0x17: {  	s4 =	simm.s32 $0x1BF5;
	[smem:$0x3F93] =	sst s0  }
0x18: {  	s0 =	sld [smem:$0x3F76];
	_ =	swait.ge [sflag:s4], $0x0  }
0x19: {  	s7 =	sld [smem:$0x3F77]  }
0x1a: {  	s8 =	sadd.s32 $0xFFFFE003, lr  }
0x1b: {  	s9 =	sadd.s32 $0xFFFFFEF7, lr;
	s5 =	simm.s32 $0xFFFFFFFF;
	p2 =	slt.u32 s8, $0xFFFFF086  }
0x1c: {  	p1 =	slt.u32 s9, $0xF7A;
	s5 =	simm.s32 @!p2 $0x0  }
0x1d: {  	s5 =	simm.s32 @p1 $0x1;
	p0 =	seq.s32 s7, s2  }
0x1e: {  	s7 =	smul.u32 @!p0 $0xF7A, s2;
	p2 =	seq.s32 @!p0 s5, $0x0  }
0x1f: {  	s9 =	smul.u32 $0xF7A, s1;
	s8 =	simm.s32 @!p0 $0x1BF5;
	p2 =	por !p2, p0  }
0x20: {  	[sflag:s8] =	ssyncset.s32 @!p0 $0xFFFFF086;
	s6 =	sadd.s32 @!p0 s3, s7;
	s7 =	simm.s32 @!p0 $0x108  }
0x21: {  	s3 =	sadd.s32 s3, s9;
	s6 =	sadd.s32 @!p0 $0x88, s6;
	s7 =	simm.s32 @p2 $0x1082  }
0x22: {  	[simem:s7], [sflag:s8] =	dma.local @!p0 [hbm:s6], $0xF7A  }
0x23: {  	s9 =	sor.u32 $0xD0000000, s2;
	s6 =	simm.s32 $0x108;
	_ =	swait.ge @!p0 [sflag:s8], $0x0  }
0x24: {  	s3 =	sadd.s32 $0x88, s3;
	s6 =	simm.s32 @!p1 $0x1082;
	[sflag:s4] =	ssyncset.s32 $0xFFFFF086  }
0x25: {  	[simem:s6], [sflag:s4] =	dma.local [hbm:s3], $0xF7A  }
0x26: {  	[smem:$0x3F77] =	sst s1;
	(tag) =	ssettag s2;
	_ =	strace s9  }
0x27: {  	s1 =	sld [smem:$0x3F87]  }
0x28: {  	s2 =	sld [smem:$0x3F88]  }
0x29: {  	s4 =	sld [smem:$0x3F8A]  }
0x2a: {  	p0 =	seq.s32 s5, $0x0;
	s5 =	sld [smem:$0x3F8B]  }
0x2b: {  	s6 =	sld [smem:$0x3F8C]  }
0x2c: {  	s7 =	sld [smem:$0x3F8D]  }
0x2d: {  	s3 =	simm.s32 $0x108;
	s8 =	sld [smem:$0x3F8E]  }
0x2e: {  	s3 =	simm.s32 @!p0 $0x1082;
	s9 =	sld [smem:$0x3F8F]  }
0x2f: {  	lr =	sadd.s32 s0, s3;
	s0 =	sld [smem:$0x3F86]  }
0x30: {  	s3 =	sld [smem:$0x3F89]  }
0x31: {  	[smem:$0x3F92] =	sst s10  }
0x32: {  	s10 =	sld [smem:$0x3F90];
	_ =	sdelay $0x3  }
0x33: {  	p0 =	seq.s32 s10, $0x1;
	s10 =	sld [smem:$0x3F92];
	_ =	sdelay $0x3  }
0x34: {  	[smem:$0x3F92] =	sst s10  }
0x35: {  	s10 =	sld [smem:$0x3F91];
	_ =	sdelay $0x3  }
0x36: {  	p1 =	seq.s32 s10, $0x1;
	s10 =	sld [smem:$0x3F92];
	_ =	sdelay $0x3  }
0x37: {  	[smem:$0x3F92] =	sst s10  }
0x38: {  	s10 =	sld [smem:$0x3F93]  }
0x39: {  	_ = 	snop;
	(pc) =	sbr.ind lr, $3  }
0x3a: {  	_ = 	snop  }
0x3b: {  	_ = 	snop  }
0x3c: {  	p2 =	seq.s32 s10, $0x1;
	s10 =	sld [smem:$0x3F92]  }
0x3d: {  	_ =	shalt  }
0x3e: {  	_ =	shalt  }
0x3f: {  	_ =	shalt  }
0x40: {  	_ =	shalt  }
0x41: {  	_ =	shalt  }
0x42: {  	_ =	shalt  }
0x43: {  	_ =	shalt  }
0x44: {  	_ =	shalt  }
0x45: {  	_ =	shalt  }
0x46: {  	_ =	shalt  }
0x47: {  	_ =	shalt  }
0x48: {  	_ =	shalt  }
0x49: {  	_ =	shalt  }
0x4a: {  	_ =	shalt  }
0x4b: {  	_ =	shalt  }
0x4c: {  	_ =	shalt  }
0x4d: {  	_ =	shalt  }
0x4e: {  	_ =	shalt  }
0x4f: {  	_ =	shalt  }
0x50: {  	_ =	shalt  }
0x51: {  	_ =	shalt  }
0x52: {  	_ =	shalt  }
0x53: {  	_ =	shalt  }
0x54: {  	_ =	shalt  }
0x55: {  	_ =	shalt  }
0x56: {  	_ =	shalt  }
0x57: {  	_ =	shalt  }
0x58: {  	_ =	shalt  }
0x59: {  	_ =	shalt  }
0x5a: {  	_ =	shalt  }
0x5b: {  	_ =	shalt  }
0x5c: {  	_ =	shalt  }
0x5d: {  	_ =	shalt  }
0x5e: {  	_ =	shalt  }
0x5f: {  	_ =	shalt  }
0x60: {  	_ =	shalt  }
0x61: {  	_ =	shalt  }
0x62: {  	_ =	shalt  }
0x63: {  	_ =	shalt  }
0x64: {  	_ =	shalt  }
0x65: {  	_ =	shalt  }
0x66: {  	_ =	shalt  }
0x67: {  	_ =	shalt  }
0x68: {  	_ =	shalt  }
0x69: {  	_ =	shalt  }
0x6a: {  	_ =	shalt  }
0x6b: {  	_ =	shalt  }
0x6c: {  	_ =	shalt  }
0x6d: {  	_ =	shalt  }
0x6e: {  	_ =	shalt  }
0x6f: {  	_ =	shalt  }
0x70: {  	_ =	shalt  }
0x71: {  	_ =	shalt  }
0x72: {  	_ =	shalt  }
0x73: {  	_ =	shalt  }
0x74: {  	_ =	shalt  }
0x75: {  	_ =	shalt  }
0x76: {  	_ =	shalt  }
0x77: {  	_ =	shalt  }
0x78: {  	_ =	shalt  }
0x79: {  	_ =	shalt  }
0x7a: {  	_ =	shalt  }
0x7b: {  	_ =	shalt  }
0x7c: {  	_ =	shalt  }
0x7d: {  	_ =	shalt  }
0x7e: {  	_ =	shalt  }
0x7f: {  	_ =	shalt  }
0x80: {  	_ =	shalt  }
0x81: {  	_ =	shalt  }
0x82: {  	_ =	shalt  }
0x83: {  	_ =	shalt  }
0x84: {  	_ =	shalt  }
0x85: {  	_ =	shalt  }
0x86: {  	_ =	shalt  }
0x87: {  	_ =	shalt  }
.Lfunc_end0:
.L_simem_size_0:
called_computation.3_lowered:
.L_overlay_start_0:
0x88: {  	s2 =	sld [smem:$0x3FD9]  }
0x89: {  	s3 =	sld [smem:$0x3FFE];
	_ =	sdelay $0x1  }
0x8a: {  	s1 =	srdreg.scid  }
0x8b: {  	s0 =	sand.u32 $0x1, s1  }
0x8c: {  	s16 =	sshll.u32 s0, $0xA;
	s2 =	sadd.s32 s3, s2  }
0x8d: {  	s2 =	sadd.s32 s2, s16  }
0x8e: {  	[smem:$0x3F9E] =	sst s2  }
0x8f: {  	_ = 	snop  }
0x90: {  	(tm) =	ssettm $0x1  }
0x91: {  	s17 =	sld [smem:$0x3FFB];
	_ =	sdelay $0x3  }
0x92: {  	_ =	strace s17  }
0x93: {  	s2 =	sld [smem:$0x3FFC];
	_ =	sdelay $0x3  }
0x94: {  	_ =	strace s2  }
0x95: {  	s2 =	sld [smem:$0x3FFD];
	_ =	sdelay $0x3  }
0x96: {  	_ =	strace s2  }
0x97: {  	_ =	strace $0x8FFFFFFF  }
0x98: {  	s18 =	sld [smem:$0x3FDB];
	_ =	sdelay $0x1  }
0x99: {  	s19 =	simm.s32 $_scs_section_size  }
0x9a: {  	s4 =	simm.s32 $_size__tile_overlayer_lowered;
	s5 =	simm.s32 $_tile_overlayer_lowered  }
0x9b: {  	s22 =	simm.s32 $0x1BFF;
	s21 =	sshll.u32 s5, $0x1;
	s2 =	sadd.s32 s19, s18  }
0x9c: {  	s6 =	simm.s32 $0x0;
	s20 =	sshll.u32 s4, $0x1;
	s4 =	sadd.s32 s21, s2  }
0x9d: {  	[timem:s6], [sflag:s22] =	dma.local [hbm:s4], s20  }
0x9e: {  	_ =	swait.ge [sflag:s22], s20  }
0x9f: {  	s3 =	ssub.s32 $0x0, s20;
	[sflag:s22] =	ssyncset.done $0x0  }
0xa0: {  	[sflag:s22] =	ssyncadd.s32 s3;
	_ =	sdelay $0x1  }
0xa1: {  	s23 =	simm.s32 $0x1B8B  }
0xa2: {  	_ =	swait.ge [sflag:s23], $0x1  }
0xa3: {  	[sflag:s23] =	ssyncset.done $0x0  }
0xa4: {  	s25 =	simm.s32 $0x1B8E;
	s24 =	sld [smem:$0x3FFE];
	[sflag:s23] =	ssyncadd.s32 $0xFFFFFFFF  }
0xa5: {  	s26 =	simm.s32 $execute0_lowered;
	[smem:$0x3FD2] =	sst s25  }
0xa6: {  	s4 =	sshll.u32 s26, $0x1;
	_ =	strace $0x8000004F;
	[dreg:$0x1] =	wrdreg $0xFFFFFFFF  }
0xa7: {  	s28 =	simm.s32 $_size_execute0_lowered;
	s2 =	sadd.s32 s2, s4;
	[dreg:$0x0] =	wrdreg $0x0  }
0xa8: {  	s4 =	sshll.u32 s28, $0x1;
	[dreg:$0x2] =	wrdreg s2  }
0xa9: {  	[dreg:$0x3] =	wrdreg s4  }
0xaa: {  	[dreg:$0x4] =	wrdreg $0xC0  }
0xab: {  	_ =	task [dreg:s6], $0x5FFFF  }
0xac: {  	[dreg:$0x1] =	wrdreg $0xFFFFFFFF  }
0xad: {  	[dreg:$0x0] =	wrdreg $0x60  }
0xae: {  	[dreg:$0x2] =	wrdreg s24  }
0xaf: {  	[dreg:$0x3] =	wrdreg $0xFDE80  }
0xb0: {  	[dreg:$0x4] =	wrdreg $0x9  }
0xb1: {  	_ =	task.clear_ibuf [dreg:s6], $0x5FFFF;
	_ =	strace $0x9000004F  }
0xb2: {  	s29 =	simm.s32 $0x9;
	_ =	strace $0x80000051  }
0xb3: {  	_ =	swait.ge [sflag:s29], $0x1  }
0xb4: {  	[sflag:s29] =	ssyncadd.s32 $0xFFFFFFFF  }
0xb5: {  	_ =	strace $0x90000051  }
0xb6: {  	_ =	sfence  }
0xb7: {  	s30 =	sld [smem:$0x0];
	_ =	sdelay $0x2  }
0xb8: {  	s31 =	sshll.u32 s1, $0xD;
	s1 =	sshrl.u32 s1, $0x2  }
0xb9: {  	s3 =	sand.u32 $0x4000, s31;
	s1 =	sadd.s32 s1, s30  }
0xba: {  	s0 =	sor.u32 s3, s0;
	s1 =	sshll.u32 s1, $0x11  }
0xbb: {  	s0 =	sor.u32 s1, s0  }
0xbc: {  	s0 =	sadd.s32 $0x8F2B, s0  }
0xbd: {  	[sflag:s0] =	ssyncadd.remote.s32 $0x1  }
0xbe: {  	_ =	sfence.sel $0xFFFF  }
0xbf: {  	[dreg:$0x0] =	wrdreg $0xFFFFFFFF;
	(pc) =	sbr.abs _section_cstart, $3  }
0xc0: {  	[dreg:$0x1] =	wrdreg $0xFFFFFFFF  }
0xc1: {  	_ =	task.clear_ibuf [dreg:s6], $0x2FFFF;
	_ =	strace $0x9FFFFFFF  }
0xc2: {  	(tm) =	ssettm $0x7FFFFFFF  }
0xc3: {  	_ =	shalt  }
tec
execute0_lowered:
.L_overlay_start_1:
0x0: {  	(tag) =	ssettag $0x1  }
0x1: {  	s0 =	stileid.u32  }
0x2: {  	s1 =	srdreg.scid;
	s4 =	rddreg [dreg:$0x0]  }
0x3: {  	s2 =	rddreg [dreg:$0x1];
	s5 =	smul.u32 $0x27100, s0  }
0x4: {  	s3 =	simm.s32 $0x0;
	s13 =	simm.s32 $0x0;
	s8 =	smul.u32 $0x4E20, s0  }
0x5: {  	s6 =	sand.u32 $0x1, s1;
	s1 =	rddreg [dreg:$0x2];
	s9 =	smul.u32 $0x271, s0  }
0x6: {  	[smem:$0x7FF] =	sst s3;
	s28 =	sshll.u32 s0, $0x6;
	s7 =	smul.u32 $0x2710, s6  }
0x7: {  	_ =	strace $0x80000050;
	s24 =	ssub.s32 $0x2, s6;
	s29 =	smul.u32 $0x13880, s6  }
0x8: {  	s10 =	sadd.s32 s5, s4;
	s11 =	sshrl.u32 s24, $0x1;
	s26 =	sshrl.u32 s5, $0x2  }
0x9: {  	s5 =	sor.u32 $0x1C01, s28;
	s8 =	sadd.s32 s7, s8;
	s7 =	sadd.s32 s9, s7  }
0xa: {  	s25 =	ssub.s32 s24, s11;
	s30 =	sadd.s32 s26, s2;
	s31 =	sadd.s32 s29, s10  }
0xb: {  	s11 =	simm.s32 $0x1;
	s8 =	sshrl.u32 s8, $0x3;
	s7 =	sshll.u32 s7, $0x3  }
0xc: {  	s10 =	sshrl.u32 s30, $0x3;
	s12 =	sadd.s32 s8, s4;
	s7 =	sadd.s32 s7, s4  }
0xd: {  	s8 =	sadd.s32 $0x7CD600, s31;
	s4 =	sadd.s32 $0x35600, s7;
	s6 =	sadd.s32 $0x70600, s7  }
0xe: {  	s7 =	smax.u32 s25, $0x1;
	s9 =	sadd.s32 $0x66800, s12;
	s12 =	simm.s32 $0x3E8  }
.LBB2_1:
0xf: {  	[spmem:s10], [sflag:s5] =	dma.local [hbm:s4], $0x1388  }
0x10: {  	_ =	swait.ge [sflag:s11], $0x1388  }
0x11: {  	[sflag:s11] =	ssyncset.done $0x0  }
0x12: {  	[sflag:s11] =	ssyncadd.s32 $0xFFFFEC78  }
0x13: {  	s14 =	sadd.s32 $0x0, s9;
	[bflag:$0x0] =	sbarrier.arrive $0xFFFF  }
0x14: {  	[tilespmem:s3], [sflag:$0x1] =	stream.linear.gather [hbm4b:s14+s3], $0x3E8, $0x38;
	[tilespmem:$0x19A28] =	vst v63  }
0x15: {  	_ =	swait.ge [sflag:s11], $0x3E8  }
0x16: {  	[sflag:s11] =	ssyncset.done $0x0  }
0x17: {  	[sflag:s11] =	ssyncadd.s32 $0xFFFFFC18  }
0x18: {  	[tilespmem:s12], [sflag:$0x1] =	stream.linear.gather [hbm4b:s8+s3], $0xFA00, $0x38;
	[tilespmem:$0x19A28] =	vst v63  }
0x19: {  	_ =	swait.ge [sflag:s11], $0xFA00  }
0x1a: {  	[sflag:s11] =	ssyncset.done $0x0  }
0x1b: {  	[sflag:s11] =	ssyncadd.s32 $0xFFFF0600  }
0x1c: {  	[spmem:s2] =	stream.indirect.scatter.add.f32 [tilespmem:s12], [sflag:$0x1], $0x40, s3, s12, $0xb8;
	[tilespmem:$0x19A28] =	vst v63  }
0x1d: {  	s15 =	simm.s32 $0x7D;
	_ =	swait.ge [sflag:s11], $0xFA00  }
0x1e: {  	s16 =	simm.s32 $0xFA;
	s14 =	sadd.s32 $0x1F40, s8;
	[sflag:s11] =	ssyncset.done $0x0  }
.LBB2_2:
0x1f: {  	s17 =	sadd.s32 s15, s9  }
0x20: {  	[sflag:s11] =	ssyncadd.s32 $0xFFFF0600;
	s15 =	smov.u32 s16;
	s18 =	sadd.s32 $0x7D, s16  }
0x21: {  	[tilespmem:s3], [sflag:$0x1] =	stream.linear.gather [hbm4b:s17+s3], $0x3E8, $0x38;
	[tilespmem:$0x19A28] =	vst v63  }
0x22: {  	p0 =	sne.s32 s16, $0x465;
	_ =	swait.ge [sflag:s11], $0x3E8  }
0x23: {  	[sflag:s11] =	ssyncset.done $0x0  }
0x24: {  	[sflag:s11] =	ssyncadd.s32 $0xFFFFFC18  }
0x25: {  	[tilespmem:s12], [sflag:$0x1] =	stream.linear.gather [hbm4b:s14+s3], $0xFA00, $0x38;
	[tilespmem:$0x19A28] =	vst v63  }
0x26: {  	_ =	swait.ge [sflag:s11], $0xFA00  }
.Ltmp0:
0x27: {  	[sflag:s11] =	ssyncset.done $0x0;
	(pc) =	sbr.rel @p0 .LBB2_2-.Ltmp0, $4  }
0x28: {  	[sflag:s11] =	ssyncadd.s32 $0xFFFF0600  }
0x29: {  	[spmem:s2] =	stream.indirect.scatter.add.f32 [tilespmem:s12], [sflag:$0x1], $0x40, s3, s12, $0xb8;
	[tilespmem:$0x19A28] =	vst v63  }
0x2a: {  	_ =	swait.ge [sflag:s11], $0xFA00  }
0x2b: {  	s16 =	smov.u32 s18;
	s14 =	sadd.s32 $0x1F40, s14;
	[sflag:s11] =	ssyncset.done $0x0  }
0x2c: {  	s15 =	sadd.s32 s15, s9;
	[sflag:s11] =	ssyncadd.s32 $0xFFFF0600  }
0x2d: {  	[tilespmem:s3], [sflag:$0x1] =	stream.linear.gather [hbm4b:s15+s3], $0x3E8, $0x38;
	[tilespmem:$0x19A28] =	vst v63  }
0x2e: {  	_ =	swait.ge [sflag:s11], $0x3E8  }
0x2f: {  	[sflag:s11] =	ssyncset.done $0x0  }
0x30: {  	[sflag:s11] =	ssyncadd.s32 $0xFFFFFC18  }
0x31: {  	[tilespmem:s12], [sflag:$0x1] =	stream.linear.gather [hbm4b:s14+s3], $0xFA00, $0x38;
	[tilespmem:$0x19A28] =	vst v63  }
0x32: {  	_ =	swait.ge [sflag:s11], $0xFA00  }
0x33: {  	[sflag:s11] =	ssyncset.done $0x0  }
0x34: {  	[sflag:s11] =	ssyncadd.s32 $0xFFFF0600  }
0x35: {  	[spmem:s2] =	stream.indirect.scatter.add.f32 [tilespmem:s12], [sflag:$0x1], $0x40, s3, s12, $0xb8;
	[tilespmem:$0x19A28] =	vst v63  }
0x36: {  	_ =	swait.ge [sflag:s11], $0xFA00  }
0x37: {  	s13 =	sadd.s32 $0x1, s13;
	[sflag:s11] =	ssyncset.done $0x0  }
0x38: {  	p0 =	sne.s32 s13, s7;
	[sflag:s11] =	ssyncadd.s32 $0xFFFF0600  }
.Ltmp1:
0x39: {  	[bflag:$0x0] =	sbarrier.arrive $0xFFFF;
	(pc) =	sbr.rel @p0 .LBB2_1-.Ltmp1, $4  }
0x3a: {  	[hbm:s6], [sflag:s5] =	dma.local [spmem:s10], $0x1388  }
0x3b: {  	_ =	swait.ge [sflag:s11], $0x1388  }
0x3c: {  	[sflag:s11] =	ssyncset.done $0x0  }
0x3d: {  	[sflag:s11] =	ssyncadd.s32 $0xFFFFEC78  }
0x3e: {  	_ =	sfence.sel $0x180000  }
0x3f: {  	[bflag:$0x0] =	sbarrier.arrive $0xFFFF  }
0x40: {  	p0 =	sne.s32 s0, $0x0;
	_ =	strace $0x90000050  }
0x41: {  	s0 =	sadd.s32 @!p0 $0x100000, s1;
	[bflag:$0x2] =	sbarrier.arrive $0xFFFF  }
0x42: {  	[sflag:s0] =	ssyncadd.tile.s32 @!p0 $0x1;
	_ =	shalt  }
.Lfunc_end2:
_tile_overlayer_lowered:
.L_overlay_start_2:
0x43: {  	(tag) =	ssettag $0x2  }
0x44: {  	s0 =	rddreg [dreg:$0x0];
	s2 =	stileid.u32  }
0x45: {  	s1 =	rddreg [dreg:$0x1];
	p0 =	sne.s32 s2, $0x0  }
0x46: {  	s3 =	rddreg [dreg:$0x2];
	[bflag:$0x3] =	sbarrier.arrive $0xFFFF;
	s2 =	simm.s32 @!p0 $0x1C01  }
0x47: {  	[timem:s3], [sflag:s2] =	dma.local @!p0 [hbm:s0], s1  }
0x48: {  	s0 =	simm.s32 @!p0 $0x1  }
0x49: {  	_ =	swait.ge @!p0 [sflag:s0], s1  }
0x4a: {  	s1 =	ssub.s32 @!p0 $0x0, s1;
	[sflag:s0] =	ssyncset.done @!p0 $0x0  }
0x4b: {  	[sflag:s0] =	ssyncadd.s32 @!p0 s1  }
0x4c: {  	[bflag:$0x3] =	sbarrier.arrive $0xFFFF  }
0x4d: {  	_ =	shalt  }

</sc_bundles>
